<compile_context>
chip_gen: v7x
topology: tpu7x:2x2x1
jax: 0.10.2.dev20260603
libtpu: 0.0.44.dev20260713+nightly
codegen_flags: <defaults>
</compile_context>

<pallas_src>
import functools

import jax
import jax.numpy as jnp
from jax import lax
from jax.experimental import pallas as pl
from jax.experimental.pallas import tpu as pltpu
from jax.experimental.pallas import tpu_sc as plsc

B, N, D = 16, 4096, 256
L = 16
NC, NS = 2, 16
NW = NC * NS
HW = 128
G = HW // L
SC_B = 4
TC_B = B - SC_B

_INV_N = 1.0 / N
_INV_NM1 = 1.0 / (N - 1)


def _sqrt16(v):
    i = lax.bitcast_convert_type(v, jnp.int32)
    i = jnp.int32(0x5F3759DF) - (i >> 1)
    y = lax.bitcast_convert_type(i, jnp.float32)
    half_v = v * jnp.float32(0.5)
    for _ in range(3):
        y = y * (jnp.float32(1.5) - half_v * y * y)
    s = v * y
    return jnp.where(v > jnp.float32(0.0), s, jnp.float32(0.0))


def _make_sc_pool(nb, first_b):
    rq = NS * NC // (2 * nb)
    rpw = N // rq
    ch = min(rpw, 256)
    nchunk = rpw // ch
    nb_core = nb // NC

    mesh = plsc.VectorSubcoreMesh(core_axis_name="c", subcore_axis_name="s")

    @functools.partial(
        pl.kernel,
        mesh=mesh,
        out_type=jax.ShapeDtypeStruct((nb, 4, D), jnp.float32),
        scratch_types=[
            pltpu.VMEM((2, ch, HW), jnp.float32),
            pltpu.VMEM((4, HW), jnp.float32),
            pltpu.VMEM((rq, 4, HW), jnp.float32),
            pltpu.VMEM_SHARED((NS, 4, HW), jnp.float32),
            pltpu.SemaphoreType.DMA,
            pltpu.SemaphoreType.DMA,
        ],
    )
    def sc_pool(x_hbm, out_hbm, buf, res, comb, shared, sem0, sem1):
        c = lax.axis_index("c")
        s = lax.axis_index("s")
        b_loc = s // (2 * rq)
        rem = s % (2 * rq)
        half = rem // rq
        q = rem % rq
        b = first_b + c * nb_core + b_loc
        h = half * HW
        r0 = q * rpw
        sems = (sem0, sem1)

        def _src(ci):
            return x_hbm.at[b, pl.ds(r0 + ci * ch, ch), pl.ds(h, HW)]

        pltpu.async_copy(_src(0), buf.at[0], sems[0])

        accs = []
        for _ in range(G):
            accs += [
                jnp.full((L,), -jnp.inf, jnp.float32),
                jnp.full((L,), jnp.inf, jnp.float32),
                jnp.zeros((L,), jnp.float32),
                jnp.zeros((L,), jnp.float32),
            ]
        accs = tuple(accs)

        for ci in range(nchunk):
            slot = ci % 2
            if ci + 1 < nchunk:
                pltpu.async_copy(_src(ci + 1), buf.at[1 - slot], sems[1 - slot])
            pltpu.make_async_copy(_src(ci), buf.at[slot], sems[slot]).wait()
            vbuf = buf.at[slot]

            def body(r, a, vbuf=vbuf):
                out = []
                for g in range(G):
                    v = vbuf[r, pl.ds(g * L, L)]
                    mx, mn, sm, sq = a[4 * g : 4 * g + 4]
                    out += [jnp.maximum(mx, v), jnp.minimum(mn, v),
                            sm + v, sq + v * v]
                return tuple(out)

            accs = plsc.parallel_loop(0, ch, carry=accs, unroll=8)(body)

        for g in range(G):
            mx, mn, sm, sq = accs[4 * g : 4 * g + 4]
            sl = pl.ds(g * L, L)
            res[0, sl] = mx
            res[1, sl] = mn
            res[2, sl] = sm
            res[3, sl] = sq
        pltpu.sync_copy(res, shared.at[s])
        plsc.subcore_barrier()

        @pl.when(q == 0)
        def _():
            pltpu.sync_copy(shared.at[pl.ds(s, rq)], comb)
            for g in range(G):
                sl = pl.ds(g * L, L)
                mx = comb[0, 0, sl]
                mn = comb[0, 1, sl]
                sm = comb[0, 2, sl]
                sq = comb[0, 3, sl]
                for j in range(1, rq):
                    mx = jnp.maximum(mx, comb[j, 0, sl])
                    mn = jnp.minimum(mn, comb[j, 1, sl])
                    sm = sm + comb[j, 2, sl]
                    sq = sq + comb[j, 3, sl]
                mean = sm * jnp.float32(_INV_N)
                var = (sq - sm * mean) * jnp.float32(_INV_NM1)
                std = _sqrt16(jnp.maximum(var, jnp.float32(0.0)))
                res[0, sl] = mx
                res[1, sl] = mn
                res[2, sl] = mean
                res[3, sl] = std
            pltpu.sync_copy(res, out_hbm.at[b - first_b, :, pl.ds(h, HW)])

    return sc_pool


def _tc_body(x_ref, o_ref):
    xb = x_ref[...]
    mx = jnp.max(xb, axis=0)
    mn = jnp.min(xb, axis=0)
    ones = jnp.ones((1, N), jnp.float32)
    sm = jnp.dot(ones, xb, preferred_element_type=jnp.float32)[0]
    sq = jnp.dot(ones, xb * xb, preferred_element_type=jnp.float32)[0]
    mean = sm * jnp.float32(_INV_N)
    var = (sq - sm * mean) * jnp.float32(_INV_NM1)
    std = jnp.sqrt(jnp.maximum(var, jnp.float32(0.0)))
    o_ref[...] = jnp.stack([mx, mn, mean, std], axis=0)


def _make_tc_pool(nb):
    return pl.pallas_call(
        _tc_body,
        grid=(nb,),
        in_specs=[pl.BlockSpec((None, N, D), lambda i: (i, 0, 0))],
        out_specs=pl.BlockSpec((None, 4, D), lambda i: (i, 0, 0)),
        out_shape=jax.ShapeDtypeStruct((nb, 4, D), jnp.float32),
    )


_sc_pool = _make_sc_pool(SC_B, TC_B) if SC_B else None
_tc_pool = _make_tc_pool(TC_B) if TC_B else None


def kernel(x):
    parts = []
    if TC_B:
        parts.append(_tc_pool(x))
    if SC_B:
        parts.append(_sc_pool(x))
    return parts[0] if len(parts) == 1 else jnp.concatenate(parts, axis=0)

# --- scband reference (transcript-rebuilt; emitter-appended) ---
"""Pipeline reference for scband-functionals-pooling-layer-11596411699464 (READ-ONLY COPY).

The authoritative reference and input builder live on the scoring server;
editing this copy changes nothing except your own understanding.
"""

import jax, jax.numpy as jnp
import numpy as np


def setup_inputs(seed: int = 0) -> dict:
    key = jax.random.key(seed)
    x = jax.random.normal(key, (16, 4096, 256), dtype=jnp.float32)
    return {"x": x}


def reference(x):
    # FunctionalsPoolingLayer with pooling_ops=(max, min, mean, std), mean_group_size=None
    # -> _pool_batch: for each graph, stack [max, min, mean, std] over nodes -> [B, 4, d]
    mx = jnp.max(x, axis=1)
    mn = jnp.min(x, axis=1)
    mean = jnp.mean(x, axis=1)
    # torch.std default uses Bessel's correction (ddof=1)
    std = jnp.std(x, axis=1, ddof=1)
    return jnp.stack([mx, mn, mean, std], axis=1)

if __name__ == "__main__":
    import jax
    _d = setup_inputs()
    print(jax.jit(kernel)(*tuple(_d.values())))

</pallas_src>

<mosaic_0001>
#map = affine_map<(d0, d1) -> (0, 0, 0)>
module attributes {stable_mosaic.version = 14 : i64} {
  func.func @sc_pool(%arg0: i32, %arg1: i32, %arg2: memref<16x4096x256xf32, #tpu.memory_space<hbm>>, %arg3: memref<4x4x256xf32, #tpu.memory_space<hbm>>, %arg4: memref<2x256x128xf32, #tpu.memory_space<vmem>>, %arg5: memref<4x128xf32, #tpu.memory_space<vmem>>, %arg6: memref<4x4x128xf32, #tpu.memory_space<vmem>>, %arg7: memref<16x4x128xf32, #tpu.memory_space<vmem_shared>>, %arg8: memref<!tpu.dma_semaphore, #tpu.memory_space<semaphore_mem>>, %arg9: memref<!tpu.dma_semaphore, #tpu.memory_space<semaphore_mem>>) attributes {dimension_semantics = [#tpu.dimension_semantics<core_parallel>, #tpu.dimension_semantics<subcore_parallel>], iteration_bounds = array<i64: 2, 16>, scalar_prefetch = 0 : i64, scratch_operands = 6 : i64, tpu.core_type = #tpu.core_type<sc_vector_subcore>, window_params = [{transform_indices = #map}, {transform_indices = #map}]} {
    %jit3A = arith.constant 8 : i32
    %div3A = arith.divsi %arg1, %jit3A : i32
    %sign3A = arith.constant 0 : i32
    %sign3A_0 = arith.cmpi sgt, %arg1, %sign3A : i32
    %sign3A_1 = arith.extui %sign3A_0 : i1 to i32
    %sign3A_2 = arith.constant 0 : i32
    %sign3A_3 = arith.cmpi slt, %arg1, %sign3A_2 : i32
    %sign3A_4 = arith.extui %sign3A_3 : i1 to i32
    %sign3A_5 = arith.subi %sign3A_1, %sign3A_4 : i32
    %sign3A_6 = arith.constant 0 : i32
    %sign3A_7 = arith.cmpi sgt, %jit3A, %sign3A_6 : i32
    %sign3A_8 = arith.extui %sign3A_7 : i1 to i32
    %sign3A_9 = arith.constant 0 : i32
    %sign3A_10 = arith.cmpi slt, %jit3A, %sign3A_9 : i32
    %sign3A_11 = arith.extui %sign3A_10 : i1 to i32
    %sign3A_12 = arith.subi %sign3A_8, %sign3A_11 : i32
    %ne3A = arith.cmpi ne, %sign3A_5, %sign3A_12 : i32
    %rem3A = arith.remsi %arg1, %jit3A : i32
    %ne3A_13 = arith.constant 0 : i32
    %ne3A_14 = arith.cmpi ne, %rem3A, %ne3A_13 : i32
    %and3A = arith.andi %ne3A, %ne3A_14 : i1
    %sub3A = arith.constant 1 : i32
    %sub3A_15 = arith.subi %div3A, %sub3A : i32
    %select_n3A = arith.select %and3A, %sub3A_15, %div3A : i32
    %jit3A_16 = arith.constant 8 : i32
    %eq3A = arith.constant 0 : i32
    %eq3A_17 = arith.cmpi eq, %jit3A_16, %eq3A : i32
    %jit3A_18 = arith.constant 1 : i32
    %select_n3A_19 = arith.select %eq3A_17, %jit3A_18, %jit3A_16 : i32
    %rem3A_20 = arith.remsi %arg1, %select_n3A_19 : i32
    %ne3A_21 = arith.constant 0 : i32
    %ne3A_22 = arith.cmpi ne, %rem3A_20, %ne3A_21 : i32
    %lt3A = arith.constant 0 : i32
    %lt3A_23 = arith.cmpi slt, %rem3A_20, %lt3A : i32
    %lt3A_24 = arith.constant 0 : i32
    %lt3A_25 = arith.cmpi slt, %select_n3A_19, %lt3A_24 : i32
    %ne3A_26 = arith.xori %lt3A_23, %lt3A_25 : i1
    %and3A_27 = arith.andi %ne3A_26, %ne3A_22 : i1
    %add3A = arith.addi %rem3A_20, %select_n3A_19 : i32
    %select_n3A_28 = arith.select %and3A_27, %add3A, %rem3A_20 : i32
    %jit3A_29 = arith.constant 4 : i32
    %div3A_30 = arith.divsi %select_n3A_28, %jit3A_29 : i32
    %sign3A_31 = arith.constant 0 : i32
    %sign3A_32 = arith.cmpi sgt, %select_n3A_28, %sign3A_31 : i32
    %sign3A_33 = arith.extui %sign3A_32 : i1 to i32
    %sign3A_34 = arith.constant 0 : i32
    %sign3A_35 = arith.cmpi slt, %select_n3A_28, %sign3A_34 : i32
    %sign3A_36 = arith.extui %sign3A_35 : i1 to i32
    %sign3A_37 = arith.subi %sign3A_33, %sign3A_36 : i32
    %sign3A_38 = arith.constant 0 : i32
    %sign3A_39 = arith.cmpi sgt, %jit3A_29, %sign3A_38 : i32
    %sign3A_40 = arith.extui %sign3A_39 : i1 to i32
    %sign3A_41 = arith.constant 0 : i32
    %sign3A_42 = arith.cmpi slt, %jit3A_29, %sign3A_41 : i32
    %sign3A_43 = arith.extui %sign3A_42 : i1 to i32
    %sign3A_44 = arith.subi %sign3A_40, %sign3A_43 : i32
    %ne3A_45 = arith.cmpi ne, %sign3A_37, %sign3A_44 : i32
    %rem3A_46 = arith.remsi %select_n3A_28, %jit3A_29 : i32
    %ne3A_47 = arith.constant 0 : i32
    %ne3A_48 = arith.cmpi ne, %rem3A_46, %ne3A_47 : i32
    %and3A_49 = arith.andi %ne3A_45, %ne3A_48 : i1
    %sub3A_50 = arith.constant 1 : i32
    %sub3A_51 = arith.subi %div3A_30, %sub3A_50 : i32
    %select_n3A_52 = arith.select %and3A_49, %sub3A_51, %div3A_30 : i32
    %jit3A_53 = arith.constant 4 : i32
    %eq3A_54 = arith.constant 0 : i32
    %eq3A_55 = arith.cmpi eq, %jit3A_53, %eq3A_54 : i32
    %jit3A_56 = arith.constant 1 : i32
    %select_n3A_57 = arith.select %eq3A_55, %jit3A_56, %jit3A_53 : i32
    %rem3A_58 = arith.remsi %select_n3A_28, %select_n3A_57 : i32
    %ne3A_59 = arith.constant 0 : i32
    %ne3A_60 = arith.cmpi ne, %rem3A_58, %ne3A_59 : i32
    %lt3A_61 = arith.constant 0 : i32
    %lt3A_62 = arith.cmpi slt, %rem3A_58, %lt3A_61 : i32
    %lt3A_63 = arith.constant 0 : i32
    %lt3A_64 = arith.cmpi slt, %select_n3A_57, %lt3A_63 : i32
    %ne3A_65 = arith.xori %lt3A_62, %lt3A_64 : i1
    %and3A_66 = arith.andi %ne3A_65, %ne3A_60 : i1
    %add3A_67 = arith.addi %rem3A_58, %select_n3A_57 : i32
    %select_n3A_68 = arith.select %and3A_66, %add3A_67, %rem3A_58 : i32
    %mul3A = arith.constant 2 : i32
    %mul3A_69 = arith.muli %arg0, %mul3A : i32
    %add3A_70 = arith.constant 12 : i32
    %add3A_71 = arith.addi %add3A_70, %mul3A_69 : i32
    %add3A_72 = arith.addi %add3A_71, %select_n3A : i32
    %mul3A_73 = arith.constant 128 : i32
    %mul3A_74 = arith.muli %select_n3A_52, %mul3A_73 : i32
    %mul3A_75 = arith.constant 1024 : i32
    %mul3A_76 = arith.muli %select_n3A_68, %mul3A_75 : i32
    %add3A_77 = arith.constant 0 : i32
    %add3A_78 = arith.addi %mul3A_76, %add3A_77 : i32
    %dma_start3A = arith.constant 0 : i32
    %dma_start3A_79 = arith.constant 0 : i32
    %dma_start3A_80 = arith.constant 0 : i32
    %dma_start3A_81 = tpu.memref_slice %arg4[%dma_start3A, %dma_start3A_79, %dma_start3A_80] : memref<2x256x128xf32, #tpu.memory_space<vmem>> -> memref<1x256x128xf32, #tpu.memory_space<vmem>>
    %dma_start3A_82 = tpu.memref_squeeze %dma_start3A_81 : memref<1x256x128xf32, #tpu.memory_space<vmem>> -> memref<256x128xf32, #tpu.memory_space<vmem>>
    %dma_start3A_83 = tpu.memref_slice %arg2[%add3A_72, %add3A_78, %mul3A_74] : memref<16x4096x256xf32, #tpu.memory_space<hbm>> -> memref<1x256x128xf32, #tpu.memory_space<hbm>>
    %dma_start3A_84 = tpu.memref_squeeze %dma_start3A_83 : memref<1x256x128xf32, #tpu.memory_space<hbm>> -> memref<256x128xf32, #tpu.memory_space<hbm>>
    %dma_start3A_85 = arith.constant 0 : i32
    %dma_start3A_86 = arith.constant 0 : i32
    %dma_start3A_87 = tpu.memref_slice %arg4[%dma_start3A, %dma_start3A_85, %dma_start3A_86] : memref<2x256x128xf32, #tpu.memory_space<vmem>> -> memref<1x256x128xf32, #tpu.memory_space<vmem>>
    %dma_start3A_88 = tpu.memref_squeeze %dma_start3A_87 : memref<1x256x128xf32, #tpu.memory_space<vmem>> -> memref<256x128xf32, #tpu.memory_space<vmem>>
    %dma_start3A_89 = tpu.memref_slice %arg2[%add3A_72, %add3A_78, %mul3A_74] : memref<16x4096x256xf32, #tpu.memory_space<hbm>> -> memref<1x256x128xf32, #tpu.memory_space<hbm>>
    %dma_start3A_90 = tpu.memref_squeeze %dma_start3A_89 : memref<1x256x128xf32, #tpu.memory_space<hbm>> -> memref<256x128xf32, #tpu.memory_space<hbm>>
    tpu.enqueue_dma source(%dma_start3A_90 : memref<256x128xf32, #tpu.memory_space<hbm>>) target(%dma_start3A_88 : memref<256x128xf32, #tpu.memory_space<vmem>>) target_semaphore(%arg8 : memref<!tpu.dma_semaphore, #tpu.memory_space<semaphore_mem>>)
    %broadcast_in_dim3A = arith.constant 0xFF800000 : f32
    %broadcast_in_dim3A_91 = vector.broadcast %broadcast_in_dim3A : f32 to vector<16xf32>
    %broadcast_in_dim3A_92 = arith.constant 0x7F800000 : f32
    %broadcast_in_dim3A_93 = vector.broadcast %broadcast_in_dim3A_92 : f32 to vector<16xf32>
    %broadcast_in_dim3A_94 = arith.constant 0.000000e+00 : f32
    %broadcast_in_dim3A_95 = vector.broadcast %broadcast_in_dim3A_94 : f32 to vector<16xf32>
    %broadcast_in_dim3A_96 = arith.constant 0.000000e+00 : f32
    %broadcast_in_dim3A_97 = vector.broadcast %broadcast_in_dim3A_96 : f32 to vector<16xf32>
    %broadcast_in_dim3A_98 = arith.constant 0xFF800000 : f32
    %broadcast_in_dim3A_99 = vector.broadcast %broadcast_in_dim3A_98 : f32 to vector<16xf32>
    %broadcast_in_dim3A_100 = arith.constant 0x7F800000 : f32
    %broadcast_in_dim3A_101 = vector.broadcast %broadcast_in_dim3A_100 : f32 to vector<16xf32>
    %broadcast_in_dim3A_102 = arith.constant 0.000000e+00 : f32
    %broadcast_in_dim3A_103 = vector.broadcast %broadcast_in_dim3A_102 : f32 to vector<16xf32>
    %broadcast_in_dim3A_104 = arith.constant 0.000000e+00 : f32
    %broadcast_in_dim3A_105 = vector.broadcast %broadcast_in_dim3A_104 : f32 to vector<16xf32>
    %broadcast_in_dim3A_106 = arith.constant 0xFF800000 : f32
    %broadcast_in_dim3A_107 = vector.broadcast %broadcast_in_dim3A_106 : f32 to vector<16xf32>
    %broadcast_in_dim3A_108 = arith.constant 0x7F800000 : f32
    %broadcast_in_dim3A_109 = vector.broadcast %broadcast_in_dim3A_108 : f32 to vector<16xf32>
    %broadcast_in_dim3A_110 = arith.constant 0.000000e+00 : f32
    %broadcast_in_dim3A_111 = vector.broadcast %broadcast_in_dim3A_110 : f32 to vector<16xf32>
    %broadcast_in_dim3A_112 = arith.constant 0.000000e+00 : f32
    %broadcast_in_dim3A_113 = vector.broadcast %broadcast_in_dim3A_112 : f32 to vector<16xf32>
    %broadcast_in_dim3A_114 = arith.constant 0xFF800000 : f32
    %broadcast_in_dim3A_115 = vector.broadcast %broadcast_in_dim3A_114 : f32 to vector<16xf32>
    %broadcast_in_dim3A_116 = arith.constant 0x7F800000 : f32
    %broadcast_in_dim3A_117 = vector.broadcast %broadcast_in_dim3A_116 : f32 to vector<16xf32>
    %broadcast_in_dim3A_118 = arith.constant 0.000000e+00 : f32
    %broadcast_in_dim3A_119 = vector.broadcast %broadcast_in_dim3A_118 : f32 to vector<16xf32>
    %broadcast_in_dim3A_120 = arith.constant 0.000000e+00 : f32
    %broadcast_in_dim3A_121 = vector.broadcast %broadcast_in_dim3A_120 : f32 to vector<16xf32>
    %broadcast_in_dim3A_122 = arith.constant 0xFF800000 : f32
    %broadcast_in_dim3A_123 = vector.broadcast %broadcast_in_dim3A_122 : f32 to vector<16xf32>
    %broadcast_in_dim3A_124 = arith.constant 0x7F800000 : f32
    %broadcast_in_dim3A_125 = vector.broadcast %broadcast_in_dim3A_124 : f32 to vector<16xf32>
    %broadcast_in_dim3A_126 = arith.constant 0.000000e+00 : f32
    %broadcast_in_dim3A_127 = vector.broadcast %broadcast_in_dim3A_126 : f32 to vector<16xf32>
    %broadcast_in_dim3A_128 = arith.constant 0.000000e+00 : f32
    %broadcast_in_dim3A_129 = vector.broadcast %broadcast_in_dim3A_128 : f32 to vector<16xf32>
    %broadcast_in_dim3A_130 = arith.constant 0xFF800000 : f32
    %broadcast_in_dim3A_131 = vector.broadcast %broadcast_in_dim3A_130 : f32 to vector<16xf32>
    %broadcast_in_dim3A_132 = arith.constant 0x7F800000 : f32
    %broadcast_in_dim3A_133 = vector.broadcast %broadcast_in_dim3A_132 : f32 to vector<16xf32>
    %broadcast_in_dim3A_134 = arith.constant 0.000000e+00 : f32
    %broadcast_in_dim3A_135 = vector.broadcast %broadcast_in_dim3A_134 : f32 to vector<16xf32>
    %broadcast_in_dim3A_136 = arith.constant 0.000000e+00 : f32
    %broadcast_in_dim3A_137 = vector.broadcast %broadcast_in_dim3A_136 : f32 to vector<16xf32>
    %broadcast_in_dim3A_138 = arith.constant 0xFF800000 : f32
    %broadcast_in_dim3A_139 = vector.broadcast %broadcast_in_dim3A_138 : f32 to vector<16xf32>
    %broadcast_in_dim3A_140 = arith.constant 0x7F800000 : f32
    %broadcast_in_dim3A_141 = vector.broadcast %broadcast_in_dim3A_140 : f32 to vector<16xf32>
    %broadcast_in_dim3A_142 = arith.constant 0.000000e+00 : f32
    %broadcast_in_dim3A_143 = vector.broadcast %broadcast_in_dim3A_142 : f32 to vector<16xf32>
    %broadcast_in_dim3A_144 = arith.constant 0.000000e+00 : f32
    %broadcast_in_dim3A_145 = vector.broadcast %broadcast_in_dim3A_144 : f32 to vector<16xf32>
    %broadcast_in_dim3A_146 = arith.constant 0xFF800000 : f32
    %broadcast_in_dim3A_147 = vector.broadcast %broadcast_in_dim3A_146 : f32 to vector<16xf32>
    %broadcast_in_dim3A_148 = arith.constant 0x7F800000 : f32
    %broadcast_in_dim3A_149 = vector.broadcast %broadcast_in_dim3A_148 : f32 to vector<16xf32>
    %broadcast_in_dim3A_150 = arith.constant 0.000000e+00 : f32
    %broadcast_in_dim3A_151 = vector.broadcast %broadcast_in_dim3A_150 : f32 to vector<16xf32>
    %broadcast_in_dim3A_152 = arith.constant 0.000000e+00 : f32
    %broadcast_in_dim3A_153 = vector.broadcast %broadcast_in_dim3A_152 : f32 to vector<16xf32>
    %add3A_154 = arith.constant 256 : i32
    %add3A_155 = arith.addi %mul3A_76, %add3A_154 : i32
    %dma_start3A_156 = arith.constant 1 : i32
    %dma_start3A_157 = arith.constant 0 : i32
    %dma_start3A_158 = arith.constant 0 : i32
    %dma_start3A_159 = tpu.memref_slice %arg4[%dma_start3A_156, %dma_start3A_157, %dma_start3A_158] : memref<2x256x128xf32, #tpu.memory_space<vmem>> -> memref<1x256x128xf32, #tpu.memory_space<vmem>>
    %dma_start3A_160 = tpu.memref_squeeze %dma_start3A_159 : memref<1x256x128xf32, #tpu.memory_space<vmem>> -> memref<256x128xf32, #tpu.memory_space<vmem>>
    %dma_start3A_161 = tpu.memref_slice %arg2[%add3A_72, %add3A_155, %mul3A_74] : memref<16x4096x256xf32, #tpu.memory_space<hbm>> -> memref<1x256x128xf32, #tpu.memory_space<hbm>>
    %dma_start3A_162 = tpu.memref_squeeze %dma_start3A_161 : memref<1x256x128xf32, #tpu.memory_space<hbm>> -> memref<256x128xf32, #tpu.memory_space<hbm>>
    %dma_start3A_163 = arith.constant 0 : i32
    %dma_start3A_164 = arith.constant 0 : i32
    %dma_start3A_165 = tpu.memref_slice %arg4[%dma_start3A_156, %dma_start3A_163, %dma_start3A_164] : memref<2x256x128xf32, #tpu.memory_space<vmem>> -> memref<1x256x128xf32, #tpu.memory_space<vmem>>
    %dma_start3A_166 = tpu.memref_squeeze %dma_start3A_165 : memref<1x256x128xf32, #tpu.memory_space<vmem>> -> memref<256x128xf32, #tpu.memory_space<vmem>>
    %dma_start3A_167 = tpu.memref_slice %arg2[%add3A_72, %add3A_155, %mul3A_74] : memref<16x4096x256xf32, #tpu.memory_space<hbm>> -> memref<1x256x128xf32, #tpu.memory_space<hbm>>
    %dma_start3A_168 = tpu.memref_squeeze %dma_start3A_167 : memref<1x256x128xf32, #tpu.memory_space<hbm>> -> memref<256x128xf32, #tpu.memory_space<hbm>>
    tpu.enqueue_dma source(%dma_start3A_168 : memref<256x128xf32, #tpu.memory_space<hbm>>) target(%dma_start3A_166 : memref<256x128xf32, #tpu.memory_space<vmem>>) target_semaphore(%arg9 : memref<!tpu.dma_semaphore, #tpu.memory_space<semaphore_mem>>)
    %add3A_169 = arith.constant 0 : i32
    %add3A_170 = arith.addi %mul3A_76, %add3A_169 : i32
    %dma_wait3A = arith.constant 0 : i32
    %dma_wait3A_171 = arith.constant 0 : i32
    %dma_wait3A_172 = arith.constant 0 : i32
    %dma_wait3A_173 = tpu.memref_slice %arg4[%dma_wait3A, %dma_wait3A_171, %dma_wait3A_172] : memref<2x256x128xf32, #tpu.memory_space<vmem>> -> memref<1x256x128xf32, #tpu.memory_space<vmem>>
    %dma_wait3A_174 = tpu.memref_squeeze %dma_wait3A_173 : memref<1x256x128xf32, #tpu.memory_space<vmem>> -> memref<256x128xf32, #tpu.memory_space<vmem>>
    %dma_wait3A_175 = tpu.memref_slice %arg2[%add3A_72, %add3A_170, %mul3A_74] : memref<16x4096x256xf32, #tpu.memory_space<hbm>> -> memref<1x256x128xf32, #tpu.memory_space<hbm>>
    %dma_wait3A_176 = tpu.memref_squeeze %dma_wait3A_175 : memref<1x256x128xf32, #tpu.memory_space<hbm>> -> memref<256x128xf32, #tpu.memory_space<hbm>>
    %dma_wait3A_177 = arith.constant 0 : i32
    %dma_wait3A_178 = arith.constant 0 : i32
    %dma_wait3A_179 = tpu.memref_slice %arg4[%dma_wait3A, %dma_wait3A_177, %dma_wait3A_178] : memref<2x256x128xf32, #tpu.memory_space<vmem>> -> memref<1x256x128xf32, #tpu.memory_space<vmem>>
    %dma_wait3A_180 = tpu.memref_squeeze %dma_wait3A_179 : memref<1x256x128xf32, #tpu.memory_space<vmem>> -> memref<256x128xf32, #tpu.memory_space<vmem>>
    %dma_wait3A_181 = tpu.memref_slice %arg2[%add3A_72, %add3A_170, %mul3A_74] : memref<16x4096x256xf32, #tpu.memory_space<hbm>> -> memref<1x256x128xf32, #tpu.memory_space<hbm>>
    %dma_wait3A_182 = tpu.memref_squeeze %dma_wait3A_181 : memref<1x256x128xf32, #tpu.memory_space<hbm>> -> memref<256x128xf32, #tpu.memory_space<hbm>>
    tpu.wait_dma2 semaphore(%arg8 : memref<!tpu.dma_semaphore, #tpu.memory_space<semaphore_mem>>) src(%dma_wait3A_182 : memref<256x128xf32, #tpu.memory_space<hbm>>) dst(%dma_wait3A_180 : memref<256x128xf32, #tpu.memory_space<vmem>>)
    %parallel_loop3A = arith.constant 0 : i32
    %parallel_loop3A_183 = arith.constant 256 : i32
    %parallel_loop3A_184 = arith.constant 1 : i32
    %parallel_loop3A_185 = arith.constant 0 : i32
    %parallel_loop3A_186:32 = scf.for %parallel_loop3A_471 = %parallel_loop3A to %parallel_loop3A_183 step %parallel_loop3A_184 iter_args(%parallel_loop3A_472 = %broadcast_in_dim3A_91, %parallel_loop3A_473 = %broadcast_in_dim3A_93, %parallel_loop3A_474 = %broadcast_in_dim3A_95, %parallel_loop3A_475 = %broadcast_in_dim3A_97, %parallel_loop3A_476 = %broadcast_in_dim3A_99, %parallel_loop3A_477 = %broadcast_in_dim3A_101, %parallel_loop3A_478 = %broadcast_in_dim3A_103, %parallel_loop3A_479 = %broadcast_in_dim3A_105, %parallel_loop3A_480 = %broadcast_in_dim3A_107, %parallel_loop3A_481 = %broadcast_in_dim3A_109, %parallel_loop3A_482 = %broadcast_in_dim3A_111, %parallel_loop3A_483 = %broadcast_in_dim3A_113, %parallel_loop3A_484 = %broadcast_in_dim3A_115, %parallel_loop3A_485 = %broadcast_in_dim3A_117, %parallel_loop3A_486 = %broadcast_in_dim3A_119, %parallel_loop3A_487 = %broadcast_in_dim3A_121, %parallel_loop3A_488 = %broadcast_in_dim3A_123, %parallel_loop3A_489 = %broadcast_in_dim3A_125, %parallel_loop3A_490 = %broadcast_in_dim3A_127, %parallel_loop3A_491 = %broadcast_in_dim3A_129, %parallel_loop3A_492 = %broadcast_in_dim3A_131, %parallel_loop3A_493 = %broadcast_in_dim3A_133, %parallel_loop3A_494 = %broadcast_in_dim3A_135, %parallel_loop3A_495 = %broadcast_in_dim3A_137, %parallel_loop3A_496 = %broadcast_in_dim3A_139, %parallel_loop3A_497 = %broadcast_in_dim3A_141, %parallel_loop3A_498 = %broadcast_in_dim3A_143, %parallel_loop3A_499 = %broadcast_in_dim3A_145, %parallel_loop3A_500 = %broadcast_in_dim3A_147, %parallel_loop3A_501 = %broadcast_in_dim3A_149, %parallel_loop3A_502 = %broadcast_in_dim3A_151, %parallel_loop3A_503 = %broadcast_in_dim3A_153) -> (vector<16xf32>, vector<16xf32>, vector<16xf32>, vector<16xf32>, vector<16xf32>, vector<16xf32>, vector<16xf32>, vector<16xf32>, vector<16xf32>, vector<16xf32>, vector<16xf32>, vector<16xf32>, vector<16xf32>, vector<16xf32>, vector<16xf32>, vector<16xf32>, vector<16xf32>, vector<16xf32>, vector<16xf32>, vector<16xf32>, vector<16xf32>, vector<16xf32>, vector<16xf32>, vector<16xf32>, vector<16xf32>, vector<16xf32>, vector<16xf32>, vector<16xf32>, vector<16xf32>, vector<16xf32>, vector<16xf32>, vector<16xf32>)  : i32 {
      %parallel_loop3A_504 = arith.constant 0 : i32
      %parallel_loop3A_505 = arith.constant 0 : i32
      %parallel_loop3A_506 = tpu.memref_slice %arg4[%parallel_loop3A_185, %parallel_loop3A_504, %parallel_loop3A_505] : memref<2x256x128xf32, #tpu.memory_space<vmem>> -> memref<1x256x128xf32, #tpu.memory_space<vmem>>
      %parallel_loop3A_507 = tpu.memref_squeeze %parallel_loop3A_506 : memref<1x256x128xf32, #tpu.memory_space<vmem>> -> memref<256x128xf32, #tpu.memory_space<vmem>>
      %parallel_loop3A_508 = arith.index_cast %parallel_loop3A_471 : i32 to index
      %parallel_loop3A_509 = arith.constant 0 : index
      %parallel_loop3A_510 = tpu.vector_load %parallel_loop3A_507[%parallel_loop3A_508, %parallel_loop3A_509] {strides = array<i32>} : memref<256x128xf32, #tpu.memory_space<vmem>>, vector<1x16xf32>,
      %parallel_loop3A_511 = vector.shape_cast %parallel_loop3A_510 : vector<1x16xf32> to vector<16xf32>
      %parallel_loop3A_512 = arith.maximumf %parallel_loop3A_472, %parallel_loop3A_511 : vector<16xf32>
      %parallel_loop3A_513 = arith.minimumf %parallel_loop3A_473, %parallel_loop3A_511 : vector<16xf32>
      %parallel_loop3A_514 = arith.addf %parallel_loop3A_474, %parallel_loop3A_511 : vector<16xf32>
      %parallel_loop3A_515 = arith.mulf %parallel_loop3A_511, %parallel_loop3A_511 : vector<16xf32>
      %parallel_loop3A_516 = arith.addf %parallel_loop3A_475, %parallel_loop3A_515 : vector<16xf32>
      %parallel_loop3A_517 = arith.constant 0 : i32
      %parallel_loop3A_518 = arith.constant 0 : i32
      %parallel_loop3A_519 = tpu.memref_slice %arg4[%parallel_loop3A_185, %parallel_loop3A_517, %parallel_loop3A_518] : memref<2x256x128xf32, #tpu.memory_space<vmem>> -> memref<1x256x128xf32, #tpu.memory_space<vmem>>
      %parallel_loop3A_520 = tpu.memref_squeeze %parallel_loop3A_519 : memref<1x256x128xf32, #tpu.memory_space<vmem>> -> memref<256x128xf32, #tpu.memory_space<vmem>>
      %parallel_loop3A_521 = arith.index_cast %parallel_loop3A_471 : i32 to index
      %parallel_loop3A_522 = arith.constant 16 : index
      %parallel_loop3A_523 = tpu.vector_load %parallel_loop3A_520[%parallel_loop3A_521, %parallel_loop3A_522] {strides = array<i32>} : memref<256x128xf32, #tpu.memory_space<vmem>>, vector<1x16xf32>,
      %parallel_loop3A_524 = vector.shape_cast %parallel_loop3A_523 : vector<1x16xf32> to vector<16xf32>
      %parallel_loop3A_525 = arith.maximumf %parallel_loop3A_476, %parallel_loop3A_524 : vector<16xf32>
      %parallel_loop3A_526 = arith.minimumf %parallel_loop3A_477, %parallel_loop3A_524 : vector<16xf32>
      %parallel_loop3A_527 = arith.addf %parallel_loop3A_478, %parallel_loop3A_524 : vector<16xf32>
      %parallel_loop3A_528 = arith.mulf %parallel_loop3A_524, %parallel_loop3A_524 : vector<16xf32>
      %parallel_loop3A_529 = arith.addf %parallel_loop3A_479, %parallel_loop3A_528 : vector<16xf32>
      %parallel_loop3A_530 = arith.constant 0 : i32
      %parallel_loop3A_531 = arith.constant 0 : i32
      %parallel_loop3A_532 = tpu.memref_slice %arg4[%parallel_loop3A_185, %parallel_loop3A_530, %parallel_loop3A_531] : memref<2x256x128xf32, #tpu.memory_space<vmem>> -> memref<1x256x128xf32, #tpu.memory_space<vmem>>
      %parallel_loop3A_533 = tpu.memref_squeeze %parallel_loop3A_532 : memref<1x256x128xf32, #tpu.memory_space<vmem>> -> memref<256x128xf32, #tpu.memory_space<vmem>>
      %parallel_loop3A_534 = arith.index_cast %parallel_loop3A_471 : i32 to index
      %parallel_loop3A_535 = arith.constant 32 : index
      %parallel_loop3A_536 = tpu.vector_load %parallel_loop3A_533[%parallel_loop3A_534, %parallel_loop3A_535] {strides = array<i32>} : memref<256x128xf32, #tpu.memory_space<vmem>>, vector<1x16xf32>,
      %parallel_loop3A_537 = vector.shape_cast %parallel_loop3A_536 : vector<1x16xf32> to vector<16xf32>
      %parallel_loop3A_538 = arith.maximumf %parallel_loop3A_480, %parallel_loop3A_537 : vector<16xf32>
      %parallel_loop3A_539 = arith.minimumf %parallel_loop3A_481, %parallel_loop3A_537 : vector<16xf32>
      %parallel_loop3A_540 = arith.addf %parallel_loop3A_482, %parallel_loop3A_537 : vector<16xf32>
      %parallel_loop3A_541 = arith.mulf %parallel_loop3A_537, %parallel_loop3A_537 : vector<16xf32>
      %parallel_loop3A_542 = arith.addf %parallel_loop3A_483, %parallel_loop3A_541 : vector<16xf32>
      %parallel_loop3A_543 = arith.constant 0 : i32
      %parallel_loop3A_544 = arith.constant 0 : i32
      %parallel_loop3A_545 = tpu.memref_slice %arg4[%parallel_loop3A_185, %parallel_loop3A_543, %parallel_loop3A_544] : memref<2x256x128xf32, #tpu.memory_space<vmem>> -> memref<1x256x128xf32, #tpu.memory_space<vmem>>
      %parallel_loop3A_546 = tpu.memref_squeeze %parallel_loop3A_545 : memref<1x256x128xf32, #tpu.memory_space<vmem>> -> memref<256x128xf32, #tpu.memory_space<vmem>>
      %parallel_loop3A_547 = arith.index_cast %parallel_loop3A_471 : i32 to index
      %parallel_loop3A_548 = arith.constant 48 : index
      %parallel_loop3A_549 = tpu.vector_load %parallel_loop3A_546[%parallel_loop3A_547, %parallel_loop3A_548] {strides = array<i32>} : memref<256x128xf32, #tpu.memory_space<vmem>>, vector<1x16xf32>,
      %parallel_loop3A_550 = vector.shape_cast %parallel_loop3A_549 : vector<1x16xf32> to vector<16xf32>
      %parallel_loop3A_551 = arith.maximumf %parallel_loop3A_484, %parallel_loop3A_550 : vector<16xf32>
      %parallel_loop3A_552 = arith.minimumf %parallel_loop3A_485, %parallel_loop3A_550 : vector<16xf32>
      %parallel_loop3A_553 = arith.addf %parallel_loop3A_486, %parallel_loop3A_550 : vector<16xf32>
      %parallel_loop3A_554 = arith.mulf %parallel_loop3A_550, %parallel_loop3A_550 : vector<16xf32>
      %parallel_loop3A_555 = arith.addf %parallel_loop3A_487, %parallel_loop3A_554 : vector<16xf32>
      %parallel_loop3A_556 = arith.constant 0 : i32
      %parallel_loop3A_557 = arith.constant 0 : i32
      %parallel_loop3A_558 = tpu.memref_slice %arg4[%parallel_loop3A_185, %parallel_loop3A_556, %parallel_loop3A_557] : memref<2x256x128xf32, #tpu.memory_space<vmem>> -> memref<1x256x128xf32, #tpu.memory_space<vmem>>
      %parallel_loop3A_559 = tpu.memref_squeeze %parallel_loop3A_558 : memref<1x256x128xf32, #tpu.memory_space<vmem>> -> memref<256x128xf32, #tpu.memory_space<vmem>>
      %parallel_loop3A_560 = arith.index_cast %parallel_loop3A_471 : i32 to index
      %parallel_loop3A_561 = arith.constant 64 : index
      %parallel_loop3A_562 = tpu.vector_load %parallel_loop3A_559[%parallel_loop3A_560, %parallel_loop3A_561] {strides = array<i32>} : memref<256x128xf32, #tpu.memory_space<vmem>>, vector<1x16xf32>,
      %parallel_loop3A_563 = vector.shape_cast %parallel_loop3A_562 : vector<1x16xf32> to vector<16xf32>
      %parallel_loop3A_564 = arith.maximumf %parallel_loop3A_488, %parallel_loop3A_563 : vector<16xf32>
      %parallel_loop3A_565 = arith.minimumf %parallel_loop3A_489, %parallel_loop3A_563 : vector<16xf32>
      %parallel_loop3A_566 = arith.addf %parallel_loop3A_490, %parallel_loop3A_563 : vector<16xf32>
      %parallel_loop3A_567 = arith.mulf %parallel_loop3A_563, %parallel_loop3A_563 : vector<16xf32>
      %parallel_loop3A_568 = arith.addf %parallel_loop3A_491, %parallel_loop3A_567 : vector<16xf32>
      %parallel_loop3A_569 = arith.constant 0 : i32
      %parallel_loop3A_570 = arith.constant 0 : i32
      %parallel_loop3A_571 = tpu.memref_slice %arg4[%parallel_loop3A_185, %parallel_loop3A_569, %parallel_loop3A_570] : memref<2x256x128xf32, #tpu.memory_space<vmem>> -> memref<1x256x128xf32, #tpu.memory_space<vmem>>
      %parallel_loop3A_572 = tpu.memref_squeeze %parallel_loop3A_571 : memref<1x256x128xf32, #tpu.memory_space<vmem>> -> memref<256x128xf32, #tpu.memory_space<vmem>>
      %parallel_loop3A_573 = arith.index_cast %parallel_loop3A_471 : i32 to index
      %parallel_loop3A_574 = arith.constant 80 : index
      %parallel_loop3A_575 = tpu.vector_load %parallel_loop3A_572[%parallel_loop3A_573, %parallel_loop3A_574] {strides = array<i32>} : memref<256x128xf32, #tpu.memory_space<vmem>>, vector<1x16xf32>,
      %parallel_loop3A_576 = vector.shape_cast %parallel_loop3A_575 : vector<1x16xf32> to vector<16xf32>
      %parallel_loop3A_577 = arith.maximumf %parallel_loop3A_492, %parallel_loop3A_576 : vector<16xf32>
      %parallel_loop3A_578 = arith.minimumf %parallel_loop3A_493, %parallel_loop3A_576 : vector<16xf32>
      %parallel_loop3A_579 = arith.addf %parallel_loop3A_494, %parallel_loop3A_576 : vector<16xf32>
      %parallel_loop3A_580 = arith.mulf %parallel_loop3A_576, %parallel_loop3A_576 : vector<16xf32>
      %parallel_loop3A_581 = arith.addf %parallel_loop3A_495, %parallel_loop3A_580 : vector<16xf32>
      %parallel_loop3A_582 = arith.constant 0 : i32
      %parallel_loop3A_583 = arith.constant 0 : i32
      %parallel_loop3A_584 = tpu.memref_slice %arg4[%parallel_loop3A_185, %parallel_loop3A_582, %parallel_loop3A_583] : memref<2x256x128xf32, #tpu.memory_space<vmem>> -> memref<1x256x128xf32, #tpu.memory_space<vmem>>
      %parallel_loop3A_585 = tpu.memref_squeeze %parallel_loop3A_584 : memref<1x256x128xf32, #tpu.memory_space<vmem>> -> memref<256x128xf32, #tpu.memory_space<vmem>>
      %parallel_loop3A_586 = arith.index_cast %parallel_loop3A_471 : i32 to index
      %parallel_loop3A_587 = arith.constant 96 : index
      %parallel_loop3A_588 = tpu.vector_load %parallel_loop3A_585[%parallel_loop3A_586, %parallel_loop3A_587] {strides = array<i32>} : memref<256x128xf32, #tpu.memory_space<vmem>>, vector<1x16xf32>,
      %parallel_loop3A_589 = vector.shape_cast %parallel_loop3A_588 : vector<1x16xf32> to vector<16xf32>
      %parallel_loop3A_590 = arith.maximumf %parallel_loop3A_496, %parallel_loop3A_589 : vector<16xf32>
      %parallel_loop3A_591 = arith.minimumf %parallel_loop3A_497, %parallel_loop3A_589 : vector<16xf32>
      %parallel_loop3A_592 = arith.addf %parallel_loop3A_498, %parallel_loop3A_589 : vector<16xf32>
      %parallel_loop3A_593 = arith.mulf %parallel_loop3A_589, %parallel_loop3A_589 : vector<16xf32>
      %parallel_loop3A_594 = arith.addf %parallel_loop3A_499, %parallel_loop3A_593 : vector<16xf32>
      %parallel_loop3A_595 = arith.constant 0 : i32
      %parallel_loop3A_596 = arith.constant 0 : i32
      %parallel_loop3A_597 = tpu.memref_slice %arg4[%parallel_loop3A_185, %parallel_loop3A_595, %parallel_loop3A_596] : memref<2x256x128xf32, #tpu.memory_space<vmem>> -> memref<1x256x128xf32, #tpu.memory_space<vmem>>
      %parallel_loop3A_598 = tpu.memref_squeeze %parallel_loop3A_597 : memref<1x256x128xf32, #tpu.memory_space<vmem>> -> memref<256x128xf32, #tpu.memory_space<vmem>>
      %parallel_loop3A_599 = arith.index_cast %parallel_loop3A_471 : i32 to index
      %parallel_loop3A_600 = arith.constant 112 : index
      %parallel_loop3A_601 = tpu.vector_load %parallel_loop3A_598[%parallel_loop3A_599, %parallel_loop3A_600] {strides = array<i32>} : memref<256x128xf32, #tpu.memory_space<vmem>>, vector<1x16xf32>,
      %parallel_loop3A_602 = vector.shape_cast %parallel_loop3A_601 : vector<1x16xf32> to vector<16xf32>
      %parallel_loop3A_603 = arith.maximumf %parallel_loop3A_500, %parallel_loop3A_602 : vector<16xf32>
      %parallel_loop3A_604 = arith.minimumf %parallel_loop3A_501, %parallel_loop3A_602 : vector<16xf32>
      %parallel_loop3A_605 = arith.addf %parallel_loop3A_502, %parallel_loop3A_602 : vector<16xf32>
      %parallel_loop3A_606 = arith.mulf %parallel_loop3A_602, %parallel_loop3A_602 : vector<16xf32>
      %parallel_loop3A_607 = arith.addf %parallel_loop3A_503, %parallel_loop3A_606 : vector<16xf32>
      scf.yield %parallel_loop3A_512, %parallel_loop3A_513, %parallel_loop3A_514, %parallel_loop3A_516, %parallel_loop3A_525, %parallel_loop3A_526, %parallel_loop3A_527, %parallel_loop3A_529, %parallel_loop3A_538, %parallel_loop3A_539, %parallel_loop3A_540, %parallel_loop3A_542, %parallel_loop3A_551, %parallel_loop3A_552, %parallel_loop3A_553, %parallel_loop3A_555, %parallel_loop3A_564, %parallel_loop3A_565, %parallel_loop3A_566, %parallel_loop3A_568, %parallel_loop3A_577, %parallel_loop3A_578, %parallel_loop3A_579, %parallel_loop3A_581, %parallel_loop3A_590, %parallel_loop3A_591, %parallel_loop3A_592, %parallel_loop3A_594, %parallel_loop3A_603, %parallel_loop3A_604, %parallel_loop3A_605, %parallel_loop3A_607 : vector<16xf32>, vector<16xf32>, vector<16xf32>, vector<16xf32>, vector<16xf32>, vector<16xf32>, vector<16xf32>, vector<16xf32>, vector<16xf32>, vector<16xf32>, vector<16xf32>, vector<16xf32>, vector<16xf32>, vector<16xf32>, vector<16xf32>, vector<16xf32>, vector<16xf32>, vector<16xf32>, vector<16xf32>, vector<16xf32>, vector<16xf32>, vector<16xf32>, vector<16xf32>, vector<16xf32>, vector<16xf32>, vector<16xf32>, vector<16xf32>, vector<16xf32>, vector<16xf32>, vector<16xf32>, vector<16xf32>, vector<16xf32>
    } {sc.loop_unroll_factor = 8 : i64, sc.parallel_access}
    %add3A_187 = arith.constant 512 : i32
    %add3A_188 = arith.addi %mul3A_76, %add3A_187 : i32
    %dma_start3A_189 = arith.constant 0 : i32
    %dma_start3A_190 = arith.constant 0 : i32
    %dma_start3A_191 = arith.constant 0 : i32
    %dma_start3A_192 = tpu.memref_slice %arg4[%dma_start3A_189, %dma_start3A_190, %dma_start3A_191] : memref<2x256x128xf32, #tpu.memory_space<vmem>> -> memref<1x256x128xf32, #tpu.memory_space<vmem>>
    %dma_start3A_193 = tpu.memref_squeeze %dma_start3A_192 : memref<1x256x128xf32, #tpu.memory_space<vmem>> -> memref<256x128xf32, #tpu.memory_space<vmem>>
    %dma_start3A_194 = tpu.memref_slice %arg2[%add3A_72, %add3A_188, %mul3A_74] : memref<16x4096x256xf32, #tpu.memory_space<hbm>> -> memref<1x256x128xf32, #tpu.memory_space<hbm>>
    %dma_start3A_195 = tpu.memref_squeeze %dma_start3A_194 : memref<1x256x128xf32, #tpu.memory_space<hbm>> -> memref<256x128xf32, #tpu.memory_space<hbm>>
    %dma_start3A_196 = arith.constant 0 : i32
    %dma_start3A_197 = arith.constant 0 : i32
    %dma_start3A_198 = tpu.memref_slice %arg4[%dma_start3A_189, %dma_start3A_196, %dma_start3A_197] : memref<2x256x128xf32, #tpu.memory_space<vmem>> -> memref<1x256x128xf32, #tpu.memory_space<vmem>>
    %dma_start3A_199 = tpu.memref_squeeze %dma_start3A_198 : memref<1x256x128xf32, #tpu.memory_space<vmem>> -> memref<256x128xf32, #tpu.memory_space<vmem>>
    %dma_start3A_200 = tpu.memref_slice %arg2[%add3A_72, %add3A_188, %mul3A_74] : memref<16x4096x256xf32, #tpu.memory_space<hbm>> -> memref<1x256x128xf32, #tpu.memory_space<hbm>>
    %dma_start3A_201 = tpu.memref_squeeze %dma_start3A_200 : memref<1x256x128xf32, #tpu.memory_space<hbm>> -> memref<256x128xf32, #tpu.memory_space<hbm>>
    tpu.enqueue_dma source(%dma_start3A_201 : memref<256x128xf32, #tpu.memory_space<hbm>>) target(%dma_start3A_199 : memref<256x128xf32, #tpu.memory_space<vmem>>) target_semaphore(%arg8 : memref<!tpu.dma_semaphore, #tpu.memory_space<semaphore_mem>>)
    %add3A_202 = arith.constant 256 : i32
    %add3A_203 = arith.addi %mul3A_76, %add3A_202 : i32
    %dma_wait3A_204 = arith.constant 1 : i32
    %dma_wait3A_205 = arith.constant 0 : i32
    %dma_wait3A_206 = arith.constant 0 : i32
    %dma_wait3A_207 = tpu.memref_slice %arg4[%dma_wait3A_204, %dma_wait3A_205, %dma_wait3A_206] : memref<2x256x128xf32, #tpu.memory_space<vmem>> -> memref<1x256x128xf32, #tpu.memory_space<vmem>>
    %dma_wait3A_208 = tpu.memref_squeeze %dma_wait3A_207 : memref<1x256x128xf32, #tpu.memory_space<vmem>> -> memref<256x128xf32, #tpu.memory_space<vmem>>
    %dma_wait3A_209 = tpu.memref_slice %arg2[%add3A_72, %add3A_203, %mul3A_74] : memref<16x4096x256xf32, #tpu.memory_space<hbm>> -> memref<1x256x128xf32, #tpu.memory_space<hbm>>
    %dma_wait3A_210 = tpu.memref_squeeze %dma_wait3A_209 : memref<1x256x128xf32, #tpu.memory_space<hbm>> -> memref<256x128xf32, #tpu.memory_space<hbm>>
    %dma_wait3A_211 = arith.constant 0 : i32
    %dma_wait3A_212 = arith.constant 0 : i32
    %dma_wait3A_213 = tpu.memref_slice %arg4[%dma_wait3A_204, %dma_wait3A_211, %dma_wait3A_212] : memref<2x256x128xf32, #tpu.memory_space<vmem>> -> memref<1x256x128xf32, #tpu.memory_space<vmem>>
    %dma_wait3A_214 = tpu.memref_squeeze %dma_wait3A_213 : memref<1x256x128xf32, #tpu.memory_space<vmem>> -> memref<256x128xf32, #tpu.memory_space<vmem>>
    %dma_wait3A_215 = tpu.memref_slice %arg2[%add3A_72, %add3A_203, %mul3A_74] : memref<16x4096x256xf32, #tpu.memory_space<hbm>> -> memref<1x256x128xf32, #tpu.memory_space<hbm>>
    %dma_wait3A_216 = tpu.memref_squeeze %dma_wait3A_215 : memref<1x256x128xf32, #tpu.memory_space<hbm>> -> memref<256x128xf32, #tpu.memory_space<hbm>>
    tpu.wait_dma2 semaphore(%arg9 : memref<!tpu.dma_semaphore, #tpu.memory_space<semaphore_mem>>) src(%dma_wait3A_216 : memref<256x128xf32, #tpu.memory_space<hbm>>) dst(%dma_wait3A_214 : memref<256x128xf32, #tpu.memory_space<vmem>>)
    %parallel_loop3A_217 = arith.constant 0 : i32
    %parallel_loop3A_218 = arith.constant 256 : i32
    %parallel_loop3A_219 = arith.constant 1 : i32
    %parallel_loop3A_220 = arith.constant 1 : i32
    %parallel_loop3A_221:32 = scf.for %parallel_loop3A_471 = %parallel_loop3A_217 to %parallel_loop3A_218 step %parallel_loop3A_219 iter_args(%parallel_loop3A_472 = %parallel_loop3A_186#0, %parallel_loop3A_473 = %parallel_loop3A_186#1, %parallel_loop3A_474 = %parallel_loop3A_186#2, %parallel_loop3A_475 = %parallel_loop3A_186#3, %parallel_loop3A_476 = %parallel_loop3A_186#4, %parallel_loop3A_477 = %parallel_loop3A_186#5, %parallel_loop3A_478 = %parallel_loop3A_186#6, %parallel_loop3A_479 = %parallel_loop3A_186#7, %parallel_loop3A_480 = %parallel_loop3A_186#8, %parallel_loop3A_481 = %parallel_loop3A_186#9, %parallel_loop3A_482 = %parallel_loop3A_186#10, %parallel_loop3A_483 = %parallel_loop3A_186#11, %parallel_loop3A_484 = %parallel_loop3A_186#12, %parallel_loop3A_485 = %parallel_loop3A_186#13, %parallel_loop3A_486 = %parallel_loop3A_186#14, %parallel_loop3A_487 = %parallel_loop3A_186#15, %parallel_loop3A_488 = %parallel_loop3A_186#16, %parallel_loop3A_489 = %parallel_loop3A_186#17, %parallel_loop3A_490 = %parallel_loop3A_186#18, %parallel_loop3A_491 = %parallel_loop3A_186#19, %parallel_loop3A_492 = %parallel_loop3A_186#20, %parallel_loop3A_493 = %parallel_loop3A_186#21, %parallel_loop3A_494 = %parallel_loop3A_186#22, %parallel_loop3A_495 = %parallel_loop3A_186#23, %parallel_loop3A_496 = %parallel_loop3A_186#24, %parallel_loop3A_497 = %parallel_loop3A_186#25, %parallel_loop3A_498 = %parallel_loop3A_186#26, %parallel_loop3A_499 = %parallel_loop3A_186#27, %parallel_loop3A_500 = %parallel_loop3A_186#28, %parallel_loop3A_501 = %parallel_loop3A_186#29, %parallel_loop3A_502 = %parallel_loop3A_186#30, %parallel_loop3A_503 = %parallel_loop3A_186#31) -> (vector<16xf32>, vector<16xf32>, vector<16xf32>, vector<16xf32>, vector<16xf32>, vector<16xf32>, vector<16xf32>, vector<16xf32>, vector<16xf32>, vector<16xf32>, vector<16xf32>, vector<16xf32>, vector<16xf32>, vector<16xf32>, vector<16xf32>, vector<16xf32>, vector<16xf32>, vector<16xf32>, vector<16xf32>, vector<16xf32>, vector<16xf32>, vector<16xf32>, vector<16xf32>, vector<16xf32>, vector<16xf32>, vector<16xf32>, vector<16xf32>, vector<16xf32>, vector<16xf32>, vector<16xf32>, vector<16xf32>, vector<16xf32>)  : i32 {
      %parallel_loop3A_504 = arith.constant 0 : i32
      %parallel_loop3A_505 = arith.constant 0 : i32
      %parallel_loop3A_506 = tpu.memref_slice %arg4[%parallel_loop3A_220, %parallel_loop3A_504, %parallel_loop3A_505] : memref<2x256x128xf32, #tpu.memory_space<vmem>> -> memref<1x256x128xf32, #tpu.memory_space<vmem>>
      %parallel_loop3A_507 = tpu.memref_squeeze %parallel_loop3A_506 : memref<1x256x128xf32, #tpu.memory_space<vmem>> -> memref<256x128xf32, #tpu.memory_space<vmem>>
      %parallel_loop3A_508 = arith.index_cast %parallel_loop3A_471 : i32 to index
      %parallel_loop3A_509 = arith.constant 0 : index
      %parallel_loop3A_510 = tpu.vector_load %parallel_loop3A_507[%parallel_loop3A_508, %parallel_loop3A_509] {strides = array<i32>} : memref<256x128xf32, #tpu.memory_space<vmem>>, vector<1x16xf32>,
      %parallel_loop3A_511 = vector.shape_cast %parallel_loop3A_510 : vector<1x16xf32> to vector<16xf32>
      %parallel_loop3A_512 = arith.maximumf %parallel_loop3A_472, %parallel_loop3A_511 : vector<16xf32>
      %parallel_loop3A_513 = arith.minimumf %parallel_loop3A_473, %parallel_loop3A_511 : vector<16xf32>
      %parallel_loop3A_514 = arith.addf %parallel_loop3A_474, %parallel_loop3A_511 : vector<16xf32>
      %parallel_loop3A_515 = arith.mulf %parallel_loop3A_511, %parallel_loop3A_511 : vector<16xf32>
      %parallel_loop3A_516 = arith.addf %parallel_loop3A_475, %parallel_loop3A_515 : vector<16xf32>
      %parallel_loop3A_517 = arith.constant 0 : i32
      %parallel_loop3A_518 = arith.constant 0 : i32
      %parallel_loop3A_519 = tpu.memref_slice %arg4[%parallel_loop3A_220, %parallel_loop3A_517, %parallel_loop3A_518] : memref<2x256x128xf32, #tpu.memory_space<vmem>> -> memref<1x256x128xf32, #tpu.memory_space<vmem>>
      %parallel_loop3A_520 = tpu.memref_squeeze %parallel_loop3A_519 : memref<1x256x128xf32, #tpu.memory_space<vmem>> -> memref<256x128xf32, #tpu.memory_space<vmem>>
      %parallel_loop3A_521 = arith.index_cast %parallel_loop3A_471 : i32 to index
      %parallel_loop3A_522 = arith.constant 16 : index
      %parallel_loop3A_523 = tpu.vector_load %parallel_loop3A_520[%parallel_loop3A_521, %parallel_loop3A_522] {strides = array<i32>} : memref<256x128xf32, #tpu.memory_space<vmem>>, vector<1x16xf32>,
      %parallel_loop3A_524 = vector.shape_cast %parallel_loop3A_523 : vector<1x16xf32> to vector<16xf32>
      %parallel_loop3A_525 = arith.maximumf %parallel_loop3A_476, %parallel_loop3A_524 : vector<16xf32>
      %parallel_loop3A_526 = arith.minimumf %parallel_loop3A_477, %parallel_loop3A_524 : vector<16xf32>
      %parallel_loop3A_527 = arith.addf %parallel_loop3A_478, %parallel_loop3A_524 : vector<16xf32>
      %parallel_loop3A_528 = arith.mulf %parallel_loop3A_524, %parallel_loop3A_524 : vector<16xf32>
      %parallel_loop3A_529 = arith.addf %parallel_loop3A_479, %parallel_loop3A_528 : vector<16xf32>
      %parallel_loop3A_530 = arith.constant 0 : i32
      %parallel_loop3A_531 = arith.constant 0 : i32
      %parallel_loop3A_532 = tpu.memref_slice %arg4[%parallel_loop3A_220, %parallel_loop3A_530, %parallel_loop3A_531] : memref<2x256x128xf32, #tpu.memory_space<vmem>> -> memref<1x256x128xf32, #tpu.memory_space<vmem>>
      %parallel_loop3A_533 = tpu.memref_squeeze %parallel_loop3A_532 : memref<1x256x128xf32, #tpu.memory_space<vmem>> -> memref<256x128xf32, #tpu.memory_space<vmem>>
      %parallel_loop3A_534 = arith.index_cast %parallel_loop3A_471 : i32 to index
      %parallel_loop3A_535 = arith.constant 32 : index
      %parallel_loop3A_536 = tpu.vector_load %parallel_loop3A_533[%parallel_loop3A_534, %parallel_loop3A_535] {strides = array<i32>} : memref<256x128xf32, #tpu.memory_space<vmem>>, vector<1x16xf32>,
      %parallel_loop3A_537 = vector.shape_cast %parallel_loop3A_536 : vector<1x16xf32> to vector<16xf32>
      %parallel_loop3A_538 = arith.maximumf %parallel_loop3A_480, %parallel_loop3A_537 : vector<16xf32>
      %parallel_loop3A_539 = arith.minimumf %parallel_loop3A_481, %parallel_loop3A_537 : vector<16xf32>
      %parallel_loop3A_540 = arith.addf %parallel_loop3A_482, %parallel_loop3A_537 : vector<16xf32>
      %parallel_loop3A_541 = arith.mulf %parallel_loop3A_537, %parallel_loop3A_537 : vector<16xf32>
      %parallel_loop3A_542 = arith.addf %parallel_loop3A_483, %parallel_loop3A_541 : vector<16xf32>
      %parallel_loop3A_543 = arith.constant 0 : i32
      %parallel_loop3A_544 = arith.constant 0 : i32
      %parallel_loop3A_545 = tpu.memref_slice %arg4[%parallel_loop3A_220, %parallel_loop3A_543, %parallel_loop3A_544] : memref<2x256x128xf32, #tpu.memory_space<vmem>> -> memref<1x256x128xf32, #tpu.memory_space<vmem>>
      %parallel_loop3A_546 = tpu.memref_squeeze %parallel_loop3A_545 : memref<1x256x128xf32, #tpu.memory_space<vmem>> -> memref<256x128xf32, #tpu.memory_space<vmem>>
      %parallel_loop3A_547 = arith.index_cast %parallel_loop3A_471 : i32 to index
      %parallel_loop3A_548 = arith.constant 48 : index
      %parallel_loop3A_549 = tpu.vector_load %parallel_loop3A_546[%parallel_loop3A_547, %parallel_loop3A_548] {strides = array<i32>} : memref<256x128xf32, #tpu.memory_space<vmem>>, vector<1x16xf32>,
      %parallel_loop3A_550 = vector.shape_cast %parallel_loop3A_549 : vector<1x16xf32> to vector<16xf32>
      %parallel_loop3A_551 = arith.maximumf %parallel_loop3A_484, %parallel_loop3A_550 : vector<16xf32>
      %parallel_loop3A_552 = arith.minimumf %parallel_loop3A_485, %parallel_loop3A_550 : vector<16xf32>
      %parallel_loop3A_553 = arith.addf %parallel_loop3A_486, %parallel_loop3A_550 : vector<16xf32>
      %parallel_loop3A_554 = arith.mulf %parallel_loop3A_550, %parallel_loop3A_550 : vector<16xf32>
      %parallel_loop3A_555 = arith.addf %parallel_loop3A_487, %parallel_loop3A_554 : vector<16xf32>
      %parallel_loop3A_556 = arith.constant 0 : i32
      %parallel_loop3A_557 = arith.constant 0 : i32
      %parallel_loop3A_558 = tpu.memref_slice %arg4[%parallel_loop3A_220, %parallel_loop3A_556, %parallel_loop3A_557] : memref<2x256x128xf32, #tpu.memory_space<vmem>> -> memref<1x256x128xf32, #tpu.memory_space<vmem>>
      %parallel_loop3A_559 = tpu.memref_squeeze %parallel_loop3A_558 : memref<1x256x128xf32, #tpu.memory_space<vmem>> -> memref<256x128xf32, #tpu.memory_space<vmem>>
      %parallel_loop3A_560 = arith.index_cast %parallel_loop3A_471 : i32 to index
      %parallel_loop3A_561 = arith.constant 64 : index
      %parallel_loop3A_562 = tpu.vector_load %parallel_loop3A_559[%parallel_loop3A_560, %parallel_loop3A_561] {strides = array<i32>} : memref<256x128xf32, #tpu.memory_space<vmem>>, vector<1x16xf32>,
      %parallel_loop3A_563 = vector.shape_cast %parallel_loop3A_562 : vector<1x16xf32> to vector<16xf32>
      %parallel_loop3A_564 = arith.maximumf %parallel_loop3A_488, %parallel_loop3A_563 : vector<16xf32>
      %parallel_loop3A_565 = arith.minimumf %parallel_loop3A_489, %parallel_loop3A_563 : vector<16xf32>
      %parallel_loop3A_566 = arith.addf %parallel_loop3A_490, %parallel_loop3A_563 : vector<16xf32>
      %parallel_loop3A_567 = arith.mulf %parallel_loop3A_563, %parallel_loop3A_563 : vector<16xf32>
      %parallel_loop3A_568 = arith.addf %parallel_loop3A_491, %parallel_loop3A_567 : vector<16xf32>
      %parallel_loop3A_569 = arith.constant 0 : i32
      %parallel_loop3A_570 = arith.constant 0 : i32
      %parallel_loop3A_571 = tpu.memref_slice %arg4[%parallel_loop3A_220, %parallel_loop3A_569, %parallel_loop3A_570] : memref<2x256x128xf32, #tpu.memory_space<vmem>> -> memref<1x256x128xf32, #tpu.memory_space<vmem>>
      %parallel_loop3A_572 = tpu.memref_squeeze %parallel_loop3A_571 : memref<1x256x128xf32, #tpu.memory_space<vmem>> -> memref<256x128xf32, #tpu.memory_space<vmem>>
      %parallel_loop3A_573 = arith.index_cast %parallel_loop3A_471 : i32 to index
      %parallel_loop3A_574 = arith.constant 80 : index
      %parallel_loop3A_575 = tpu.vector_load %parallel_loop3A_572[%parallel_loop3A_573, %parallel_loop3A_574] {strides = array<i32>} : memref<256x128xf32, #tpu.memory_space<vmem>>, vector<1x16xf32>,
      %parallel_loop3A_576 = vector.shape_cast %parallel_loop3A_575 : vector<1x16xf32> to vector<16xf32>
      %parallel_loop3A_577 = arith.maximumf %parallel_loop3A_492, %parallel_loop3A_576 : vector<16xf32>
      %parallel_loop3A_578 = arith.minimumf %parallel_loop3A_493, %parallel_loop3A_576 : vector<16xf32>
      %parallel_loop3A_579 = arith.addf %parallel_loop3A_494, %parallel_loop3A_576 : vector<16xf32>
      %parallel_loop3A_580 = arith.mulf %parallel_loop3A_576, %parallel_loop3A_576 : vector<16xf32>
      %parallel_loop3A_581 = arith.addf %parallel_loop3A_495, %parallel_loop3A_580 : vector<16xf32>
      %parallel_loop3A_582 = arith.constant 0 : i32
      %parallel_loop3A_583 = arith.constant 0 : i32
      %parallel_loop3A_584 = tpu.memref_slice %arg4[%parallel_loop3A_220, %parallel_loop3A_582, %parallel_loop3A_583] : memref<2x256x128xf32, #tpu.memory_space<vmem>> -> memref<1x256x128xf32, #tpu.memory_space<vmem>>
      %parallel_loop3A_585 = tpu.memref_squeeze %parallel_loop3A_584 : memref<1x256x128xf32, #tpu.memory_space<vmem>> -> memref<256x128xf32, #tpu.memory_space<vmem>>
      %parallel_loop3A_586 = arith.index_cast %parallel_loop3A_471 : i32 to index
      %parallel_loop3A_587 = arith.constant 96 : index
      %parallel_loop3A_588 = tpu.vector_load %parallel_loop3A_585[%parallel_loop3A_586, %parallel_loop3A_587] {strides = array<i32>} : memref<256x128xf32, #tpu.memory_space<vmem>>, vector<1x16xf32>,
      %parallel_loop3A_589 = vector.shape_cast %parallel_loop3A_588 : vector<1x16xf32> to vector<16xf32>
      %parallel_loop3A_590 = arith.maximumf %parallel_loop3A_496, %parallel_loop3A_589 : vector<16xf32>
      %parallel_loop3A_591 = arith.minimumf %parallel_loop3A_497, %parallel_loop3A_589 : vector<16xf32>
      %parallel_loop3A_592 = arith.addf %parallel_loop3A_498, %parallel_loop3A_589 : vector<16xf32>
      %parallel_loop3A_593 = arith.mulf %parallel_loop3A_589, %parallel_loop3A_589 : vector<16xf32>
      %parallel_loop3A_594 = arith.addf %parallel_loop3A_499, %parallel_loop3A_593 : vector<16xf32>
      %parallel_loop3A_595 = arith.constant 0 : i32
      %parallel_loop3A_596 = arith.constant 0 : i32
      %parallel_loop3A_597 = tpu.memref_slice %arg4[%parallel_loop3A_220, %parallel_loop3A_595, %parallel_loop3A_596] : memref<2x256x128xf32, #tpu.memory_space<vmem>> -> memref<1x256x128xf32, #tpu.memory_space<vmem>>
      %parallel_loop3A_598 = tpu.memref_squeeze %parallel_loop3A_597 : memref<1x256x128xf32, #tpu.memory_space<vmem>> -> memref<256x128xf32, #tpu.memory_space<vmem>>
      %parallel_loop3A_599 = arith.index_cast %parallel_loop3A_471 : i32 to index
      %parallel_loop3A_600 = arith.constant 112 : index
      %parallel_loop3A_601 = tpu.vector_load %parallel_loop3A_598[%parallel_loop3A_599, %parallel_loop3A_600] {strides = array<i32>} : memref<256x128xf32, #tpu.memory_space<vmem>>, vector<1x16xf32>,
      %parallel_loop3A_602 = vector.shape_cast %parallel_loop3A_601 : vector<1x16xf32> to vector<16xf32>
      %parallel_loop3A_603 = arith.maximumf %parallel_loop3A_500, %parallel_loop3A_602 : vector<16xf32>
      %parallel_loop3A_604 = arith.minimumf %parallel_loop3A_501, %parallel_loop3A_602 : vector<16xf32>
      %parallel_loop3A_605 = arith.addf %parallel_loop3A_502, %parallel_loop3A_602 : vector<16xf32>
      %parallel_loop3A_606 = arith.mulf %parallel_loop3A_602, %parallel_loop3A_602 : vector<16xf32>
      %parallel_loop3A_607 = arith.addf %parallel_loop3A_503, %parallel_loop3A_606 : vector<16xf32>
      scf.yield %parallel_loop3A_512, %parallel_loop3A_513, %parallel_loop3A_514, %parallel_loop3A_516, %parallel_loop3A_525, %parallel_loop3A_526, %parallel_loop3A_527, %parallel_loop3A_529, %parallel_loop3A_538, %parallel_loop3A_539, %parallel_loop3A_540, %parallel_loop3A_542, %parallel_loop3A_551, %parallel_loop3A_552, %parallel_loop3A_553, %parallel_loop3A_555, %parallel_loop3A_564, %parallel_loop3A_565, %parallel_loop3A_566, %parallel_loop3A_568, %parallel_loop3A_577, %parallel_loop3A_578, %parallel_loop3A_579, %parallel_loop3A_581, %parallel_loop3A_590, %parallel_loop3A_591, %parallel_loop3A_592, %parallel_loop3A_594, %parallel_loop3A_603, %parallel_loop3A_604, %parallel_loop3A_605, %parallel_loop3A_607 : vector<16xf32>, vector<16xf32>, vector<16xf32>, vector<16xf32>, vector<16xf32>, vector<16xf32>, vector<16xf32>, vector<16xf32>, vector<16xf32>, vector<16xf32>, vector<16xf32>, vector<16xf32>, vector<16xf32>, vector<16xf32>, vector<16xf32>, vector<16xf32>, vector<16xf32>, vector<16xf32>, vector<16xf32>, vector<16xf32>, vector<16xf32>, vector<16xf32>, vector<16xf32>, vector<16xf32>, vector<16xf32>, vector<16xf32>, vector<16xf32>, vector<16xf32>, vector<16xf32>, vector<16xf32>, vector<16xf32>, vector<16xf32>
    } {sc.loop_unroll_factor = 8 : i64, sc.parallel_access}
    %add3A_222 = arith.constant 768 : i32
    %add3A_223 = arith.addi %mul3A_76, %add3A_222 : i32
    %dma_start3A_224 = arith.constant 1 : i32
    %dma_start3A_225 = arith.constant 0 : i32
    %dma_start3A_226 = arith.constant 0 : i32
    %dma_start3A_227 = tpu.memref_slice %arg4[%dma_start3A_224, %dma_start3A_225, %dma_start3A_226] : memref<2x256x128xf32, #tpu.memory_space<vmem>> -> memref<1x256x128xf32, #tpu.memory_space<vmem>>
    %dma_start3A_228 = tpu.memref_squeeze %dma_start3A_227 : memref<1x256x128xf32, #tpu.memory_space<vmem>> -> memref<256x128xf32, #tpu.memory_space<vmem>>
    %dma_start3A_229 = tpu.memref_slice %arg2[%add3A_72, %add3A_223, %mul3A_74] : memref<16x4096x256xf32, #tpu.memory_space<hbm>> -> memref<1x256x128xf32, #tpu.memory_space<hbm>>
    %dma_start3A_230 = tpu.memref_squeeze %dma_start3A_229 : memref<1x256x128xf32, #tpu.memory_space<hbm>> -> memref<256x128xf32, #tpu.memory_space<hbm>>
    %dma_start3A_231 = arith.constant 0 : i32
    %dma_start3A_232 = arith.constant 0 : i32
    %dma_start3A_233 = tpu.memref_slice %arg4[%dma_start3A_224, %dma_start3A_231, %dma_start3A_232] : memref<2x256x128xf32, #tpu.memory_space<vmem>> -> memref<1x256x128xf32, #tpu.memory_space<vmem>>
    %dma_start3A_234 = tpu.memref_squeeze %dma_start3A_233 : memref<1x256x128xf32, #tpu.memory_space<vmem>> -> memref<256x128xf32, #tpu.memory_space<vmem>>
    %dma_start3A_235 = tpu.memref_slice %arg2[%add3A_72, %add3A_223, %mul3A_74] : memref<16x4096x256xf32, #tpu.memory_space<hbm>> -> memref<1x256x128xf32, #tpu.memory_space<hbm>>
    %dma_start3A_236 = tpu.memref_squeeze %dma_start3A_235 : memref<1x256x128xf32, #tpu.memory_space<hbm>> -> memref<256x128xf32, #tpu.memory_space<hbm>>
    tpu.enqueue_dma source(%dma_start3A_236 : memref<256x128xf32, #tpu.memory_space<hbm>>) target(%dma_start3A_234 : memref<256x128xf32, #tpu.memory_space<vmem>>) target_semaphore(%arg9 : memref<!tpu.dma_semaphore, #tpu.memory_space<semaphore_mem>>)
    %add3A_237 = arith.constant 512 : i32
    %add3A_238 = arith.addi %mul3A_76, %add3A_237 : i32
    %dma_wait3A_239 = arith.constant 0 : i32
    %dma_wait3A_240 = arith.constant 0 : i32
    %dma_wait3A_241 = arith.constant 0 : i32
    %dma_wait3A_242 = tpu.memref_slice %arg4[%dma_wait3A_239, %dma_wait3A_240, %dma_wait3A_241] : memref<2x256x128xf32, #tpu.memory_space<vmem>> -> memref<1x256x128xf32, #tpu.memory_space<vmem>>
    %dma_wait3A_243 = tpu.memref_squeeze %dma_wait3A_242 : memref<1x256x128xf32, #tpu.memory_space<vmem>> -> memref<256x128xf32, #tpu.memory_space<vmem>>
    %dma_wait3A_244 = tpu.memref_slice %arg2[%add3A_72, %add3A_238, %mul3A_74] : memref<16x4096x256xf32, #tpu.memory_space<hbm>> -> memref<1x256x128xf32, #tpu.memory_space<hbm>>
    %dma_wait3A_245 = tpu.memref_squeeze %dma_wait3A_244 : memref<1x256x128xf32, #tpu.memory_space<hbm>> -> memref<256x128xf32, #tpu.memory_space<hbm>>
    %dma_wait3A_246 = arith.constant 0 : i32
    %dma_wait3A_247 = arith.constant 0 : i32
    %dma_wait3A_248 = tpu.memref_slice %arg4[%dma_wait3A_239, %dma_wait3A_246, %dma_wait3A_247] : memref<2x256x128xf32, #tpu.memory_space<vmem>> -> memref<1x256x128xf32, #tpu.memory_space<vmem>>
    %dma_wait3A_249 = tpu.memref_squeeze %dma_wait3A_248 : memref<1x256x128xf32, #tpu.memory_space<vmem>> -> memref<256x128xf32, #tpu.memory_space<vmem>>
    %dma_wait3A_250 = tpu.memref_slice %arg2[%add3A_72, %add3A_238, %mul3A_74] : memref<16x4096x256xf32, #tpu.memory_space<hbm>> -> memref<1x256x128xf32, #tpu.memory_space<hbm>>
    %dma_wait3A_251 = tpu.memref_squeeze %dma_wait3A_250 : memref<1x256x128xf32, #tpu.memory_space<hbm>> -> memref<256x128xf32, #tpu.memory_space<hbm>>
    tpu.wait_dma2 semaphore(%arg8 : memref<!tpu.dma_semaphore, #tpu.memory_space<semaphore_mem>>) src(%dma_wait3A_251 : memref<256x128xf32, #tpu.memory_space<hbm>>) dst(%dma_wait3A_249 : memref<256x128xf32, #tpu.memory_space<vmem>>)
    %parallel_loop3A_252 = arith.constant 0 : i32
    %parallel_loop3A_253 = arith.constant 256 : i32
    %parallel_loop3A_254 = arith.constant 1 : i32
    %parallel_loop3A_255 = arith.constant 0 : i32
    %parallel_loop3A_256:32 = scf.for %parallel_loop3A_471 = %parallel_loop3A_252 to %parallel_loop3A_253 step %parallel_loop3A_254 iter_args(%parallel_loop3A_472 = %parallel_loop3A_221#0, %parallel_loop3A_473 = %parallel_loop3A_221#1, %parallel_loop3A_474 = %parallel_loop3A_221#2, %parallel_loop3A_475 = %parallel_loop3A_221#3, %parallel_loop3A_476 = %parallel_loop3A_221#4, %parallel_loop3A_477 = %parallel_loop3A_221#5, %parallel_loop3A_478 = %parallel_loop3A_221#6, %parallel_loop3A_479 = %parallel_loop3A_221#7, %parallel_loop3A_480 = %parallel_loop3A_221#8, %parallel_loop3A_481 = %parallel_loop3A_221#9, %parallel_loop3A_482 = %parallel_loop3A_221#10, %parallel_loop3A_483 = %parallel_loop3A_221#11, %parallel_loop3A_484 = %parallel_loop3A_221#12, %parallel_loop3A_485 = %parallel_loop3A_221#13, %parallel_loop3A_486 = %parallel_loop3A_221#14, %parallel_loop3A_487 = %parallel_loop3A_221#15, %parallel_loop3A_488 = %parallel_loop3A_221#16, %parallel_loop3A_489 = %parallel_loop3A_221#17, %parallel_loop3A_490 = %parallel_loop3A_221#18, %parallel_loop3A_491 = %parallel_loop3A_221#19, %parallel_loop3A_492 = %parallel_loop3A_221#20, %parallel_loop3A_493 = %parallel_loop3A_221#21, %parallel_loop3A_494 = %parallel_loop3A_221#22, %parallel_loop3A_495 = %parallel_loop3A_221#23, %parallel_loop3A_496 = %parallel_loop3A_221#24, %parallel_loop3A_497 = %parallel_loop3A_221#25, %parallel_loop3A_498 = %parallel_loop3A_221#26, %parallel_loop3A_499 = %parallel_loop3A_221#27, %parallel_loop3A_500 = %parallel_loop3A_221#28, %parallel_loop3A_501 = %parallel_loop3A_221#29, %parallel_loop3A_502 = %parallel_loop3A_221#30, %parallel_loop3A_503 = %parallel_loop3A_221#31) -> (vector<16xf32>, vector<16xf32>, vector<16xf32>, vector<16xf32>, vector<16xf32>, vector<16xf32>, vector<16xf32>, vector<16xf32>, vector<16xf32>, vector<16xf32>, vector<16xf32>, vector<16xf32>, vector<16xf32>, vector<16xf32>, vector<16xf32>, vector<16xf32>, vector<16xf32>, vector<16xf32>, vector<16xf32>, vector<16xf32>, vector<16xf32>, vector<16xf32>, vector<16xf32>, vector<16xf32>, vector<16xf32>, vector<16xf32>, vector<16xf32>, vector<16xf32>, vector<16xf32>, vector<16xf32>, vector<16xf32>, vector<16xf32>)  : i32 {
      %parallel_loop3A_504 = arith.constant 0 : i32
      %parallel_loop3A_505 = arith.constant 0 : i32
      %parallel_loop3A_506 = tpu.memref_slice %arg4[%parallel_loop3A_255, %parallel_loop3A_504, %parallel_loop3A_505] : memref<2x256x128xf32, #tpu.memory_space<vmem>> -> memref<1x256x128xf32, #tpu.memory_space<vmem>>
      %parallel_loop3A_507 = tpu.memref_squeeze %parallel_loop3A_506 : memref<1x256x128xf32, #tpu.memory_space<vmem>> -> memref<256x128xf32, #tpu.memory_space<vmem>>
      %parallel_loop3A_508 = arith.index_cast %parallel_loop3A_471 : i32 to index
      %parallel_loop3A_509 = arith.constant 0 : index
      %parallel_loop3A_510 = tpu.vector_load %parallel_loop3A_507[%parallel_loop3A_508, %parallel_loop3A_509] {strides = array<i32>} : memref<256x128xf32, #tpu.memory_space<vmem>>, vector<1x16xf32>,
      %parallel_loop3A_511 = vector.shape_cast %parallel_loop3A_510 : vector<1x16xf32> to vector<16xf32>
      %parallel_loop3A_512 = arith.maximumf %parallel_loop3A_472, %parallel_loop3A_511 : vector<16xf32>
      %parallel_loop3A_513 = arith.minimumf %parallel_loop3A_473, %parallel_loop3A_511 : vector<16xf32>
      %parallel_loop3A_514 = arith.addf %parallel_loop3A_474, %parallel_loop3A_511 : vector<16xf32>
      %parallel_loop3A_515 = arith.mulf %parallel_loop3A_511, %parallel_loop3A_511 : vector<16xf32>
      %parallel_loop3A_516 = arith.addf %parallel_loop3A_475, %parallel_loop3A_515 : vector<16xf32>
      %parallel_loop3A_517 = arith.constant 0 : i32
      %parallel_loop3A_518 = arith.constant 0 : i32
      %parallel_loop3A_519 = tpu.memref_slice %arg4[%parallel_loop3A_255, %parallel_loop3A_517, %parallel_loop3A_518] : memref<2x256x128xf32, #tpu.memory_space<vmem>> -> memref<1x256x128xf32, #tpu.memory_space<vmem>>
      %parallel_loop3A_520 = tpu.memref_squeeze %parallel_loop3A_519 : memref<1x256x128xf32, #tpu.memory_space<vmem>> -> memref<256x128xf32, #tpu.memory_space<vmem>>
      %parallel_loop3A_521 = arith.index_cast %parallel_loop3A_471 : i32 to index
      %parallel_loop3A_522 = arith.constant 16 : index
      %parallel_loop3A_523 = tpu.vector_load %parallel_loop3A_520[%parallel_loop3A_521, %parallel_loop3A_522] {strides = array<i32>} : memref<256x128xf32, #tpu.memory_space<vmem>>, vector<1x16xf32>,
      %parallel_loop3A_524 = vector.shape_cast %parallel_loop3A_523 : vector<1x16xf32> to vector<16xf32>
      %parallel_loop3A_525 = arith.maximumf %parallel_loop3A_476, %parallel_loop3A_524 : vector<16xf32>
      %parallel_loop3A_526 = arith.minimumf %parallel_loop3A_477, %parallel_loop3A_524 : vector<16xf32>
      %parallel_loop3A_527 = arith.addf %parallel_loop3A_478, %parallel_loop3A_524 : vector<16xf32>
      %parallel_loop3A_528 = arith.mulf %parallel_loop3A_524, %parallel_loop3A_524 : vector<16xf32>
      %parallel_loop3A_529 = arith.addf %parallel_loop3A_479, %parallel_loop3A_528 : vector<16xf32>
      %parallel_loop3A_530 = arith.constant 0 : i32
      %parallel_loop3A_531 = arith.constant 0 : i32
      %parallel_loop3A_532 = tpu.memref_slice %arg4[%parallel_loop3A_255, %parallel_loop3A_530, %parallel_loop3A_531] : memref<2x256x128xf32, #tpu.memory_space<vmem>> -> memref<1x256x128xf32, #tpu.memory_space<vmem>>
      %parallel_loop3A_533 = tpu.memref_squeeze %parallel_loop3A_532 : memref<1x256x128xf32, #tpu.memory_space<vmem>> -> memref<256x128xf32, #tpu.memory_space<vmem>>
      %parallel_loop3A_534 = arith.index_cast %parallel_loop3A_471 : i32 to index
      %parallel_loop3A_535 = arith.constant 32 : index
      %parallel_loop3A_536 = tpu.vector_load %parallel_loop3A_533[%parallel_loop3A_534, %parallel_loop3A_535] {strides = array<i32>} : memref<256x128xf32, #tpu.memory_space<vmem>>, vector<1x16xf32>,
      %parallel_loop3A_537 = vector.shape_cast %parallel_loop3A_536 : vector<1x16xf32> to vector<16xf32>
      %parallel_loop3A_538 = arith.maximumf %parallel_loop3A_480, %parallel_loop3A_537 : vector<16xf32>
      %parallel_loop3A_539 = arith.minimumf %parallel_loop3A_481, %parallel_loop3A_537 : vector<16xf32>
      %parallel_loop3A_540 = arith.addf %parallel_loop3A_482, %parallel_loop3A_537 : vector<16xf32>
      %parallel_loop3A_541 = arith.mulf %parallel_loop3A_537, %parallel_loop3A_537 : vector<16xf32>
      %parallel_loop3A_542 = arith.addf %parallel_loop3A_483, %parallel_loop3A_541 : vector<16xf32>
      %parallel_loop3A_543 = arith.constant 0 : i32
      %parallel_loop3A_544 = arith.constant 0 : i32
      %parallel_loop3A_545 = tpu.memref_slice %arg4[%parallel_loop3A_255, %parallel_loop3A_543, %parallel_loop3A_544] : memref<2x256x128xf32, #tpu.memory_space<vmem>> -> memref<1x256x128xf32, #tpu.memory_space<vmem>>
      %parallel_loop3A_546 = tpu.memref_squeeze %parallel_loop3A_545 : memref<1x256x128xf32, #tpu.memory_space<vmem>> -> memref<256x128xf32, #tpu.memory_space<vmem>>
      %parallel_loop3A_547 = arith.index_cast %parallel_loop3A_471 : i32 to index
      %parallel_loop3A_548 = arith.constant 48 : index
      %parallel_loop3A_549 = tpu.vector_load %parallel_loop3A_546[%parallel_loop3A_547, %parallel_loop3A_548] {strides = array<i32>} : memref<256x128xf32, #tpu.memory_space<vmem>>, vector<1x16xf32>,
      %parallel_loop3A_550 = vector.shape_cast %parallel_loop3A_549 : vector<1x16xf32> to vector<16xf32>
      %parallel_loop3A_551 = arith.maximumf %parallel_loop3A_484, %parallel_loop3A_550 : vector<16xf32>
      %parallel_loop3A_552 = arith.minimumf %parallel_loop3A_485, %parallel_loop3A_550 : vector<16xf32>
      %parallel_loop3A_553 = arith.addf %parallel_loop3A_486, %parallel_loop3A_550 : vector<16xf32>
      %parallel_loop3A_554 = arith.mulf %parallel_loop3A_550, %parallel_loop3A_550 : vector<16xf32>
      %parallel_loop3A_555 = arith.addf %parallel_loop3A_487, %parallel_loop3A_554 : vector<16xf32>
      %parallel_loop3A_556 = arith.constant 0 : i32
      %parallel_loop3A_557 = arith.constant 0 : i32
      %parallel_loop3A_558 = tpu.memref_slice %arg4[%parallel_loop3A_255, %parallel_loop3A_556, %parallel_loop3A_557] : memref<2x256x128xf32, #tpu.memory_space<vmem>> -> memref<1x256x128xf32, #tpu.memory_space<vmem>>
      %parallel_loop3A_559 = tpu.memref_squeeze %parallel_loop3A_558 : memref<1x256x128xf32, #tpu.memory_space<vmem>> -> memref<256x128xf32, #tpu.memory_space<vmem>>
      %parallel_loop3A_560 = arith.index_cast %parallel_loop3A_471 : i32 to index
      %parallel_loop3A_561 = arith.constant 64 : index
      %parallel_loop3A_562 = tpu.vector_load %parallel_loop3A_559[%parallel_loop3A_560, %parallel_loop3A_561] {strides = array<i32>} : memref<256x128xf32, #tpu.memory_space<vmem>>, vector<1x16xf32>,
      %parallel_loop3A_563 = vector.shape_cast %parallel_loop3A_562 : vector<1x16xf32> to vector<16xf32>
      %parallel_loop3A_564 = arith.maximumf %parallel_loop3A_488, %parallel_loop3A_563 : vector<16xf32>
      %parallel_loop3A_565 = arith.minimumf %parallel_loop3A_489, %parallel_loop3A_563 : vector<16xf32>
      %parallel_loop3A_566 = arith.addf %parallel_loop3A_490, %parallel_loop3A_563 : vector<16xf32>
      %parallel_loop3A_567 = arith.mulf %parallel_loop3A_563, %parallel_loop3A_563 : vector<16xf32>
      %parallel_loop3A_568 = arith.addf %parallel_loop3A_491, %parallel_loop3A_567 : vector<16xf32>
      %parallel_loop3A_569 = arith.constant 0 : i32
      %parallel_loop3A_570 = arith.constant 0 : i32
      %parallel_loop3A_571 = tpu.memref_slice %arg4[%parallel_loop3A_255, %parallel_loop3A_569, %parallel_loop3A_570] : memref<2x256x128xf32, #tpu.memory_space<vmem>> -> memref<1x256x128xf32, #tpu.memory_space<vmem>>
      %parallel_loop3A_572 = tpu.memref_squeeze %parallel_loop3A_571 : memref<1x256x128xf32, #tpu.memory_space<vmem>> -> memref<256x128xf32, #tpu.memory_space<vmem>>
      %parallel_loop3A_573 = arith.index_cast %parallel_loop3A_471 : i32 to index
      %parallel_loop3A_574 = arith.constant 80 : index
      %parallel_loop3A_575 = tpu.vector_load %parallel_loop3A_572[%parallel_loop3A_573, %parallel_loop3A_574] {strides = array<i32>} : memref<256x128xf32, #tpu.memory_space<vmem>>, vector<1x16xf32>,
      %parallel_loop3A_576 = vector.shape_cast %parallel_loop3A_575 : vector<1x16xf32> to vector<16xf32>
      %parallel_loop3A_577 = arith.maximumf %parallel_loop3A_492, %parallel_loop3A_576 : vector<16xf32>
      %parallel_loop3A_578 = arith.minimumf %parallel_loop3A_493, %parallel_loop3A_576 : vector<16xf32>
      %parallel_loop3A_579 = arith.addf %parallel_loop3A_494, %parallel_loop3A_576 : vector<16xf32>
      %parallel_loop3A_580 = arith.mulf %parallel_loop3A_576, %parallel_loop3A_576 : vector<16xf32>
      %parallel_loop3A_581 = arith.addf %parallel_loop3A_495, %parallel_loop3A_580 : vector<16xf32>
      %parallel_loop3A_582 = arith.constant 0 : i32
      %parallel_loop3A_583 = arith.constant 0 : i32
      %parallel_loop3A_584 = tpu.memref_slice %arg4[%parallel_loop3A_255, %parallel_loop3A_582, %parallel_loop3A_583] : memref<2x256x128xf32, #tpu.memory_space<vmem>> -> memref<1x256x128xf32, #tpu.memory_space<vmem>>
      %parallel_loop3A_585 = tpu.memref_squeeze %parallel_loop3A_584 : memref<1x256x128xf32, #tpu.memory_space<vmem>> -> memref<256x128xf32, #tpu.memory_space<vmem>>
      %parallel_loop3A_586 = arith.index_cast %parallel_loop3A_471 : i32 to index
      %parallel_loop3A_587 = arith.constant 96 : index
      %parallel_loop3A_588 = tpu.vector_load %parallel_loop3A_585[%parallel_loop3A_586, %parallel_loop3A_587] {strides = array<i32>} : memref<256x128xf32, #tpu.memory_space<vmem>>, vector<1x16xf32>,
      %parallel_loop3A_589 = vector.shape_cast %parallel_loop3A_588 : vector<1x16xf32> to vector<16xf32>
      %parallel_loop3A_590 = arith.maximumf %parallel_loop3A_496, %parallel_loop3A_589 : vector<16xf32>
      %parallel_loop3A_591 = arith.minimumf %parallel_loop3A_497, %parallel_loop3A_589 : vector<16xf32>
      %parallel_loop3A_592 = arith.addf %parallel_loop3A_498, %parallel_loop3A_589 : vector<16xf32>
      %parallel_loop3A_593 = arith.mulf %parallel_loop3A_589, %parallel_loop3A_589 : vector<16xf32>
      %parallel_loop3A_594 = arith.addf %parallel_loop3A_499, %parallel_loop3A_593 : vector<16xf32>
      %parallel_loop3A_595 = arith.constant 0 : i32
      %parallel_loop3A_596 = arith.constant 0 : i32
      %parallel_loop3A_597 = tpu.memref_slice %arg4[%parallel_loop3A_255, %parallel_loop3A_595, %parallel_loop3A_596] : memref<2x256x128xf32, #tpu.memory_space<vmem>> -> memref<1x256x128xf32, #tpu.memory_space<vmem>>
      %parallel_loop3A_598 = tpu.memref_squeeze %parallel_loop3A_597 : memref<1x256x128xf32, #tpu.memory_space<vmem>> -> memref<256x128xf32, #tpu.memory_space<vmem>>
      %parallel_loop3A_599 = arith.index_cast %parallel_loop3A_471 : i32 to index
      %parallel_loop3A_600 = arith.constant 112 : index
      %parallel_loop3A_601 = tpu.vector_load %parallel_loop3A_598[%parallel_loop3A_599, %parallel_loop3A_600] {strides = array<i32>} : memref<256x128xf32, #tpu.memory_space<vmem>>, vector<1x16xf32>,
      %parallel_loop3A_602 = vector.shape_cast %parallel_loop3A_601 : vector<1x16xf32> to vector<16xf32>
      %parallel_loop3A_603 = arith.maximumf %parallel_loop3A_500, %parallel_loop3A_602 : vector<16xf32>
      %parallel_loop3A_604 = arith.minimumf %parallel_loop3A_501, %parallel_loop3A_602 : vector<16xf32>
      %parallel_loop3A_605 = arith.addf %parallel_loop3A_502, %parallel_loop3A_602 : vector<16xf32>
      %parallel_loop3A_606 = arith.mulf %parallel_loop3A_602, %parallel_loop3A_602 : vector<16xf32>
      %parallel_loop3A_607 = arith.addf %parallel_loop3A_503, %parallel_loop3A_606 : vector<16xf32>
      scf.yield %parallel_loop3A_512, %parallel_loop3A_513, %parallel_loop3A_514, %parallel_loop3A_516, %parallel_loop3A_525, %parallel_loop3A_526, %parallel_loop3A_527, %parallel_loop3A_529, %parallel_loop3A_538, %parallel_loop3A_539, %parallel_loop3A_540, %parallel_loop3A_542, %parallel_loop3A_551, %parallel_loop3A_552, %parallel_loop3A_553, %parallel_loop3A_555, %parallel_loop3A_564, %parallel_loop3A_565, %parallel_loop3A_566, %parallel_loop3A_568, %parallel_loop3A_577, %parallel_loop3A_578, %parallel_loop3A_579, %parallel_loop3A_581, %parallel_loop3A_590, %parallel_loop3A_591, %parallel_loop3A_592, %parallel_loop3A_594, %parallel_loop3A_603, %parallel_loop3A_604, %parallel_loop3A_605, %parallel_loop3A_607 : vector<16xf32>, vector<16xf32>, vector<16xf32>, vector<16xf32>, vector<16xf32>, vector<16xf32>, vector<16xf32>, vector<16xf32>, vector<16xf32>, vector<16xf32>, vector<16xf32>, vector<16xf32>, vector<16xf32>, vector<16xf32>, vector<16xf32>, vector<16xf32>, vector<16xf32>, vector<16xf32>, vector<16xf32>, vector<16xf32>, vector<16xf32>, vector<16xf32>, vector<16xf32>, vector<16xf32>, vector<16xf32>, vector<16xf32>, vector<16xf32>, vector<16xf32>, vector<16xf32>, vector<16xf32>, vector<16xf32>, vector<16xf32>
    } {sc.loop_unroll_factor = 8 : i64, sc.parallel_access}
    %add3A_257 = arith.constant 768 : i32
    %add3A_258 = arith.addi %mul3A_76, %add3A_257 : i32
    %dma_wait3A_259 = arith.constant 1 : i32
    %dma_wait3A_260 = arith.constant 0 : i32
    %dma_wait3A_261 = arith.constant 0 : i32
    %dma_wait3A_262 = tpu.memref_slice %arg4[%dma_wait3A_259, %dma_wait3A_260, %dma_wait3A_261] : memref<2x256x128xf32, #tpu.memory_space<vmem>> -> memref<1x256x128xf32, #tpu.memory_space<vmem>>
    %dma_wait3A_263 = tpu.memref_squeeze %dma_wait3A_262 : memref<1x256x128xf32, #tpu.memory_space<vmem>> -> memref<256x128xf32, #tpu.memory_space<vmem>>
    %dma_wait3A_264 = tpu.memref_slice %arg2[%add3A_72, %add3A_258, %mul3A_74] : memref<16x4096x256xf32, #tpu.memory_space<hbm>> -> memref<1x256x128xf32, #tpu.memory_space<hbm>>
    %dma_wait3A_265 = tpu.memref_squeeze %dma_wait3A_264 : memref<1x256x128xf32, #tpu.memory_space<hbm>> -> memref<256x128xf32, #tpu.memory_space<hbm>>
    %dma_wait3A_266 = arith.constant 0 : i32
    %dma_wait3A_267 = arith.constant 0 : i32
    %dma_wait3A_268 = tpu.memref_slice %arg4[%dma_wait3A_259, %dma_wait3A_266, %dma_wait3A_267] : memref<2x256x128xf32, #tpu.memory_space<vmem>> -> memref<1x256x128xf32, #tpu.memory_space<vmem>>
    %dma_wait3A_269 = tpu.memref_squeeze %dma_wait3A_268 : memref<1x256x128xf32, #tpu.memory_space<vmem>> -> memref<256x128xf32, #tpu.memory_space<vmem>>
    %dma_wait3A_270 = tpu.memref_slice %arg2[%add3A_72, %add3A_258, %mul3A_74] : memref<16x4096x256xf32, #tpu.memory_space<hbm>> -> memref<1x256x128xf32, #tpu.memory_space<hbm>>
    %dma_wait3A_271 = tpu.memref_squeeze %dma_wait3A_270 : memref<1x256x128xf32, #tpu.memory_space<hbm>> -> memref<256x128xf32, #tpu.memory_space<hbm>>
    tpu.wait_dma2 semaphore(%arg9 : memref<!tpu.dma_semaphore, #tpu.memory_space<semaphore_mem>>) src(%dma_wait3A_271 : memref<256x128xf32, #tpu.memory_space<hbm>>) dst(%dma_wait3A_269 : memref<256x128xf32, #tpu.memory_space<vmem>>)
    %parallel_loop3A_272 = arith.constant 0 : i32
    %parallel_loop3A_273 = arith.constant 256 : i32
    %parallel_loop3A_274 = arith.constant 1 : i32
    %parallel_loop3A_275 = arith.constant 1 : i32
    %parallel_loop3A_276:32 = scf.for %parallel_loop3A_471 = %parallel_loop3A_272 to %parallel_loop3A_273 step %parallel_loop3A_274 iter_args(%parallel_loop3A_472 = %parallel_loop3A_256#0, %parallel_loop3A_473 = %parallel_loop3A_256#1, %parallel_loop3A_474 = %parallel_loop3A_256#2, %parallel_loop3A_475 = %parallel_loop3A_256#3, %parallel_loop3A_476 = %parallel_loop3A_256#4, %parallel_loop3A_477 = %parallel_loop3A_256#5, %parallel_loop3A_478 = %parallel_loop3A_256#6, %parallel_loop3A_479 = %parallel_loop3A_256#7, %parallel_loop3A_480 = %parallel_loop3A_256#8, %parallel_loop3A_481 = %parallel_loop3A_256#9, %parallel_loop3A_482 = %parallel_loop3A_256#10, %parallel_loop3A_483 = %parallel_loop3A_256#11, %parallel_loop3A_484 = %parallel_loop3A_256#12, %parallel_loop3A_485 = %parallel_loop3A_256#13, %parallel_loop3A_486 = %parallel_loop3A_256#14, %parallel_loop3A_487 = %parallel_loop3A_256#15, %parallel_loop3A_488 = %parallel_loop3A_256#16, %parallel_loop3A_489 = %parallel_loop3A_256#17, %parallel_loop3A_490 = %parallel_loop3A_256#18, %parallel_loop3A_491 = %parallel_loop3A_256#19, %parallel_loop3A_492 = %parallel_loop3A_256#20, %parallel_loop3A_493 = %parallel_loop3A_256#21, %parallel_loop3A_494 = %parallel_loop3A_256#22, %parallel_loop3A_495 = %parallel_loop3A_256#23, %parallel_loop3A_496 = %parallel_loop3A_256#24, %parallel_loop3A_497 = %parallel_loop3A_256#25, %parallel_loop3A_498 = %parallel_loop3A_256#26, %parallel_loop3A_499 = %parallel_loop3A_256#27, %parallel_loop3A_500 = %parallel_loop3A_256#28, %parallel_loop3A_501 = %parallel_loop3A_256#29, %parallel_loop3A_502 = %parallel_loop3A_256#30, %parallel_loop3A_503 = %parallel_loop3A_256#31) -> (vector<16xf32>, vector<16xf32>, vector<16xf32>, vector<16xf32>, vector<16xf32>, vector<16xf32>, vector<16xf32>, vector<16xf32>, vector<16xf32>, vector<16xf32>, vector<16xf32>, vector<16xf32>, vector<16xf32>, vector<16xf32>, vector<16xf32>, vector<16xf32>, vector<16xf32>, vector<16xf32>, vector<16xf32>, vector<16xf32>, vector<16xf32>, vector<16xf32>, vector<16xf32>, vector<16xf32>, vector<16xf32>, vector<16xf32>, vector<16xf32>, vector<16xf32>, vector<16xf32>, vector<16xf32>, vector<16xf32>, vector<16xf32>)  : i32 {
      %parallel_loop3A_504 = arith.constant 0 : i32
      %parallel_loop3A_505 = arith.constant 0 : i32
      %parallel_loop3A_506 = tpu.memref_slice %arg4[%parallel_loop3A_275, %parallel_loop3A_504, %parallel_loop3A_505] : memref<2x256x128xf32, #tpu.memory_space<vmem>> -> memref<1x256x128xf32, #tpu.memory_space<vmem>>
      %parallel_loop3A_507 = tpu.memref_squeeze %parallel_loop3A_506 : memref<1x256x128xf32, #tpu.memory_space<vmem>> -> memref<256x128xf32, #tpu.memory_space<vmem>>
      %parallel_loop3A_508 = arith.index_cast %parallel_loop3A_471 : i32 to index
      %parallel_loop3A_509 = arith.constant 0 : index
      %parallel_loop3A_510 = tpu.vector_load %parallel_loop3A_507[%parallel_loop3A_508, %parallel_loop3A_509] {strides = array<i32>} : memref<256x128xf32, #tpu.memory_space<vmem>>, vector<1x16xf32>,
      %parallel_loop3A_511 = vector.shape_cast %parallel_loop3A_510 : vector<1x16xf32> to vector<16xf32>
      %parallel_loop3A_512 = arith.maximumf %parallel_loop3A_472, %parallel_loop3A_511 : vector<16xf32>
      %parallel_loop3A_513 = arith.minimumf %parallel_loop3A_473, %parallel_loop3A_511 : vector<16xf32>
      %parallel_loop3A_514 = arith.addf %parallel_loop3A_474, %parallel_loop3A_511 : vector<16xf32>
      %parallel_loop3A_515 = arith.mulf %parallel_loop3A_511, %parallel_loop3A_511 : vector<16xf32>
      %parallel_loop3A_516 = arith.addf %parallel_loop3A_475, %parallel_loop3A_515 : vector<16xf32>
      %parallel_loop3A_517 = arith.constant 0 : i32
      %parallel_loop3A_518 = arith.constant 0 : i32
      %parallel_loop3A_519 = tpu.memref_slice %arg4[%parallel_loop3A_275, %parallel_loop3A_517, %parallel_loop3A_518] : memref<2x256x128xf32, #tpu.memory_space<vmem>> -> memref<1x256x128xf32, #tpu.memory_space<vmem>>
      %parallel_loop3A_520 = tpu.memref_squeeze %parallel_loop3A_519 : memref<1x256x128xf32, #tpu.memory_space<vmem>> -> memref<256x128xf32, #tpu.memory_space<vmem>>
      %parallel_loop3A_521 = arith.index_cast %parallel_loop3A_471 : i32 to index
      %parallel_loop3A_522 = arith.constant 16 : index
      %parallel_loop3A_523 = tpu.vector_load %parallel_loop3A_520[%parallel_loop3A_521, %parallel_loop3A_522] {strides = array<i32>} : memref<256x128xf32, #tpu.memory_space<vmem>>, vector<1x16xf32>,
      %parallel_loop3A_524 = vector.shape_cast %parallel_loop3A_523 : vector<1x16xf32> to vector<16xf32>
      %parallel_loop3A_525 = arith.maximumf %parallel_loop3A_476, %parallel_loop3A_524 : vector<16xf32>
      %parallel_loop3A_526 = arith.minimumf %parallel_loop3A_477, %parallel_loop3A_524 : vector<16xf32>
      %parallel_loop3A_527 = arith.addf %parallel_loop3A_478, %parallel_loop3A_524 : vector<16xf32>
      %parallel_loop3A_528 = arith.mulf %parallel_loop3A_524, %parallel_loop3A_524 : vector<16xf32>
      %parallel_loop3A_529 = arith.addf %parallel_loop3A_479, %parallel_loop3A_528 : vector<16xf32>
      %parallel_loop3A_530 = arith.constant 0 : i32
      %parallel_loop3A_531 = arith.constant 0 : i32
      %parallel_loop3A_532 = tpu.memref_slice %arg4[%parallel_loop3A_275, %parallel_loop3A_530, %parallel_loop3A_531] : memref<2x256x128xf32, #tpu.memory_space<vmem>> -> memref<1x256x128xf32, #tpu.memory_space<vmem>>
      %parallel_loop3A_533 = tpu.memref_squeeze %parallel_loop3A_532 : memref<1x256x128xf32, #tpu.memory_space<vmem>> -> memref<256x128xf32, #tpu.memory_space<vmem>>
      %parallel_loop3A_534 = arith.index_cast %parallel_loop3A_471 : i32 to index
      %parallel_loop3A_535 = arith.constant 32 : index
      %parallel_loop3A_536 = tpu.vector_load %parallel_loop3A_533[%parallel_loop3A_534, %parallel_loop3A_535] {strides = array<i32>} : memref<256x128xf32, #tpu.memory_space<vmem>>, vector<1x16xf32>,
      %parallel_loop3A_537 = vector.shape_cast %parallel_loop3A_536 : vector<1x16xf32> to vector<16xf32>
      %parallel_loop3A_538 = arith.maximumf %parallel_loop3A_480, %parallel_loop3A_537 : vector<16xf32>
      %parallel_loop3A_539 = arith.minimumf %parallel_loop3A_481, %parallel_loop3A_537 : vector<16xf32>
      %parallel_loop3A_540 = arith.addf %parallel_loop3A_482, %parallel_loop3A_537 : vector<16xf32>
      %parallel_loop3A_541 = arith.mulf %parallel_loop3A_537, %parallel_loop3A_537 : vector<16xf32>
      %parallel_loop3A_542 = arith.addf %parallel_loop3A_483, %parallel_loop3A_541 : vector<16xf32>
      %parallel_loop3A_543 = arith.constant 0 : i32
      %parallel_loop3A_544 = arith.constant 0 : i32
      %parallel_loop3A_545 = tpu.memref_slice %arg4[%parallel_loop3A_275, %parallel_loop3A_543, %parallel_loop3A_544] : memref<2x256x128xf32, #tpu.memory_space<vmem>> -> memref<1x256x128xf32, #tpu.memory_space<vmem>>
      %parallel_loop3A_546 = tpu.memref_squeeze %parallel_loop3A_545 : memref<1x256x128xf32, #tpu.memory_space<vmem>> -> memref<256x128xf32, #tpu.memory_space<vmem>>
      %parallel_loop3A_547 = arith.index_cast %parallel_loop3A_471 : i32 to index
      %parallel_loop3A_548 = arith.constant 48 : index
      %parallel_loop3A_549 = tpu.vector_load %parallel_loop3A_546[%parallel_loop3A_547, %parallel_loop3A_548] {strides = array<i32>} : memref<256x128xf32, #tpu.memory_space<vmem>>, vector<1x16xf32>,
      %parallel_loop3A_550 = vector.shape_cast %parallel_loop3A_549 : vector<1x16xf32> to vector<16xf32>
      %parallel_loop3A_551 = arith.maximumf %parallel_loop3A_484, %parallel_loop3A_550 : vector<16xf32>
      %parallel_loop3A_552 = arith.minimumf %parallel_loop3A_485, %parallel_loop3A_550 : vector<16xf32>
      %parallel_loop3A_553 = arith.addf %parallel_loop3A_486, %parallel_loop3A_550 : vector<16xf32>
      %parallel_loop3A_554 = arith.mulf %parallel_loop3A_550, %parallel_loop3A_550 : vector<16xf32>
      %parallel_loop3A_555 = arith.addf %parallel_loop3A_487, %parallel_loop3A_554 : vector<16xf32>
      %parallel_loop3A_556 = arith.constant 0 : i32
      %parallel_loop3A_557 = arith.constant 0 : i32
      %parallel_loop3A_558 = tpu.memref_slice %arg4[%parallel_loop3A_275, %parallel_loop3A_556, %parallel_loop3A_557] : memref<2x256x128xf32, #tpu.memory_space<vmem>> -> memref<1x256x128xf32, #tpu.memory_space<vmem>>
      %parallel_loop3A_559 = tpu.memref_squeeze %parallel_loop3A_558 : memref<1x256x128xf32, #tpu.memory_space<vmem>> -> memref<256x128xf32, #tpu.memory_space<vmem>>
      %parallel_loop3A_560 = arith.index_cast %parallel_loop3A_471 : i32 to index
      %parallel_loop3A_561 = arith.constant 64 : index
      %parallel_loop3A_562 = tpu.vector_load %parallel_loop3A_559[%parallel_loop3A_560, %parallel_loop3A_561] {strides = array<i32>} : memref<256x128xf32, #tpu.memory_space<vmem>>, vector<1x16xf32>,
      %parallel_loop3A_563 = vector.shape_cast %parallel_loop3A_562 : vector<1x16xf32> to vector<16xf32>
      %parallel_loop3A_564 = arith.maximumf %parallel_loop3A_488, %parallel_loop3A_563 : vector<16xf32>
      %parallel_loop3A_565 = arith.minimumf %parallel_loop3A_489, %parallel_loop3A_563 : vector<16xf32>
      %parallel_loop3A_566 = arith.addf %parallel_loop3A_490, %parallel_loop3A_563 : vector<16xf32>
      %parallel_loop3A_567 = arith.mulf %parallel_loop3A_563, %parallel_loop3A_563 : vector<16xf32>
      %parallel_loop3A_568 = arith.addf %parallel_loop3A_491, %parallel_loop3A_567 : vector<16xf32>
      %parallel_loop3A_569 = arith.constant 0 : i32
      %parallel_loop3A_570 = arith.constant 0 : i32
      %parallel_loop3A_571 = tpu.memref_slice %arg4[%parallel_loop3A_275, %parallel_loop3A_569, %parallel_loop3A_570] : memref<2x256x128xf32, #tpu.memory_space<vmem>> -> memref<1x256x128xf32, #tpu.memory_space<vmem>>
      %parallel_loop3A_572 = tpu.memref_squeeze %parallel_loop3A_571 : memref<1x256x128xf32, #tpu.memory_space<vmem>> -> memref<256x128xf32, #tpu.memory_space<vmem>>
      %parallel_loop3A_573 = arith.index_cast %parallel_loop3A_471 : i32 to index
      %parallel_loop3A_574 = arith.constant 80 : index
      %parallel_loop3A_575 = tpu.vector_load %parallel_loop3A_572[%parallel_loop3A_573, %parallel_loop3A_574] {strides = array<i32>} : memref<256x128xf32, #tpu.memory_space<vmem>>, vector<1x16xf32>,
      %parallel_loop3A_576 = vector.shape_cast %parallel_loop3A_575 : vector<1x16xf32> to vector<16xf32>
      %parallel_loop3A_577 = arith.maximumf %parallel_loop3A_492, %parallel_loop3A_576 : vector<16xf32>
      %parallel_loop3A_578 = arith.minimumf %parallel_loop3A_493, %parallel_loop3A_576 : vector<16xf32>
      %parallel_loop3A_579 = arith.addf %parallel_loop3A_494, %parallel_loop3A_576 : vector<16xf32>
      %parallel_loop3A_580 = arith.mulf %parallel_loop3A_576, %parallel_loop3A_576 : vector<16xf32>
      %parallel_loop3A_581 = arith.addf %parallel_loop3A_495, %parallel_loop3A_580 : vector<16xf32>
      %parallel_loop3A_582 = arith.constant 0 : i32
      %parallel_loop3A_583 = arith.constant 0 : i32
      %parallel_loop3A_584 = tpu.memref_slice %arg4[%parallel_loop3A_275, %parallel_loop3A_582, %parallel_loop3A_583] : memref<2x256x128xf32, #tpu.memory_space<vmem>> -> memref<1x256x128xf32, #tpu.memory_space<vmem>>
      %parallel_loop3A_585 = tpu.memref_squeeze %parallel_loop3A_584 : memref<1x256x128xf32, #tpu.memory_space<vmem>> -> memref<256x128xf32, #tpu.memory_space<vmem>>
      %parallel_loop3A_586 = arith.index_cast %parallel_loop3A_471 : i32 to index
      %parallel_loop3A_587 = arith.constant 96 : index
      %parallel_loop3A_588 = tpu.vector_load %parallel_loop3A_585[%parallel_loop3A_586, %parallel_loop3A_587] {strides = array<i32>} : memref<256x128xf32, #tpu.memory_space<vmem>>, vector<1x16xf32>,
      %parallel_loop3A_589 = vector.shape_cast %parallel_loop3A_588 : vector<1x16xf32> to vector<16xf32>
      %parallel_loop3A_590 = arith.maximumf %parallel_loop3A_496, %parallel_loop3A_589 : vector<16xf32>
      %parallel_loop3A_591 = arith.minimumf %parallel_loop3A_497, %parallel_loop3A_589 : vector<16xf32>
      %parallel_loop3A_592 = arith.addf %parallel_loop3A_498, %parallel_loop3A_589 : vector<16xf32>
      %parallel_loop3A_593 = arith.mulf %parallel_loop3A_589, %parallel_loop3A_589 : vector<16xf32>
      %parallel_loop3A_594 = arith.addf %parallel_loop3A_499, %parallel_loop3A_593 : vector<16xf32>
      %parallel_loop3A_595 = arith.constant 0 : i32
      %parallel_loop3A_596 = arith.constant 0 : i32
      %parallel_loop3A_597 = tpu.memref_slice %arg4[%parallel_loop3A_275, %parallel_loop3A_595, %parallel_loop3A_596] : memref<2x256x128xf32, #tpu.memory_space<vmem>> -> memref<1x256x128xf32, #tpu.memory_space<vmem>>
      %parallel_loop3A_598 = tpu.memref_squeeze %parallel_loop3A_597 : memref<1x256x128xf32, #tpu.memory_space<vmem>> -> memref<256x128xf32, #tpu.memory_space<vmem>>
      %parallel_loop3A_599 = arith.index_cast %parallel_loop3A_471 : i32 to index
      %parallel_loop3A_600 = arith.constant 112 : index
      %parallel_loop3A_601 = tpu.vector_load %parallel_loop3A_598[%parallel_loop3A_599, %parallel_loop3A_600] {strides = array<i32>} : memref<256x128xf32, #tpu.memory_space<vmem>>, vector<1x16xf32>,
      %parallel_loop3A_602 = vector.shape_cast %parallel_loop3A_601 : vector<1x16xf32> to vector<16xf32>
      %parallel_loop3A_603 = arith.maximumf %parallel_loop3A_500, %parallel_loop3A_602 : vector<16xf32>
      %parallel_loop3A_604 = arith.minimumf %parallel_loop3A_501, %parallel_loop3A_602 : vector<16xf32>
      %parallel_loop3A_605 = arith.addf %parallel_loop3A_502, %parallel_loop3A_602 : vector<16xf32>
      %parallel_loop3A_606 = arith.mulf %parallel_loop3A_602, %parallel_loop3A_602 : vector<16xf32>
      %parallel_loop3A_607 = arith.addf %parallel_loop3A_503, %parallel_loop3A_606 : vector<16xf32>
      scf.yield %parallel_loop3A_512, %parallel_loop3A_513, %parallel_loop3A_514, %parallel_loop3A_516, %parallel_loop3A_525, %parallel_loop3A_526, %parallel_loop3A_527, %parallel_loop3A_529, %parallel_loop3A_538, %parallel_loop3A_539, %parallel_loop3A_540, %parallel_loop3A_542, %parallel_loop3A_551, %parallel_loop3A_552, %parallel_loop3A_553, %parallel_loop3A_555, %parallel_loop3A_564, %parallel_loop3A_565, %parallel_loop3A_566, %parallel_loop3A_568, %parallel_loop3A_577, %parallel_loop3A_578, %parallel_loop3A_579, %parallel_loop3A_581, %parallel_loop3A_590, %parallel_loop3A_591, %parallel_loop3A_592, %parallel_loop3A_594, %parallel_loop3A_603, %parallel_loop3A_604, %parallel_loop3A_605, %parallel_loop3A_607 : vector<16xf32>, vector<16xf32>, vector<16xf32>, vector<16xf32>, vector<16xf32>, vector<16xf32>, vector<16xf32>, vector<16xf32>, vector<16xf32>, vector<16xf32>, vector<16xf32>, vector<16xf32>, vector<16xf32>, vector<16xf32>, vector<16xf32>, vector<16xf32>, vector<16xf32>, vector<16xf32>, vector<16xf32>, vector<16xf32>, vector<16xf32>, vector<16xf32>, vector<16xf32>, vector<16xf32>, vector<16xf32>, vector<16xf32>, vector<16xf32>, vector<16xf32>, vector<16xf32>, vector<16xf32>, vector<16xf32>, vector<16xf32>
    } {sc.loop_unroll_factor = 8 : i64, sc.parallel_access}
    %swap3A = arith.constant 0 : i32
    %swap3A_277 = arith.index_cast %swap3A : i32 to index
    %swap3A_278 = arith.constant 0 : index
    %swap3A_279 = tpu.vector_load %arg5[%swap3A_277, %swap3A_278] {strides = array<i32>} : memref<4x128xf32, #tpu.memory_space<vmem>>, vector<1x16xf32>,
    %swap3A_280 = vector.shape_cast %swap3A_279 : vector<1x16xf32> to vector<16xf32>
    %swap3A_281 = vector.shape_cast %parallel_loop3A_276#0 : vector<16xf32> to vector<1x16xf32>
    tpu.vector_store %arg5[%swap3A_277, %swap3A_278], %swap3A_281 {strides = array<i32>} : memref<4x128xf32, #tpu.memory_space<vmem>>, vector<1x16xf32>,
    %swap3A_282 = arith.constant 1 : i32
    %swap3A_283 = arith.index_cast %swap3A_282 : i32 to index
    %swap3A_284 = arith.constant 0 : index
    %swap3A_285 = tpu.vector_load %arg5[%swap3A_283, %swap3A_284] {strides = array<i32>} : memref<4x128xf32, #tpu.memory_space<vmem>>, vector<1x16xf32>,
    %swap3A_286 = vector.shape_cast %swap3A_285 : vector<1x16xf32> to vector<16xf32>
    %swap3A_287 = vector.shape_cast %parallel_loop3A_276#1 : vector<16xf32> to vector<1x16xf32>
    tpu.vector_store %arg5[%swap3A_283, %swap3A_284], %swap3A_287 {strides = array<i32>} : memref<4x128xf32, #tpu.memory_space<vmem>>, vector<1x16xf32>,
    %swap3A_288 = arith.constant 2 : i32
    %swap3A_289 = arith.index_cast %swap3A_288 : i32 to index
    %swap3A_290 = arith.constant 0 : index
    %swap3A_291 = tpu.vector_load %arg5[%swap3A_289, %swap3A_290] {strides = array<i32>} : memref<4x128xf32, #tpu.memory_space<vmem>>, vector<1x16xf32>,
    %swap3A_292 = vector.shape_cast %swap3A_291 : vector<1x16xf32> to vector<16xf32>
    %swap3A_293 = vector.shape_cast %parallel_loop3A_276#2 : vector<16xf32> to vector<1x16xf32>
    tpu.vector_store %arg5[%swap3A_289, %swap3A_290], %swap3A_293 {strides = array<i32>} : memref<4x128xf32, #tpu.memory_space<vmem>>, vector<1x16xf32>,
    %swap3A_294 = arith.constant 3 : i32
    %swap3A_295 = arith.index_cast %swap3A_294 : i32 to index
    %swap3A_296 = arith.constant 0 : index
    %swap3A_297 = tpu.vector_load %arg5[%swap3A_295, %swap3A_296] {strides = array<i32>} : memref<4x128xf32, #tpu.memory_space<vmem>>, vector<1x16xf32>,
    %swap3A_298 = vector.shape_cast %swap3A_297 : vector<1x16xf32> to vector<16xf32>
    %swap3A_299 = vector.shape_cast %parallel_loop3A_276#3 : vector<16xf32> to vector<1x16xf32>
    tpu.vector_store %arg5[%swap3A_295, %swap3A_296], %swap3A_299 {strides = array<i32>} : memref<4x128xf32, #tpu.memory_space<vmem>>, vector<1x16xf32>,
    %swap3A_300 = arith.constant 0 : i32
    %swap3A_301 = arith.index_cast %swap3A_300 : i32 to index
    %swap3A_302 = arith.constant 16 : index
    %swap3A_303 = tpu.vector_load %arg5[%swap3A_301, %swap3A_302] {strides = array<i32>} : memref<4x128xf32, #tpu.memory_space<vmem>>, vector<1x16xf32>,
    %swap3A_304 = vector.shape_cast %swap3A_303 : vector<1x16xf32> to vector<16xf32>
    %swap3A_305 = vector.shape_cast %parallel_loop3A_276#4 : vector<16xf32> to vector<1x16xf32>
    tpu.vector_store %arg5[%swap3A_301, %swap3A_302], %swap3A_305 {strides = array<i32>} : memref<4x128xf32, #tpu.memory_space<vmem>>, vector<1x16xf32>,
    %swap3A_306 = arith.constant 1 : i32
    %swap3A_307 = arith.index_cast %swap3A_306 : i32 to index
    %swap3A_308 = arith.constant 16 : index
    %swap3A_309 = tpu.vector_load %arg5[%swap3A_307, %swap3A_308] {strides = array<i32>} : memref<4x128xf32, #tpu.memory_space<vmem>>, vector<1x16xf32>,
    %swap3A_310 = vector.shape_cast %swap3A_309 : vector<1x16xf32> to vector<16xf32>
    %swap3A_311 = vector.shape_cast %parallel_loop3A_276#5 : vector<16xf32> to vector<1x16xf32>
    tpu.vector_store %arg5[%swap3A_307, %swap3A_308], %swap3A_311 {strides = array<i32>} : memref<4x128xf32, #tpu.memory_space<vmem>>, vector<1x16xf32>,
    %swap3A_312 = arith.constant 2 : i32
    %swap3A_313 = arith.index_cast %swap3A_312 : i32 to index
    %swap3A_314 = arith.constant 16 : index
    %swap3A_315 = tpu.vector_load %arg5[%swap3A_313, %swap3A_314] {strides = array<i32>} : memref<4x128xf32, #tpu.memory_space<vmem>>, vector<1x16xf32>,
    %swap3A_316 = vector.shape_cast %swap3A_315 : vector<1x16xf32> to vector<16xf32>
    %swap3A_317 = vector.shape_cast %parallel_loop3A_276#6 : vector<16xf32> to vector<1x16xf32>
    tpu.vector_store %arg5[%swap3A_313, %swap3A_314], %swap3A_317 {strides = array<i32>} : memref<4x128xf32, #tpu.memory_space<vmem>>, vector<1x16xf32>,
    %swap3A_318 = arith.constant 3 : i32
    %swap3A_319 = arith.index_cast %swap3A_318 : i32 to index
    %swap3A_320 = arith.constant 16 : index
    %swap3A_321 = tpu.vector_load %arg5[%swap3A_319, %swap3A_320] {strides = array<i32>} : memref<4x128xf32, #tpu.memory_space<vmem>>, vector<1x16xf32>,
    %swap3A_322 = vector.shape_cast %swap3A_321 : vector<1x16xf32> to vector<16xf32>
    %swap3A_323 = vector.shape_cast %parallel_loop3A_276#7 : vector<16xf32> to vector<1x16xf32>
    tpu.vector_store %arg5[%swap3A_319, %swap3A_320], %swap3A_323 {strides = array<i32>} : memref<4x128xf32, #tpu.memory_space<vmem>>, vector<1x16xf32>,
    %swap3A_324 = arith.constant 0 : i32
    %swap3A_325 = arith.index_cast %swap3A_324 : i32 to index
    %swap3A_326 = arith.constant 32 : index
    %swap3A_327 = tpu.vector_load %arg5[%swap3A_325, %swap3A_326] {strides = array<i32>} : memref<4x128xf32, #tpu.memory_space<vmem>>, vector<1x16xf32>,
    %swap3A_328 = vector.shape_cast %swap3A_327 : vector<1x16xf32> to vector<16xf32>
    %swap3A_329 = vector.shape_cast %parallel_loop3A_276#8 : vector<16xf32> to vector<1x16xf32>
    tpu.vector_store %arg5[%swap3A_325, %swap3A_326], %swap3A_329 {strides = array<i32>} : memref<4x128xf32, #tpu.memory_space<vmem>>, vector<1x16xf32>,
    %swap3A_330 = arith.constant 1 : i32
    %swap3A_331 = arith.index_cast %swap3A_330 : i32 to index
    %swap3A_332 = arith.constant 32 : index
    %swap3A_333 = tpu.vector_load %arg5[%swap3A_331, %swap3A_332] {strides = array<i32>} : memref<4x128xf32, #tpu.memory_space<vmem>>, vector<1x16xf32>,
    %swap3A_334 = vector.shape_cast %swap3A_333 : vector<1x16xf32> to vector<16xf32>
    %swap3A_335 = vector.shape_cast %parallel_loop3A_276#9 : vector<16xf32> to vector<1x16xf32>
    tpu.vector_store %arg5[%swap3A_331, %swap3A_332], %swap3A_335 {strides = array<i32>} : memref<4x128xf32, #tpu.memory_space<vmem>>, vector<1x16xf32>,
    %swap3A_336 = arith.constant 2 : i32
    %swap3A_337 = arith.index_cast %swap3A_336 : i32 to index
    %swap3A_338 = arith.constant 32 : index
    %swap3A_339 = tpu.vector_load %arg5[%swap3A_337, %swap3A_338] {strides = array<i32>} : memref<4x128xf32, #tpu.memory_space<vmem>>, vector<1x16xf32>,
    %swap3A_340 = vector.shape_cast %swap3A_339 : vector<1x16xf32> to vector<16xf32>
    %swap3A_341 = vector.shape_cast %parallel_loop3A_276#10 : vector<16xf32> to vector<1x16xf32>
    tpu.vector_store %arg5[%swap3A_337, %swap3A_338], %swap3A_341 {strides = array<i32>} : memref<4x128xf32, #tpu.memory_space<vmem>>, vector<1x16xf32>,
    %swap3A_342 = arith.constant 3 : i32
    %swap3A_343 = arith.index_cast %swap3A_342 : i32 to index
    %swap3A_344 = arith.constant 32 : index
    %swap3A_345 = tpu.vector_load %arg5[%swap3A_343, %swap3A_344] {strides = array<i32>} : memref<4x128xf32, #tpu.memory_space<vmem>>, vector<1x16xf32>,
    %swap3A_346 = vector.shape_cast %swap3A_345 : vector<1x16xf32> to vector<16xf32>
    %swap3A_347 = vector.shape_cast %parallel_loop3A_276#11 : vector<16xf32> to vector<1x16xf32>
    tpu.vector_store %arg5[%swap3A_343, %swap3A_344], %swap3A_347 {strides = array<i32>} : memref<4x128xf32, #tpu.memory_space<vmem>>, vector<1x16xf32>,
    %swap3A_348 = arith.constant 0 : i32
    %swap3A_349 = arith.index_cast %swap3A_348 : i32 to index
    %swap3A_350 = arith.constant 48 : index
    %swap3A_351 = tpu.vector_load %arg5[%swap3A_349, %swap3A_350] {strides = array<i32>} : memref<4x128xf32, #tpu.memory_space<vmem>>, vector<1x16xf32>,
    %swap3A_352 = vector.shape_cast %swap3A_351 : vector<1x16xf32> to vector<16xf32>
    %swap3A_353 = vector.shape_cast %parallel_loop3A_276#12 : vector<16xf32> to vector<1x16xf32>
    tpu.vector_store %arg5[%swap3A_349, %swap3A_350], %swap3A_353 {strides = array<i32>} : memref<4x128xf32, #tpu.memory_space<vmem>>, vector<1x16xf32>,
    %swap3A_354 = arith.constant 1 : i32
    %swap3A_355 = arith.index_cast %swap3A_354 : i32 to index
    %swap3A_356 = arith.constant 48 : index
    %swap3A_357 = tpu.vector_load %arg5[%swap3A_355, %swap3A_356] {strides = array<i32>} : memref<4x128xf32, #tpu.memory_space<vmem>>, vector<1x16xf32>,
    %swap3A_358 = vector.shape_cast %swap3A_357 : vector<1x16xf32> to vector<16xf32>
    %swap3A_359 = vector.shape_cast %parallel_loop3A_276#13 : vector<16xf32> to vector<1x16xf32>
    tpu.vector_store %arg5[%swap3A_355, %swap3A_356], %swap3A_359 {strides = array<i32>} : memref<4x128xf32, #tpu.memory_space<vmem>>, vector<1x16xf32>,
    %swap3A_360 = arith.constant 2 : i32
    %swap3A_361 = arith.index_cast %swap3A_360 : i32 to index
    %swap3A_362 = arith.constant 48 : index
    %swap3A_363 = tpu.vector_load %arg5[%swap3A_361, %swap3A_362] {strides = array<i32>} : memref<4x128xf32, #tpu.memory_space<vmem>>, vector<1x16xf32>,
    %swap3A_364 = vector.shape_cast %swap3A_363 : vector<1x16xf32> to vector<16xf32>
    %swap3A_365 = vector.shape_cast %parallel_loop3A_276#14 : vector<16xf32> to vector<1x16xf32>
    tpu.vector_store %arg5[%swap3A_361, %swap3A_362], %swap3A_365 {strides = array<i32>} : memref<4x128xf32, #tpu.memory_space<vmem>>, vector<1x16xf32>,
    %swap3A_366 = arith.constant 3 : i32
    %swap3A_367 = arith.index_cast %swap3A_366 : i32 to index
    %swap3A_368 = arith.constant 48 : index
    %swap3A_369 = tpu.vector_load %arg5[%swap3A_367, %swap3A_368] {strides = array<i32>} : memref<4x128xf32, #tpu.memory_space<vmem>>, vector<1x16xf32>,
    %swap3A_370 = vector.shape_cast %swap3A_369 : vector<1x16xf32> to vector<16xf32>
    %swap3A_371 = vector.shape_cast %parallel_loop3A_276#15 : vector<16xf32> to vector<1x16xf32>
    tpu.vector_store %arg5[%swap3A_367, %swap3A_368], %swap3A_371 {strides = array<i32>} : memref<4x128xf32, #tpu.memory_space<vmem>>, vector<1x16xf32>,
    %swap3A_372 = arith.constant 0 : i32
    %swap3A_373 = arith.index_cast %swap3A_372 : i32 to index
    %swap3A_374 = arith.constant 64 : index
    %swap3A_375 = tpu.vector_load %arg5[%swap3A_373, %swap3A_374] {strides = array<i32>} : memref<4x128xf32, #tpu.memory_space<vmem>>, vector<1x16xf32>,
    %swap3A_376 = vector.shape_cast %swap3A_375 : vector<1x16xf32> to vector<16xf32>
    %swap3A_377 = vector.shape_cast %parallel_loop3A_276#16 : vector<16xf32> to vector<1x16xf32>
    tpu.vector_store %arg5[%swap3A_373, %swap3A_374], %swap3A_377 {strides = array<i32>} : memref<4x128xf32, #tpu.memory_space<vmem>>, vector<1x16xf32>,
    %swap3A_378 = arith.constant 1 : i32
    %swap3A_379 = arith.index_cast %swap3A_378 : i32 to index
    %swap3A_380 = arith.constant 64 : index
    %swap3A_381 = tpu.vector_load %arg5[%swap3A_379, %swap3A_380] {strides = array<i32>} : memref<4x128xf32, #tpu.memory_space<vmem>>, vector<1x16xf32>,
    %swap3A_382 = vector.shape_cast %swap3A_381 : vector<1x16xf32> to vector<16xf32>
    %swap3A_383 = vector.shape_cast %parallel_loop3A_276#17 : vector<16xf32> to vector<1x16xf32>
    tpu.vector_store %arg5[%swap3A_379, %swap3A_380], %swap3A_383 {strides = array<i32>} : memref<4x128xf32, #tpu.memory_space<vmem>>, vector<1x16xf32>,
    %swap3A_384 = arith.constant 2 : i32
    %swap3A_385 = arith.index_cast %swap3A_384 : i32 to index
    %swap3A_386 = arith.constant 64 : index
    %swap3A_387 = tpu.vector_load %arg5[%swap3A_385, %swap3A_386] {strides = array<i32>} : memref<4x128xf32, #tpu.memory_space<vmem>>, vector<1x16xf32>,
    %swap3A_388 = vector.shape_cast %swap3A_387 : vector<1x16xf32> to vector<16xf32>
    %swap3A_389 = vector.shape_cast %parallel_loop3A_276#18 : vector<16xf32> to vector<1x16xf32>
    tpu.vector_store %arg5[%swap3A_385, %swap3A_386], %swap3A_389 {strides = array<i32>} : memref<4x128xf32, #tpu.memory_space<vmem>>, vector<1x16xf32>,
    %swap3A_390 = arith.constant 3 : i32
    %swap3A_391 = arith.index_cast %swap3A_390 : i32 to index
    %swap3A_392 = arith.constant 64 : index
    %swap3A_393 = tpu.vector_load %arg5[%swap3A_391, %swap3A_392] {strides = array<i32>} : memref<4x128xf32, #tpu.memory_space<vmem>>, vector<1x16xf32>,
    %swap3A_394 = vector.shape_cast %swap3A_393 : vector<1x16xf32> to vector<16xf32>
    %swap3A_395 = vector.shape_cast %parallel_loop3A_276#19 : vector<16xf32> to vector<1x16xf32>
    tpu.vector_store %arg5[%swap3A_391, %swap3A_392], %swap3A_395 {strides = array<i32>} : memref<4x128xf32, #tpu.memory_space<vmem>>, vector<1x16xf32>,
    %swap3A_396 = arith.constant 0 : i32
    %swap3A_397 = arith.index_cast %swap3A_396 : i32 to index
    %swap3A_398 = arith.constant 80 : index
    %swap3A_399 = tpu.vector_load %arg5[%swap3A_397, %swap3A_398] {strides = array<i32>} : memref<4x128xf32, #tpu.memory_space<vmem>>, vector<1x16xf32>,
    %swap3A_400 = vector.shape_cast %swap3A_399 : vector<1x16xf32> to vector<16xf32>
    %swap3A_401 = vector.shape_cast %parallel_loop3A_276#20 : vector<16xf32> to vector<1x16xf32>
    tpu.vector_store %arg5[%swap3A_397, %swap3A_398], %swap3A_401 {strides = array<i32>} : memref<4x128xf32, #tpu.memory_space<vmem>>, vector<1x16xf32>,
    %swap3A_402 = arith.constant 1 : i32
    %swap3A_403 = arith.index_cast %swap3A_402 : i32 to index
    %swap3A_404 = arith.constant 80 : index
    %swap3A_405 = tpu.vector_load %arg5[%swap3A_403, %swap3A_404] {strides = array<i32>} : memref<4x128xf32, #tpu.memory_space<vmem>>, vector<1x16xf32>,
    %swap3A_406 = vector.shape_cast %swap3A_405 : vector<1x16xf32> to vector<16xf32>
    %swap3A_407 = vector.shape_cast %parallel_loop3A_276#21 : vector<16xf32> to vector<1x16xf32>
    tpu.vector_store %arg5[%swap3A_403, %swap3A_404], %swap3A_407 {strides = array<i32>} : memref<4x128xf32, #tpu.memory_space<vmem>>, vector<1x16xf32>,
    %swap3A_408 = arith.constant 2 : i32
    %swap3A_409 = arith.index_cast %swap3A_408 : i32 to index
    %swap3A_410 = arith.constant 80 : index
    %swap3A_411 = tpu.vector_load %arg5[%swap3A_409, %swap3A_410] {strides = array<i32>} : memref<4x128xf32, #tpu.memory_space<vmem>>, vector<1x16xf32>,
    %swap3A_412 = vector.shape_cast %swap3A_411 : vector<1x16xf32> to vector<16xf32>
    %swap3A_413 = vector.shape_cast %parallel_loop3A_276#22 : vector<16xf32> to vector<1x16xf32>
    tpu.vector_store %arg5[%swap3A_409, %swap3A_410], %swap3A_413 {strides = array<i32>} : memref<4x128xf32, #tpu.memory_space<vmem>>, vector<1x16xf32>,
    %swap3A_414 = arith.constant 3 : i32
    %swap3A_415 = arith.index_cast %swap3A_414 : i32 to index
    %swap3A_416 = arith.constant 80 : index
    %swap3A_417 = tpu.vector_load %arg5[%swap3A_415, %swap3A_416] {strides = array<i32>} : memref<4x128xf32, #tpu.memory_space<vmem>>, vector<1x16xf32>,
    %swap3A_418 = vector.shape_cast %swap3A_417 : vector<1x16xf32> to vector<16xf32>
    %swap3A_419 = vector.shape_cast %parallel_loop3A_276#23 : vector<16xf32> to vector<1x16xf32>
    tpu.vector_store %arg5[%swap3A_415, %swap3A_416], %swap3A_419 {strides = array<i32>} : memref<4x128xf32, #tpu.memory_space<vmem>>, vector<1x16xf32>,
    %swap3A_420 = arith.constant 0 : i32
    %swap3A_421 = arith.index_cast %swap3A_420 : i32 to index
    %swap3A_422 = arith.constant 96 : index
    %swap3A_423 = tpu.vector_load %arg5[%swap3A_421, %swap3A_422] {strides = array<i32>} : memref<4x128xf32, #tpu.memory_space<vmem>>, vector<1x16xf32>,
    %swap3A_424 = vector.shape_cast %swap3A_423 : vector<1x16xf32> to vector<16xf32>
    %swap3A_425 = vector.shape_cast %parallel_loop3A_276#24 : vector<16xf32> to vector<1x16xf32>
    tpu.vector_store %arg5[%swap3A_421, %swap3A_422], %swap3A_425 {strides = array<i32>} : memref<4x128xf32, #tpu.memory_space<vmem>>, vector<1x16xf32>,
    %swap3A_426 = arith.constant 1 : i32
    %swap3A_427 = arith.index_cast %swap3A_426 : i32 to index
    %swap3A_428 = arith.constant 96 : index
    %swap3A_429 = tpu.vector_load %arg5[%swap3A_427, %swap3A_428] {strides = array<i32>} : memref<4x128xf32, #tpu.memory_space<vmem>>, vector<1x16xf32>,
    %swap3A_430 = vector.shape_cast %swap3A_429 : vector<1x16xf32> to vector<16xf32>
    %swap3A_431 = vector.shape_cast %parallel_loop3A_276#25 : vector<16xf32> to vector<1x16xf32>
    tpu.vector_store %arg5[%swap3A_427, %swap3A_428], %swap3A_431 {strides = array<i32>} : memref<4x128xf32, #tpu.memory_space<vmem>>, vector<1x16xf32>,
    %swap3A_432 = arith.constant 2 : i32
    %swap3A_433 = arith.index_cast %swap3A_432 : i32 to index
    %swap3A_434 = arith.constant 96 : index
    %swap3A_435 = tpu.vector_load %arg5[%swap3A_433, %swap3A_434] {strides = array<i32>} : memref<4x128xf32, #tpu.memory_space<vmem>>, vector<1x16xf32>,
    %swap3A_436 = vector.shape_cast %swap3A_435 : vector<1x16xf32> to vector<16xf32>
    %swap3A_437 = vector.shape_cast %parallel_loop3A_276#26 : vector<16xf32> to vector<1x16xf32>
    tpu.vector_store %arg5[%swap3A_433, %swap3A_434], %swap3A_437 {strides = array<i32>} : memref<4x128xf32, #tpu.memory_space<vmem>>, vector<1x16xf32>,
    %swap3A_438 = arith.constant 3 : i32
    %swap3A_439 = arith.index_cast %swap3A_438 : i32 to index
    %swap3A_440 = arith.constant 96 : index
    %swap3A_441 = tpu.vector_load %arg5[%swap3A_439, %swap3A_440] {strides = array<i32>} : memref<4x128xf32, #tpu.memory_space<vmem>>, vector<1x16xf32>,
    %swap3A_442 = vector.shape_cast %swap3A_441 : vector<1x16xf32> to vector<16xf32>
    %swap3A_443 = vector.shape_cast %parallel_loop3A_276#27 : vector<16xf32> to vector<1x16xf32>
    tpu.vector_store %arg5[%swap3A_439, %swap3A_440], %swap3A_443 {strides = array<i32>} : memref<4x128xf32, #tpu.memory_space<vmem>>, vector<1x16xf32>,
    %swap3A_444 = arith.constant 0 : i32
    %swap3A_445 = arith.index_cast %swap3A_444 : i32 to index
    %swap3A_446 = arith.constant 112 : index
    %swap3A_447 = tpu.vector_load %arg5[%swap3A_445, %swap3A_446] {strides = array<i32>} : memref<4x128xf32, #tpu.memory_space<vmem>>, vector<1x16xf32>,
    %swap3A_448 = vector.shape_cast %swap3A_447 : vector<1x16xf32> to vector<16xf32>
    %swap3A_449 = vector.shape_cast %parallel_loop3A_276#28 : vector<16xf32> to vector<1x16xf32>
    tpu.vector_store %arg5[%swap3A_445, %swap3A_446], %swap3A_449 {strides = array<i32>} : memref<4x128xf32, #tpu.memory_space<vmem>>, vector<1x16xf32>,
    %swap3A_450 = arith.constant 1 : i32
    %swap3A_451 = arith.index_cast %swap3A_450 : i32 to index
    %swap3A_452 = arith.constant 112 : index
    %swap3A_453 = tpu.vector_load %arg5[%swap3A_451, %swap3A_452] {strides = array<i32>} : memref<4x128xf32, #tpu.memory_space<vmem>>, vector<1x16xf32>,
    %swap3A_454 = vector.shape_cast %swap3A_453 : vector<1x16xf32> to vector<16xf32>
    %swap3A_455 = vector.shape_cast %parallel_loop3A_276#29 : vector<16xf32> to vector<1x16xf32>
    tpu.vector_store %arg5[%swap3A_451, %swap3A_452], %swap3A_455 {strides = array<i32>} : memref<4x128xf32, #tpu.memory_space<vmem>>, vector<1x16xf32>,
    %swap3A_456 = arith.constant 2 : i32
    %swap3A_457 = arith.index_cast %swap3A_456 : i32 to index
    %swap3A_458 = arith.constant 112 : index
    %swap3A_459 = tpu.vector_load %arg5[%swap3A_457, %swap3A_458] {strides = array<i32>} : memref<4x128xf32, #tpu.memory_space<vmem>>, vector<1x16xf32>,
    %swap3A_460 = vector.shape_cast %swap3A_459 : vector<1x16xf32> to vector<16xf32>
    %swap3A_461 = vector.shape_cast %parallel_loop3A_276#30 : vector<16xf32> to vector<1x16xf32>
    tpu.vector_store %arg5[%swap3A_457, %swap3A_458], %swap3A_461 {strides = array<i32>} : memref<4x128xf32, #tpu.memory_space<vmem>>, vector<1x16xf32>,
    %swap3A_462 = arith.constant 3 : i32
    %swap3A_463 = arith.index_cast %swap3A_462 : i32 to index
    %swap3A_464 = arith.constant 112 : index
    %swap3A_465 = tpu.vector_load %arg5[%swap3A_463, %swap3A_464] {strides = array<i32>} : memref<4x128xf32, #tpu.memory_space<vmem>>, vector<1x16xf32>,
    %swap3A_466 = vector.shape_cast %swap3A_465 : vector<1x16xf32> to vector<16xf32>
    %swap3A_467 = vector.shape_cast %parallel_loop3A_276#31 : vector<16xf32> to vector<1x16xf32>
    tpu.vector_store %arg5[%swap3A_463, %swap3A_464], %swap3A_467 {strides = array<i32>} : memref<4x128xf32, #tpu.memory_space<vmem>>, vector<1x16xf32>,
    "tpu.region"() ({
      %run_scoped3A = tpu.sem_alloc : memref<!tpu.dma_semaphore, #tpu.memory_space<semaphore_mem>>
      %dma_start3A_471 = arith.constant 0 : i32
      %dma_start3A_472 = arith.constant 0 : i32
      %dma_start3A_473 = tpu.memref_slice %arg7[%arg1, %dma_start3A_471, %dma_start3A_472] : memref<16x4x128xf32, #tpu.memory_space<vmem_shared>> -> memref<1x4x128xf32, #tpu.memory_space<vmem_shared>>
      %dma_start3A_474 = tpu.memref_squeeze %dma_start3A_473 : memref<1x4x128xf32, #tpu.memory_space<vmem_shared>> -> memref<4x128xf32, #tpu.memory_space<vmem_shared>>
      %dma_start3A_475 = arith.constant 0 : i32
      %dma_start3A_476 = arith.constant 0 : i32
      %dma_start3A_477 = tpu.memref_slice %arg7[%arg1, %dma_start3A_475, %dma_start3A_476] : memref<16x4x128xf32, #tpu.memory_space<vmem_shared>> -> memref<1x4x128xf32, #tpu.memory_space<vmem_shared>>
      %dma_start3A_478 = tpu.memref_squeeze %dma_start3A_477 : memref<1x4x128xf32, #tpu.memory_space<vmem_shared>> -> memref<4x128xf32, #tpu.memory_space<vmem_shared>>
      tpu.enqueue_dma source(%arg5 : memref<4x128xf32, #tpu.memory_space<vmem>>) target(%dma_start3A_478 : memref<4x128xf32, #tpu.memory_space<vmem_shared>>) target_semaphore(%run_scoped3A : memref<!tpu.dma_semaphore, #tpu.memory_space<semaphore_mem>>)
      %dma_wait3A_479 = arith.constant 0 : i32
      %dma_wait3A_480 = arith.constant 0 : i32
      %dma_wait3A_481 = tpu.memref_slice %arg7[%arg1, %dma_wait3A_479, %dma_wait3A_480] : memref<16x4x128xf32, #tpu.memory_space<vmem_shared>> -> memref<1x4x128xf32, #tpu.memory_space<vmem_shared>>
      %dma_wait3A_482 = tpu.memref_squeeze %dma_wait3A_481 : memref<1x4x128xf32, #tpu.memory_space<vmem_shared>> -> memref<4x128xf32, #tpu.memory_space<vmem_shared>>
      %dma_wait3A_483 = arith.constant 0 : i32
      %dma_wait3A_484 = arith.constant 0 : i32
      %dma_wait3A_485 = tpu.memref_slice %arg7[%arg1, %dma_wait3A_483, %dma_wait3A_484] : memref<16x4x128xf32, #tpu.memory_space<vmem_shared>> -> memref<1x4x128xf32, #tpu.memory_space<vmem_shared>>
      %dma_wait3A_486 = tpu.memref_squeeze %dma_wait3A_485 : memref<1x4x128xf32, #tpu.memory_space<vmem_shared>> -> memref<4x128xf32, #tpu.memory_space<vmem_shared>>
      tpu.wait_dma2 semaphore(%run_scoped3A : memref<!tpu.dma_semaphore, #tpu.memory_space<semaphore_mem>>) src(%arg5 : memref<4x128xf32, #tpu.memory_space<vmem>>) dst(%dma_wait3A_486 : memref<4x128xf32, #tpu.memory_space<vmem_shared>>)
      tpu.yield
    }) : () -> ()
    %barrier3A = arith.constant 0 : index
    tpu.barrier barrier_id(%barrier3A)
    %eq3A_468 = arith.constant 0 : i32
    %eq3A_469 = arith.cmpi eq, %select_n3A_68, %eq3A_468 : i32
    %convert_element_type3A = arith.extui %eq3A_469 : i1 to i32
    %cond3A = arith.constant 0 : i32
    %cond3A_470 = arith.cmpi ne, %convert_element_type3A, %cond3A : i32
    scf.if %cond3A_470 {
      "tpu.region"() ({
        %run_scoped3A = tpu.sem_alloc : memref<!tpu.dma_semaphore, #tpu.memory_space<semaphore_mem>>
        %dma_start3A_2027 = arith.constant 0 : i32
        %dma_start3A_2028 = arith.constant 0 : i32
        %dma_start3A_2029 = tpu.memref_slice %arg7[%arg1, %dma_start3A_2027, %dma_start3A_2028] : memref<16x4x128xf32, #tpu.memory_space<vmem_shared>> -> memref<4x4x128xf32, #tpu.memory_space<vmem_shared>>
        %dma_start3A_2030 = arith.constant 0 : i32
        %dma_start3A_2031 = arith.constant 0 : i32
        %dma_start3A_2032 = tpu.memref_slice %arg7[%arg1, %dma_start3A_2030, %dma_start3A_2031] : memref<16x4x128xf32, #tpu.memory_space<vmem_shared>> -> memref<4x4x128xf32, #tpu.memory_space<vmem_shared>>
        tpu.enqueue_dma source(%dma_start3A_2032 : memref<4x4x128xf32, #tpu.memory_space<vmem_shared>>) target(%arg6 : memref<4x4x128xf32, #tpu.memory_space<vmem>>) target_semaphore(%run_scoped3A : memref<!tpu.dma_semaphore, #tpu.memory_space<semaphore_mem>>)
        %dma_wait3A_2033 = arith.constant 0 : i32
        %dma_wait3A_2034 = arith.constant 0 : i32
        %dma_wait3A_2035 = tpu.memref_slice %arg7[%arg1, %dma_wait3A_2033, %dma_wait3A_2034] : memref<16x4x128xf32, #tpu.memory_space<vmem_shared>> -> memref<4x4x128xf32, #tpu.memory_space<vmem_shared>>
        %dma_wait3A_2036 = arith.constant 0 : i32
        %dma_wait3A_2037 = arith.constant 0 : i32
        %dma_wait3A_2038 = tpu.memref_slice %arg7[%arg1, %dma_wait3A_2036, %dma_wait3A_2037] : memref<16x4x128xf32, #tpu.memory_space<vmem_shared>> -> memref<4x4x128xf32, #tpu.memory_space<vmem_shared>>
        tpu.wait_dma2 semaphore(%run_scoped3A : memref<!tpu.dma_semaphore, #tpu.memory_space<semaphore_mem>>) src(%dma_wait3A_2038 : memref<4x4x128xf32, #tpu.memory_space<vmem_shared>>) dst(%arg6 : memref<4x4x128xf32, #tpu.memory_space<vmem>>)
        tpu.yield
      }) : () -> ()
      %get3A = arith.constant 0 : i32
      %get3A_471 = arith.constant 0 : i32
      %get3A_472 = arith.index_cast %get3A : i32 to index
      %get3A_473 = arith.index_cast %get3A_471 : i32 to index
      %get3A_474 = arith.constant 0 : index
      %get3A_475 = tpu.vector_load %arg6[%get3A_472, %get3A_473, %get3A_474] {strides = array<i32>} : memref<4x4x128xf32, #tpu.memory_space<vmem>>, vector<1x1x16xf32>,
      %get3A_476 = vector.shape_cast %get3A_475 : vector<1x1x16xf32> to vector<16xf32>
      %get3A_477 = arith.constant 0 : i32
      %get3A_478 = arith.constant 1 : i32
      %get3A_479 = arith.index_cast %get3A_477 : i32 to index
      %get3A_480 = arith.index_cast %get3A_478 : i32 to index
      %get3A_481 = arith.constant 0 : index
      %get3A_482 = tpu.vector_load %arg6[%get3A_479, %get3A_480, %get3A_481] {strides = array<i32>} : memref<4x4x128xf32, #tpu.memory_space<vmem>>, vector<1x1x16xf32>,
      %get3A_483 = vector.shape_cast %get3A_482 : vector<1x1x16xf32> to vector<16xf32>
      %get3A_484 = arith.constant 0 : i32
      %get3A_485 = arith.constant 2 : i32
      %get3A_486 = arith.index_cast %get3A_484 : i32 to index
      %get3A_487 = arith.index_cast %get3A_485 : i32 to index
      %get3A_488 = arith.constant 0 : index
      %get3A_489 = tpu.vector_load %arg6[%get3A_486, %get3A_487, %get3A_488] {strides = array<i32>} : memref<4x4x128xf32, #tpu.memory_space<vmem>>, vector<1x1x16xf32>,
      %get3A_490 = vector.shape_cast %get3A_489 : vector<1x1x16xf32> to vector<16xf32>
      %get3A_491 = arith.constant 0 : i32
      %get3A_492 = arith.constant 3 : i32
      %get3A_493 = arith.index_cast %get3A_491 : i32 to index
      %get3A_494 = arith.index_cast %get3A_492 : i32 to index
      %get3A_495 = arith.constant 0 : index
      %get3A_496 = tpu.vector_load %arg6[%get3A_493, %get3A_494, %get3A_495] {strides = array<i32>} : memref<4x4x128xf32, #tpu.memory_space<vmem>>, vector<1x1x16xf32>,
      %get3A_497 = vector.shape_cast %get3A_496 : vector<1x1x16xf32> to vector<16xf32>
      %get3A_498 = arith.constant 1 : i32
      %get3A_499 = arith.constant 0 : i32
      %get3A_500 = arith.index_cast %get3A_498 : i32 to index
      %get3A_501 = arith.index_cast %get3A_499 : i32 to index
      %get3A_502 = arith.constant 0 : index
      %get3A_503 = tpu.vector_load %arg6[%get3A_500, %get3A_501, %get3A_502] {strides = array<i32>} : memref<4x4x128xf32, #tpu.memory_space<vmem>>, vector<1x1x16xf32>,
      %get3A_504 = vector.shape_cast %get3A_503 : vector<1x1x16xf32> to vector<16xf32>
      %max3A = arith.maximumf %get3A_476, %get3A_504 : vector<16xf32>
      %get3A_505 = arith.constant 1 : i32
      %get3A_506 = arith.constant 1 : i32
      %get3A_507 = arith.index_cast %get3A_505 : i32 to index
      %get3A_508 = arith.index_cast %get3A_506 : i32 to index
      %get3A_509 = arith.constant 0 : index
      %get3A_510 = tpu.vector_load %arg6[%get3A_507, %get3A_508, %get3A_509] {strides = array<i32>} : memref<4x4x128xf32, #tpu.memory_space<vmem>>, vector<1x1x16xf32>,
      %get3A_511 = vector.shape_cast %get3A_510 : vector<1x1x16xf32> to vector<16xf32>
      %min3A = arith.minimumf %get3A_483, %get3A_511 : vector<16xf32>
      %get3A_512 = arith.constant 1 : i32
      %get3A_513 = arith.constant 2 : i32
      %get3A_514 = arith.index_cast %get3A_512 : i32 to index
      %get3A_515 = arith.index_cast %get3A_513 : i32 to index
      %get3A_516 = arith.constant 0 : index
      %get3A_517 = tpu.vector_load %arg6[%get3A_514, %get3A_515, %get3A_516] {strides = array<i32>} : memref<4x4x128xf32, #tpu.memory_space<vmem>>, vector<1x1x16xf32>,
      %get3A_518 = vector.shape_cast %get3A_517 : vector<1x1x16xf32> to vector<16xf32>
      %add3A_519 = arith.addf %get3A_490, %get3A_518 : vector<16xf32>
      %get3A_520 = arith.constant 1 : i32
      %get3A_521 = arith.constant 3 : i32
      %get3A_522 = arith.index_cast %get3A_520 : i32 to index
      %get3A_523 = arith.index_cast %get3A_521 : i32 to index
      %get3A_524 = arith.constant 0 : index
      %get3A_525 = tpu.vector_load %arg6[%get3A_522, %get3A_523, %get3A_524] {strides = array<i32>} : memref<4x4x128xf32, #tpu.memory_space<vmem>>, vector<1x1x16xf32>,
      %get3A_526 = vector.shape_cast %get3A_525 : vector<1x1x16xf32> to vector<16xf32>
      %add3A_527 = arith.addf %get3A_497, %get3A_526 : vector<16xf32>
      %get3A_528 = arith.constant 2 : i32
      %get3A_529 = arith.constant 0 : i32
      %get3A_530 = arith.index_cast %get3A_528 : i32 to index
      %get3A_531 = arith.index_cast %get3A_529 : i32 to index
      %get3A_532 = arith.constant 0 : index
      %get3A_533 = tpu.vector_load %arg6[%get3A_530, %get3A_531, %get3A_532] {strides = array<i32>} : memref<4x4x128xf32, #tpu.memory_space<vmem>>, vector<1x1x16xf32>,
      %get3A_534 = vector.shape_cast %get3A_533 : vector<1x1x16xf32> to vector<16xf32>
      %max3A_535 = arith.maximumf %max3A, %get3A_534 : vector<16xf32>
      %get3A_536 = arith.constant 2 : i32
      %get3A_537 = arith.constant 1 : i32
      %get3A_538 = arith.index_cast %get3A_536 : i32 to index
      %get3A_539 = arith.index_cast %get3A_537 : i32 to index
      %get3A_540 = arith.constant 0 : index
      %get3A_541 = tpu.vector_load %arg6[%get3A_538, %get3A_539, %get3A_540] {strides = array<i32>} : memref<4x4x128xf32, #tpu.memory_space<vmem>>, vector<1x1x16xf32>,
      %get3A_542 = vector.shape_cast %get3A_541 : vector<1x1x16xf32> to vector<16xf32>
      %min3A_543 = arith.minimumf %min3A, %get3A_542 : vector<16xf32>
      %get3A_544 = arith.constant 2 : i32
      %get3A_545 = arith.constant 2 : i32
      %get3A_546 = arith.index_cast %get3A_544 : i32 to index
      %get3A_547 = arith.index_cast %get3A_545 : i32 to index
      %get3A_548 = arith.constant 0 : index
      %get3A_549 = tpu.vector_load %arg6[%get3A_546, %get3A_547, %get3A_548] {strides = array<i32>} : memref<4x4x128xf32, #tpu.memory_space<vmem>>, vector<1x1x16xf32>,
      %get3A_550 = vector.shape_cast %get3A_549 : vector<1x1x16xf32> to vector<16xf32>
      %add3A_551 = arith.addf %add3A_519, %get3A_550 : vector<16xf32>
      %get3A_552 = arith.constant 2 : i32
      %get3A_553 = arith.constant 3 : i32
      %get3A_554 = arith.index_cast %get3A_552 : i32 to index
      %get3A_555 = arith.index_cast %get3A_553 : i32 to index
      %get3A_556 = arith.constant 0 : index
      %get3A_557 = tpu.vector_load %arg6[%get3A_554, %get3A_555, %get3A_556] {strides = array<i32>} : memref<4x4x128xf32, #tpu.memory_space<vmem>>, vector<1x1x16xf32>,
      %get3A_558 = vector.shape_cast %get3A_557 : vector<1x1x16xf32> to vector<16xf32>
      %add3A_559 = arith.addf %add3A_527, %get3A_558 : vector<16xf32>
      %get3A_560 = arith.constant 3 : i32
      %get3A_561 = arith.constant 0 : i32
      %get3A_562 = arith.index_cast %get3A_560 : i32 to index
      %get3A_563 = arith.index_cast %get3A_561 : i32 to index
      %get3A_564 = arith.constant 0 : index
      %get3A_565 = tpu.vector_load %arg6[%get3A_562, %get3A_563, %get3A_564] {strides = array<i32>} : memref<4x4x128xf32, #tpu.memory_space<vmem>>, vector<1x1x16xf32>,
      %get3A_566 = vector.shape_cast %get3A_565 : vector<1x1x16xf32> to vector<16xf32>
      %max3A_567 = arith.maximumf %max3A_535, %get3A_566 : vector<16xf32>
      %get3A_568 = arith.constant 3 : i32
      %get3A_569 = arith.constant 1 : i32
      %get3A_570 = arith.index_cast %get3A_568 : i32 to index
      %get3A_571 = arith.index_cast %get3A_569 : i32 to index
      %get3A_572 = arith.constant 0 : index
      %get3A_573 = tpu.vector_load %arg6[%get3A_570, %get3A_571, %get3A_572] {strides = array<i32>} : memref<4x4x128xf32, #tpu.memory_space<vmem>>, vector<1x1x16xf32>,
      %get3A_574 = vector.shape_cast %get3A_573 : vector<1x1x16xf32> to vector<16xf32>
      %min3A_575 = arith.minimumf %min3A_543, %get3A_574 : vector<16xf32>
      %get3A_576 = arith.constant 3 : i32
      %get3A_577 = arith.constant 2 : i32
      %get3A_578 = arith.index_cast %get3A_576 : i32 to index
      %get3A_579 = arith.index_cast %get3A_577 : i32 to index
      %get3A_580 = arith.constant 0 : index
      %get3A_581 = tpu.vector_load %arg6[%get3A_578, %get3A_579, %get3A_580] {strides = array<i32>} : memref<4x4x128xf32, #tpu.memory_space<vmem>>, vector<1x1x16xf32>,
      %get3A_582 = vector.shape_cast %get3A_581 : vector<1x1x16xf32> to vector<16xf32>
      %add3A_583 = arith.addf %add3A_551, %get3A_582 : vector<16xf32>
      %get3A_584 = arith.constant 3 : i32
      %get3A_585 = arith.constant 3 : i32
      %get3A_586 = arith.index_cast %get3A_584 : i32 to index
      %get3A_587 = arith.index_cast %get3A_585 : i32 to index
      %get3A_588 = arith.constant 0 : index
      %get3A_589 = tpu.vector_load %arg6[%get3A_586, %get3A_587, %get3A_588] {strides = array<i32>} : memref<4x4x128xf32, #tpu.memory_space<vmem>>, vector<1x1x16xf32>,
      %get3A_590 = vector.shape_cast %get3A_589 : vector<1x1x16xf32> to vector<16xf32>
      %add3A_591 = arith.addf %add3A_559, %get3A_590 : vector<16xf32>
      %mul3A_592 = arith.constant 2.44140625E-4 : f32
      %mul3A_593 = vector.broadcast %mul3A_592 : f32 to vector<16xf32>
      %mul3A_594 = arith.mulf %add3A_583, %mul3A_593 : vector<16xf32>
      %mul3A_595 = arith.mulf %add3A_583, %mul3A_594 : vector<16xf32>
      %sub3A_596 = arith.subf %add3A_591, %mul3A_595 : vector<16xf32>
      %mul3A_597 = arith.constant 2.44200259E-4 : f32
      %mul3A_598 = vector.broadcast %mul3A_597 : f32 to vector<16xf32>
      %mul3A_599 = arith.mulf %sub3A_596, %mul3A_598 : vector<16xf32>
      %max3A_600 = arith.constant 0.000000e+00 : f32
      %max3A_601 = vector.broadcast %max3A_600 : f32 to vector<16xf32>
      %max3A_602 = arith.maximumf %mul3A_599, %max3A_601 : vector<16xf32>
      %bitcast_convert_type3A = tpu.bitcast %max3A_602 : vector<16xf32> -> vector<16xi32>
      %shift_right_arithmetic3A = arith.constant 1 : i32
      %shift_right_arithmetic3A_603 = vector.broadcast %shift_right_arithmetic3A : i32 to vector<16xi32>
      %shift_right_arithmetic3A_604 = arith.shrsi %bitcast_convert_type3A, %shift_right_arithmetic3A_603 : vector<16xi32>
      %sub3A_605 = arith.constant 1597463007 : i32
      %sub3A_606 = vector.broadcast %sub3A_605 : i32 to vector<16xi32>
      %sub3A_607 = arith.subi %sub3A_606, %shift_right_arithmetic3A_604 : vector<16xi32>
      %bitcast_convert_type3A_608 = tpu.bitcast %sub3A_607 : vector<16xi32> -> vector<16xf32>
      %mul3A_609 = arith.constant 5.000000e-01 : f32
      %mul3A_610 = vector.broadcast %mul3A_609 : f32 to vector<16xf32>
      %mul3A_611 = arith.mulf %max3A_602, %mul3A_610 : vector<16xf32>
      %mul3A_612 = arith.mulf %mul3A_611, %bitcast_convert_type3A_608 : vector<16xf32>
      %mul3A_613 = arith.mulf %mul3A_612, %bitcast_convert_type3A_608 : vector<16xf32>
      %sub3A_614 = arith.constant 1.500000e+00 : f32
      %sub3A_615 = vector.broadcast %sub3A_614 : f32 to vector<16xf32>
      %sub3A_616 = arith.subf %sub3A_615, %mul3A_613 : vector<16xf32>
      %mul3A_617 = arith.mulf %bitcast_convert_type3A_608, %sub3A_616 : vector<16xf32>
      %mul3A_618 = arith.mulf %mul3A_611, %mul3A_617 : vector<16xf32>
      %mul3A_619 = arith.mulf %mul3A_618, %mul3A_617 : vector<16xf32>
      %sub3A_620 = arith.constant 1.500000e+00 : f32
      %sub3A_621 = vector.broadcast %sub3A_620 : f32 to vector<16xf32>
      %sub3A_622 = arith.subf %sub3A_621, %mul3A_619 : vector<16xf32>
      %mul3A_623 = arith.mulf %mul3A_617, %sub3A_622 : vector<16xf32>
      %mul3A_624 = arith.mulf %mul3A_611, %mul3A_623 : vector<16xf32>
      %mul3A_625 = arith.mulf %mul3A_624, %mul3A_623 : vector<16xf32>
      %sub3A_626 = arith.constant 1.500000e+00 : f32
      %sub3A_627 = vector.broadcast %sub3A_626 : f32 to vector<16xf32>
      %sub3A_628 = arith.subf %sub3A_627, %mul3A_625 : vector<16xf32>
      %mul3A_629 = arith.mulf %mul3A_623, %sub3A_628 : vector<16xf32>
      %mul3A_630 = arith.mulf %max3A_602, %mul3A_629 : vector<16xf32>
      %gt3A = arith.constant 0.000000e+00 : f32
      %gt3A_631 = vector.broadcast %gt3A : f32 to vector<16xf32>
      %gt3A_632 = arith.cmpf ogt, %max3A_602, %gt3A_631 : vector<16xf32>
      %jit3A_633 = arith.constant 0.000000e+00 : f32
      %broadcast_in_dim3A_634 = vector.broadcast %jit3A_633 : f32 to vector<16xf32>
      %select_n3A_635 = arith.select %gt3A_632, %mul3A_630, %broadcast_in_dim3A_634 : vector<16xi1>, vector<16xf32>
      %swap3A_636 = arith.constant 0 : i32
      %swap3A_637 = arith.index_cast %swap3A_636 : i32 to index
      %swap3A_638 = arith.constant 0 : index
      %swap3A_639 = tpu.vector_load %arg5[%swap3A_637, %swap3A_638] {strides = array<i32>} : memref<4x128xf32, #tpu.memory_space<vmem>>, vector<1x16xf32>,
      %swap3A_640 = vector.shape_cast %swap3A_639 : vector<1x16xf32> to vector<16xf32>
      %swap3A_641 = vector.shape_cast %max3A_567 : vector<16xf32> to vector<1x16xf32>
      tpu.vector_store %arg5[%swap3A_637, %swap3A_638], %swap3A_641 {strides = array<i32>} : memref<4x128xf32, #tpu.memory_space<vmem>>, vector<1x16xf32>,
      %swap3A_642 = arith.constant 1 : i32
      %swap3A_643 = arith.index_cast %swap3A_642 : i32 to index
      %swap3A_644 = arith.constant 0 : index
      %swap3A_645 = tpu.vector_load %arg5[%swap3A_643, %swap3A_644] {strides = array<i32>} : memref<4x128xf32, #tpu.memory_space<vmem>>, vector<1x16xf32>,
      %swap3A_646 = vector.shape_cast %swap3A_645 : vector<1x16xf32> to vector<16xf32>
      %swap3A_647 = vector.shape_cast %min3A_575 : vector<16xf32> to vector<1x16xf32>
      tpu.vector_store %arg5[%swap3A_643, %swap3A_644], %swap3A_647 {strides = array<i32>} : memref<4x128xf32, #tpu.memory_space<vmem>>, vector<1x16xf32>,
      %swap3A_648 = arith.constant 2 : i32
      %swap3A_649 = arith.index_cast %swap3A_648 : i32 to index
      %swap3A_650 = arith.constant 0 : index
      %swap3A_651 = tpu.vector_load %arg5[%swap3A_649, %swap3A_650] {strides = array<i32>} : memref<4x128xf32, #tpu.memory_space<vmem>>, vector<1x16xf32>,
      %swap3A_652 = vector.shape_cast %swap3A_651 : vector<1x16xf32> to vector<16xf32>
      %swap3A_653 = vector.shape_cast %mul3A_594 : vector<16xf32> to vector<1x16xf32>
      tpu.vector_store %arg5[%swap3A_649, %swap3A_650], %swap3A_653 {strides = array<i32>} : memref<4x128xf32, #tpu.memory_space<vmem>>, vector<1x16xf32>,
      %swap3A_654 = arith.constant 3 : i32
      %swap3A_655 = arith.index_cast %swap3A_654 : i32 to index
      %swap3A_656 = arith.constant 0 : index
      %swap3A_657 = tpu.vector_load %arg5[%swap3A_655, %swap3A_656] {strides = array<i32>} : memref<4x128xf32, #tpu.memory_space<vmem>>, vector<1x16xf32>,
      %swap3A_658 = vector.shape_cast %swap3A_657 : vector<1x16xf32> to vector<16xf32>
      %swap3A_659 = vector.shape_cast %select_n3A_635 : vector<16xf32> to vector<1x16xf32>
      tpu.vector_store %arg5[%swap3A_655, %swap3A_656], %swap3A_659 {strides = array<i32>} : memref<4x128xf32, #tpu.memory_space<vmem>>, vector<1x16xf32>,
      %get3A_660 = arith.constant 0 : i32
      %get3A_661 = arith.constant 0 : i32
      %get3A_662 = arith.index_cast %get3A_660 : i32 to index
      %get3A_663 = arith.index_cast %get3A_661 : i32 to index
      %get3A_664 = arith.constant 16 : index
      %get3A_665 = tpu.vector_load %arg6[%get3A_662, %get3A_663, %get3A_664] {strides = array<i32>} : memref<4x4x128xf32, #tpu.memory_space<vmem>>, vector<1x1x16xf32>,
      %get3A_666 = vector.shape_cast %get3A_665 : vector<1x1x16xf32> to vector<16xf32>
      %get3A_667 = arith.constant 0 : i32
      %get3A_668 = arith.constant 1 : i32
      %get3A_669 = arith.index_cast %get3A_667 : i32 to index
      %get3A_670 = arith.index_cast %get3A_668 : i32 to index
      %get3A_671 = arith.constant 16 : index
      %get3A_672 = tpu.vector_load %arg6[%get3A_669, %get3A_670, %get3A_671] {strides = array<i32>} : memref<4x4x128xf32, #tpu.memory_space<vmem>>, vector<1x1x16xf32>,
      %get3A_673 = vector.shape_cast %get3A_672 : vector<1x1x16xf32> to vector<16xf32>
      %get3A_674 = arith.constant 0 : i32
      %get3A_675 = arith.constant 2 : i32
      %get3A_676 = arith.index_cast %get3A_674 : i32 to index
      %get3A_677 = arith.index_cast %get3A_675 : i32 to index
      %get3A_678 = arith.constant 16 : index
      %get3A_679 = tpu.vector_load %arg6[%get3A_676, %get3A_677, %get3A_678] {strides = array<i32>} : memref<4x4x128xf32, #tpu.memory_space<vmem>>, vector<1x1x16xf32>,
      %get3A_680 = vector.shape_cast %get3A_679 : vector<1x1x16xf32> to vector<16xf32>
      %get3A_681 = arith.constant 0 : i32
      %get3A_682 = arith.constant 3 : i32
      %get3A_683 = arith.index_cast %get3A_681 : i32 to index
      %get3A_684 = arith.index_cast %get3A_682 : i32 to index
      %get3A_685 = arith.constant 16 : index
      %get3A_686 = tpu.vector_load %arg6[%get3A_683, %get3A_684, %get3A_685] {strides = array<i32>} : memref<4x4x128xf32, #tpu.memory_space<vmem>>, vector<1x1x16xf32>,
      %get3A_687 = vector.shape_cast %get3A_686 : vector<1x1x16xf32> to vector<16xf32>
      %get3A_688 = arith.constant 1 : i32
      %get3A_689 = arith.constant 0 : i32
      %get3A_690 = arith.index_cast %get3A_688 : i32 to index
      %get3A_691 = arith.index_cast %get3A_689 : i32 to index
      %get3A_692 = arith.constant 16 : index
      %get3A_693 = tpu.vector_load %arg6[%get3A_690, %get3A_691, %get3A_692] {strides = array<i32>} : memref<4x4x128xf32, #tpu.memory_space<vmem>>, vector<1x1x16xf32>,
      %get3A_694 = vector.shape_cast %get3A_693 : vector<1x1x16xf32> to vector<16xf32>
      %max3A_695 = arith.maximumf %get3A_666, %get3A_694 : vector<16xf32>
      %get3A_696 = arith.constant 1 : i32
      %get3A_697 = arith.constant 1 : i32
      %get3A_698 = arith.index_cast %get3A_696 : i32 to index
      %get3A_699 = arith.index_cast %get3A_697 : i32 to index
      %get3A_700 = arith.constant 16 : index
      %get3A_701 = tpu.vector_load %arg6[%get3A_698, %get3A_699, %get3A_700] {strides = array<i32>} : memref<4x4x128xf32, #tpu.memory_space<vmem>>, vector<1x1x16xf32>,
      %get3A_702 = vector.shape_cast %get3A_701 : vector<1x1x16xf32> to vector<16xf32>
      %min3A_703 = arith.minimumf %get3A_673, %get3A_702 : vector<16xf32>
      %get3A_704 = arith.constant 1 : i32
      %get3A_705 = arith.constant 2 : i32
      %get3A_706 = arith.index_cast %get3A_704 : i32 to index
      %get3A_707 = arith.index_cast %get3A_705 : i32 to index
      %get3A_708 = arith.constant 16 : index
      %get3A_709 = tpu.vector_load %arg6[%get3A_706, %get3A_707, %get3A_708] {strides = array<i32>} : memref<4x4x128xf32, #tpu.memory_space<vmem>>, vector<1x1x16xf32>,
      %get3A_710 = vector.shape_cast %get3A_709 : vector<1x1x16xf32> to vector<16xf32>
      %add3A_711 = arith.addf %get3A_680, %get3A_710 : vector<16xf32>
      %get3A_712 = arith.constant 1 : i32
      %get3A_713 = arith.constant 3 : i32
      %get3A_714 = arith.index_cast %get3A_712 : i32 to index
      %get3A_715 = arith.index_cast %get3A_713 : i32 to index
      %get3A_716 = arith.constant 16 : index
      %get3A_717 = tpu.vector_load %arg6[%get3A_714, %get3A_715, %get3A_716] {strides = array<i32>} : memref<4x4x128xf32, #tpu.memory_space<vmem>>, vector<1x1x16xf32>,
      %get3A_718 = vector.shape_cast %get3A_717 : vector<1x1x16xf32> to vector<16xf32>
      %add3A_719 = arith.addf %get3A_687, %get3A_718 : vector<16xf32>
      %get3A_720 = arith.constant 2 : i32
      %get3A_721 = arith.constant 0 : i32
      %get3A_722 = arith.index_cast %get3A_720 : i32 to index
      %get3A_723 = arith.index_cast %get3A_721 : i32 to index
      %get3A_724 = arith.constant 16 : index
      %get3A_725 = tpu.vector_load %arg6[%get3A_722, %get3A_723, %get3A_724] {strides = array<i32>} : memref<4x4x128xf32, #tpu.memory_space<vmem>>, vector<1x1x16xf32>,
      %get3A_726 = vector.shape_cast %get3A_725 : vector<1x1x16xf32> to vector<16xf32>
      %max3A_727 = arith.maximumf %max3A_695, %get3A_726 : vector<16xf32>
      %get3A_728 = arith.constant 2 : i32
      %get3A_729 = arith.constant 1 : i32
      %get3A_730 = arith.index_cast %get3A_728 : i32 to index
      %get3A_731 = arith.index_cast %get3A_729 : i32 to index
      %get3A_732 = arith.constant 16 : index
      %get3A_733 = tpu.vector_load %arg6[%get3A_730, %get3A_731, %get3A_732] {strides = array<i32>} : memref<4x4x128xf32, #tpu.memory_space<vmem>>, vector<1x1x16xf32>,
      %get3A_734 = vector.shape_cast %get3A_733 : vector<1x1x16xf32> to vector<16xf32>
      %min3A_735 = arith.minimumf %min3A_703, %get3A_734 : vector<16xf32>
      %get3A_736 = arith.constant 2 : i32
      %get3A_737 = arith.constant 2 : i32
      %get3A_738 = arith.index_cast %get3A_736 : i32 to index
      %get3A_739 = arith.index_cast %get3A_737 : i32 to index
      %get3A_740 = arith.constant 16 : index
      %get3A_741 = tpu.vector_load %arg6[%get3A_738, %get3A_739, %get3A_740] {strides = array<i32>} : memref<4x4x128xf32, #tpu.memory_space<vmem>>, vector<1x1x16xf32>,
      %get3A_742 = vector.shape_cast %get3A_741 : vector<1x1x16xf32> to vector<16xf32>
      %add3A_743 = arith.addf %add3A_711, %get3A_742 : vector<16xf32>
      %get3A_744 = arith.constant 2 : i32
      %get3A_745 = arith.constant 3 : i32
      %get3A_746 = arith.index_cast %get3A_744 : i32 to index
      %get3A_747 = arith.index_cast %get3A_745 : i32 to index
      %get3A_748 = arith.constant 16 : index
      %get3A_749 = tpu.vector_load %arg6[%get3A_746, %get3A_747, %get3A_748] {strides = array<i32>} : memref<4x4x128xf32, #tpu.memory_space<vmem>>, vector<1x1x16xf32>,
      %get3A_750 = vector.shape_cast %get3A_749 : vector<1x1x16xf32> to vector<16xf32>
      %add3A_751 = arith.addf %add3A_719, %get3A_750 : vector<16xf32>
      %get3A_752 = arith.constant 3 : i32
      %get3A_753 = arith.constant 0 : i32
      %get3A_754 = arith.index_cast %get3A_752 : i32 to index
      %get3A_755 = arith.index_cast %get3A_753 : i32 to index
      %get3A_756 = arith.constant 16 : index
      %get3A_757 = tpu.vector_load %arg6[%get3A_754, %get3A_755, %get3A_756] {strides = array<i32>} : memref<4x4x128xf32, #tpu.memory_space<vmem>>, vector<1x1x16xf32>,
      %get3A_758 = vector.shape_cast %get3A_757 : vector<1x1x16xf32> to vector<16xf32>
      %max3A_759 = arith.maximumf %max3A_727, %get3A_758 : vector<16xf32>
      %get3A_760 = arith.constant 3 : i32
      %get3A_761 = arith.constant 1 : i32
      %get3A_762 = arith.index_cast %get3A_760 : i32 to index
      %get3A_763 = arith.index_cast %get3A_761 : i32 to index
      %get3A_764 = arith.constant 16 : index
      %get3A_765 = tpu.vector_load %arg6[%get3A_762, %get3A_763, %get3A_764] {strides = array<i32>} : memref<4x4x128xf32, #tpu.memory_space<vmem>>, vector<1x1x16xf32>,
      %get3A_766 = vector.shape_cast %get3A_765 : vector<1x1x16xf32> to vector<16xf32>
      %min3A_767 = arith.minimumf %min3A_735, %get3A_766 : vector<16xf32>
      %get3A_768 = arith.constant 3 : i32
      %get3A_769 = arith.constant 2 : i32
      %get3A_770 = arith.index_cast %get3A_768 : i32 to index
      %get3A_771 = arith.index_cast %get3A_769 : i32 to index
      %get3A_772 = arith.constant 16 : index
      %get3A_773 = tpu.vector_load %arg6[%get3A_770, %get3A_771, %get3A_772] {strides = array<i32>} : memref<4x4x128xf32, #tpu.memory_space<vmem>>, vector<1x1x16xf32>,
      %get3A_774 = vector.shape_cast %get3A_773 : vector<1x1x16xf32> to vector<16xf32>
      %add3A_775 = arith.addf %add3A_743, %get3A_774 : vector<16xf32>
      %get3A_776 = arith.constant 3 : i32
      %get3A_777 = arith.constant 3 : i32
      %get3A_778 = arith.index_cast %get3A_776 : i32 to index
      %get3A_779 = arith.index_cast %get3A_777 : i32 to index
      %get3A_780 = arith.constant 16 : index
      %get3A_781 = tpu.vector_load %arg6[%get3A_778, %get3A_779, %get3A_780] {strides = array<i32>} : memref<4x4x128xf32, #tpu.memory_space<vmem>>, vector<1x1x16xf32>,
      %get3A_782 = vector.shape_cast %get3A_781 : vector<1x1x16xf32> to vector<16xf32>
      %add3A_783 = arith.addf %add3A_751, %get3A_782 : vector<16xf32>
      %mul3A_784 = arith.constant 2.44140625E-4 : f32
      %mul3A_785 = vector.broadcast %mul3A_784 : f32 to vector<16xf32>
      %mul3A_786 = arith.mulf %add3A_775, %mul3A_785 : vector<16xf32>
      %mul3A_787 = arith.mulf %add3A_775, %mul3A_786 : vector<16xf32>
      %sub3A_788 = arith.subf %add3A_783, %mul3A_787 : vector<16xf32>
      %mul3A_789 = arith.constant 2.44200259E-4 : f32
      %mul3A_790 = vector.broadcast %mul3A_789 : f32 to vector<16xf32>
      %mul3A_791 = arith.mulf %sub3A_788, %mul3A_790 : vector<16xf32>
      %max3A_792 = arith.constant 0.000000e+00 : f32
      %max3A_793 = vector.broadcast %max3A_792 : f32 to vector<16xf32>
      %max3A_794 = arith.maximumf %mul3A_791, %max3A_793 : vector<16xf32>
      %bitcast_convert_type3A_795 = tpu.bitcast %max3A_794 : vector<16xf32> -> vector<16xi32>
      %shift_right_arithmetic3A_796 = arith.constant 1 : i32
      %shift_right_arithmetic3A_797 = vector.broadcast %shift_right_arithmetic3A_796 : i32 to vector<16xi32>
      %shift_right_arithmetic3A_798 = arith.shrsi %bitcast_convert_type3A_795, %shift_right_arithmetic3A_797 : vector<16xi32>
      %sub3A_799 = arith.constant 1597463007 : i32
      %sub3A_800 = vector.broadcast %sub3A_799 : i32 to vector<16xi32>
      %sub3A_801 = arith.subi %sub3A_800, %shift_right_arithmetic3A_798 : vector<16xi32>
      %bitcast_convert_type3A_802 = tpu.bitcast %sub3A_801 : vector<16xi32> -> vector<16xf32>
      %mul3A_803 = arith.constant 5.000000e-01 : f32
      %mul3A_804 = vector.broadcast %mul3A_803 : f32 to vector<16xf32>
      %mul3A_805 = arith.mulf %max3A_794, %mul3A_804 : vector<16xf32>
      %mul3A_806 = arith.mulf %mul3A_805, %bitcast_convert_type3A_802 : vector<16xf32>
      %mul3A_807 = arith.mulf %mul3A_806, %bitcast_convert_type3A_802 : vector<16xf32>
      %sub3A_808 = arith.constant 1.500000e+00 : f32
      %sub3A_809 = vector.broadcast %sub3A_808 : f32 to vector<16xf32>
      %sub3A_810 = arith.subf %sub3A_809, %mul3A_807 : vector<16xf32>
      %mul3A_811 = arith.mulf %bitcast_convert_type3A_802, %sub3A_810 : vector<16xf32>
      %mul3A_812 = arith.mulf %mul3A_805, %mul3A_811 : vector<16xf32>
      %mul3A_813 = arith.mulf %mul3A_812, %mul3A_811 : vector<16xf32>
      %sub3A_814 = arith.constant 1.500000e+00 : f32
      %sub3A_815 = vector.broadcast %sub3A_814 : f32 to vector<16xf32>
      %sub3A_816 = arith.subf %sub3A_815, %mul3A_813 : vector<16xf32>
      %mul3A_817 = arith.mulf %mul3A_811, %sub3A_816 : vector<16xf32>
      %mul3A_818 = arith.mulf %mul3A_805, %mul3A_817 : vector<16xf32>
      %mul3A_819 = arith.mulf %mul3A_818, %mul3A_817 : vector<16xf32>
      %sub3A_820 = arith.constant 1.500000e+00 : f32
      %sub3A_821 = vector.broadcast %sub3A_820 : f32 to vector<16xf32>
      %sub3A_822 = arith.subf %sub3A_821, %mul3A_819 : vector<16xf32>
      %mul3A_823 = arith.mulf %mul3A_817, %sub3A_822 : vector<16xf32>
      %mul3A_824 = arith.mulf %max3A_794, %mul3A_823 : vector<16xf32>
      %gt3A_825 = arith.constant 0.000000e+00 : f32
      %gt3A_826 = vector.broadcast %gt3A_825 : f32 to vector<16xf32>
      %gt3A_827 = arith.cmpf ogt, %max3A_794, %gt3A_826 : vector<16xf32>
      %jit3A_828 = arith.constant 0.000000e+00 : f32
      %broadcast_in_dim3A_829 = vector.broadcast %jit3A_828 : f32 to vector<16xf32>
      %select_n3A_830 = arith.select %gt3A_827, %mul3A_824, %broadcast_in_dim3A_829 : vector<16xi1>, vector<16xf32>
      %swap3A_831 = arith.constant 0 : i32
      %swap3A_832 = arith.index_cast %swap3A_831 : i32 to index
      %swap3A_833 = arith.constant 16 : index
      %swap3A_834 = tpu.vector_load %arg5[%swap3A_832, %swap3A_833] {strides = array<i32>} : memref<4x128xf32, #tpu.memory_space<vmem>>, vector<1x16xf32>,
      %swap3A_835 = vector.shape_cast %swap3A_834 : vector<1x16xf32> to vector<16xf32>
      %swap3A_836 = vector.shape_cast %max3A_759 : vector<16xf32> to vector<1x16xf32>
      tpu.vector_store %arg5[%swap3A_832, %swap3A_833], %swap3A_836 {strides = array<i32>} : memref<4x128xf32, #tpu.memory_space<vmem>>, vector<1x16xf32>,
      %swap3A_837 = arith.constant 1 : i32
      %swap3A_838 = arith.index_cast %swap3A_837 : i32 to index
      %swap3A_839 = arith.constant 16 : index
      %swap3A_840 = tpu.vector_load %arg5[%swap3A_838, %swap3A_839] {strides = array<i32>} : memref<4x128xf32, #tpu.memory_space<vmem>>, vector<1x16xf32>,
      %swap3A_841 = vector.shape_cast %swap3A_840 : vector<1x16xf32> to vector<16xf32>
      %swap3A_842 = vector.shape_cast %min3A_767 : vector<16xf32> to vector<1x16xf32>
      tpu.vector_store %arg5[%swap3A_838, %swap3A_839], %swap3A_842 {strides = array<i32>} : memref<4x128xf32, #tpu.memory_space<vmem>>, vector<1x16xf32>,
      %swap3A_843 = arith.constant 2 : i32
      %swap3A_844 = arith.index_cast %swap3A_843 : i32 to index
      %swap3A_845 = arith.constant 16 : index
      %swap3A_846 = tpu.vector_load %arg5[%swap3A_844, %swap3A_845] {strides = array<i32>} : memref<4x128xf32, #tpu.memory_space<vmem>>, vector<1x16xf32>,
      %swap3A_847 = vector.shape_cast %swap3A_846 : vector<1x16xf32> to vector<16xf32>
      %swap3A_848 = vector.shape_cast %mul3A_786 : vector<16xf32> to vector<1x16xf32>
      tpu.vector_store %arg5[%swap3A_844, %swap3A_845], %swap3A_848 {strides = array<i32>} : memref<4x128xf32, #tpu.memory_space<vmem>>, vector<1x16xf32>,
      %swap3A_849 = arith.constant 3 : i32
      %swap3A_850 = arith.index_cast %swap3A_849 : i32 to index
      %swap3A_851 = arith.constant 16 : index
      %swap3A_852 = tpu.vector_load %arg5[%swap3A_850, %swap3A_851] {strides = array<i32>} : memref<4x128xf32, #tpu.memory_space<vmem>>, vector<1x16xf32>,
      %swap3A_853 = vector.shape_cast %swap3A_852 : vector<1x16xf32> to vector<16xf32>
      %swap3A_854 = vector.shape_cast %select_n3A_830 : vector<16xf32> to vector<1x16xf32>
      tpu.vector_store %arg5[%swap3A_850, %swap3A_851], %swap3A_854 {strides = array<i32>} : memref<4x128xf32, #tpu.memory_space<vmem>>, vector<1x16xf32>,
      %get3A_855 = arith.constant 0 : i32
      %get3A_856 = arith.constant 0 : i32
      %get3A_857 = arith.index_cast %get3A_855 : i32 to index
      %get3A_858 = arith.index_cast %get3A_856 : i32 to index
      %get3A_859 = arith.constant 32 : index
      %get3A_860 = tpu.vector_load %arg6[%get3A_857, %get3A_858, %get3A_859] {strides = array<i32>} : memref<4x4x128xf32, #tpu.memory_space<vmem>>, vector<1x1x16xf32>,
      %get3A_861 = vector.shape_cast %get3A_860 : vector<1x1x16xf32> to vector<16xf32>
      %get3A_862 = arith.constant 0 : i32
      %get3A_863 = arith.constant 1 : i32
      %get3A_864 = arith.index_cast %get3A_862 : i32 to index
      %get3A_865 = arith.index_cast %get3A_863 : i32 to index
      %get3A_866 = arith.constant 32 : index
      %get3A_867 = tpu.vector_load %arg6[%get3A_864, %get3A_865, %get3A_866] {strides = array<i32>} : memref<4x4x128xf32, #tpu.memory_space<vmem>>, vector<1x1x16xf32>,
      %get3A_868 = vector.shape_cast %get3A_867 : vector<1x1x16xf32> to vector<16xf32>
      %get3A_869 = arith.constant 0 : i32
      %get3A_870 = arith.constant 2 : i32
      %get3A_871 = arith.index_cast %get3A_869 : i32 to index
      %get3A_872 = arith.index_cast %get3A_870 : i32 to index
      %get3A_873 = arith.constant 32 : index
      %get3A_874 = tpu.vector_load %arg6[%get3A_871, %get3A_872, %get3A_873] {strides = array<i32>} : memref<4x4x128xf32, #tpu.memory_space<vmem>>, vector<1x1x16xf32>,
      %get3A_875 = vector.shape_cast %get3A_874 : vector<1x1x16xf32> to vector<16xf32>
      %get3A_876 = arith.constant 0 : i32
      %get3A_877 = arith.constant 3 : i32
      %get3A_878 = arith.index_cast %get3A_876 : i32 to index
      %get3A_879 = arith.index_cast %get3A_877 : i32 to index
      %get3A_880 = arith.constant 32 : index
      %get3A_881 = tpu.vector_load %arg6[%get3A_878, %get3A_879, %get3A_880] {strides = array<i32>} : memref<4x4x128xf32, #tpu.memory_space<vmem>>, vector<1x1x16xf32>,
      %get3A_882 = vector.shape_cast %get3A_881 : vector<1x1x16xf32> to vector<16xf32>
      %get3A_883 = arith.constant 1 : i32
      %get3A_884 = arith.constant 0 : i32
      %get3A_885 = arith.index_cast %get3A_883 : i32 to index
      %get3A_886 = arith.index_cast %get3A_884 : i32 to index
      %get3A_887 = arith.constant 32 : index
      %get3A_888 = tpu.vector_load %arg6[%get3A_885, %get3A_886, %get3A_887] {strides = array<i32>} : memref<4x4x128xf32, #tpu.memory_space<vmem>>, vector<1x1x16xf32>,
      %get3A_889 = vector.shape_cast %get3A_888 : vector<1x1x16xf32> to vector<16xf32>
      %max3A_890 = arith.maximumf %get3A_861, %get3A_889 : vector<16xf32>
      %get3A_891 = arith.constant 1 : i32
      %get3A_892 = arith.constant 1 : i32
      %get3A_893 = arith.index_cast %get3A_891 : i32 to index
      %get3A_894 = arith.index_cast %get3A_892 : i32 to index
      %get3A_895 = arith.constant 32 : index
      %get3A_896 = tpu.vector_load %arg6[%get3A_893, %get3A_894, %get3A_895] {strides = array<i32>} : memref<4x4x128xf32, #tpu.memory_space<vmem>>, vector<1x1x16xf32>,
      %get3A_897 = vector.shape_cast %get3A_896 : vector<1x1x16xf32> to vector<16xf32>
      %min3A_898 = arith.minimumf %get3A_868, %get3A_897 : vector<16xf32>
      %get3A_899 = arith.constant 1 : i32
      %get3A_900 = arith.constant 2 : i32
      %get3A_901 = arith.index_cast %get3A_899 : i32 to index
      %get3A_902 = arith.index_cast %get3A_900 : i32 to index
      %get3A_903 = arith.constant 32 : index
      %get3A_904 = tpu.vector_load %arg6[%get3A_901, %get3A_902, %get3A_903] {strides = array<i32>} : memref<4x4x128xf32, #tpu.memory_space<vmem>>, vector<1x1x16xf32>,
      %get3A_905 = vector.shape_cast %get3A_904 : vector<1x1x16xf32> to vector<16xf32>
      %add3A_906 = arith.addf %get3A_875, %get3A_905 : vector<16xf32>
      %get3A_907 = arith.constant 1 : i32
      %get3A_908 = arith.constant 3 : i32
      %get3A_909 = arith.index_cast %get3A_907 : i32 to index
      %get3A_910 = arith.index_cast %get3A_908 : i32 to index
      %get3A_911 = arith.constant 32 : index
      %get3A_912 = tpu.vector_load %arg6[%get3A_909, %get3A_910, %get3A_911] {strides = array<i32>} : memref<4x4x128xf32, #tpu.memory_space<vmem>>, vector<1x1x16xf32>,
      %get3A_913 = vector.shape_cast %get3A_912 : vector<1x1x16xf32> to vector<16xf32>
      %add3A_914 = arith.addf %get3A_882, %get3A_913 : vector<16xf32>
      %get3A_915 = arith.constant 2 : i32
      %get3A_916 = arith.constant 0 : i32
      %get3A_917 = arith.index_cast %get3A_915 : i32 to index
      %get3A_918 = arith.index_cast %get3A_916 : i32 to index
      %get3A_919 = arith.constant 32 : index
      %get3A_920 = tpu.vector_load %arg6[%get3A_917, %get3A_918, %get3A_919] {strides = array<i32>} : memref<4x4x128xf32, #tpu.memory_space<vmem>>, vector<1x1x16xf32>,
      %get3A_921 = vector.shape_cast %get3A_920 : vector<1x1x16xf32> to vector<16xf32>
      %max3A_922 = arith.maximumf %max3A_890, %get3A_921 : vector<16xf32>
      %get3A_923 = arith.constant 2 : i32
      %get3A_924 = arith.constant 1 : i32
      %get3A_925 = arith.index_cast %get3A_923 : i32 to index
      %get3A_926 = arith.index_cast %get3A_924 : i32 to index
      %get3A_927 = arith.constant 32 : index
      %get3A_928 = tpu.vector_load %arg6[%get3A_925, %get3A_926, %get3A_927] {strides = array<i32>} : memref<4x4x128xf32, #tpu.memory_space<vmem>>, vector<1x1x16xf32>,
      %get3A_929 = vector.shape_cast %get3A_928 : vector<1x1x16xf32> to vector<16xf32>
      %min3A_930 = arith.minimumf %min3A_898, %get3A_929 : vector<16xf32>
      %get3A_931 = arith.constant 2 : i32
      %get3A_932 = arith.constant 2 : i32
      %get3A_933 = arith.index_cast %get3A_931 : i32 to index
      %get3A_934 = arith.index_cast %get3A_932 : i32 to index
      %get3A_935 = arith.constant 32 : index
      %get3A_936 = tpu.vector_load %arg6[%get3A_933, %get3A_934, %get3A_935] {strides = array<i32>} : memref<4x4x128xf32, #tpu.memory_space<vmem>>, vector<1x1x16xf32>,
      %get3A_937 = vector.shape_cast %get3A_936 : vector<1x1x16xf32> to vector<16xf32>
      %add3A_938 = arith.addf %add3A_906, %get3A_937 : vector<16xf32>
      %get3A_939 = arith.constant 2 : i32
      %get3A_940 = arith.constant 3 : i32
      %get3A_941 = arith.index_cast %get3A_939 : i32 to index
      %get3A_942 = arith.index_cast %get3A_940 : i32 to index
      %get3A_943 = arith.constant 32 : index
      %get3A_944 = tpu.vector_load %arg6[%get3A_941, %get3A_942, %get3A_943] {strides = array<i32>} : memref<4x4x128xf32, #tpu.memory_space<vmem>>, vector<1x1x16xf32>,
      %get3A_945 = vector.shape_cast %get3A_944 : vector<1x1x16xf32> to vector<16xf32>
      %add3A_946 = arith.addf %add3A_914, %get3A_945 : vector<16xf32>
      %get3A_947 = arith.constant 3 : i32
      %get3A_948 = arith.constant 0 : i32
      %get3A_949 = arith.index_cast %get3A_947 : i32 to index
      %get3A_950 = arith.index_cast %get3A_948 : i32 to index
      %get3A_951 = arith.constant 32 : index
      %get3A_952 = tpu.vector_load %arg6[%get3A_949, %get3A_950, %get3A_951] {strides = array<i32>} : memref<4x4x128xf32, #tpu.memory_space<vmem>>, vector<1x1x16xf32>,
      %get3A_953 = vector.shape_cast %get3A_952 : vector<1x1x16xf32> to vector<16xf32>
      %max3A_954 = arith.maximumf %max3A_922, %get3A_953 : vector<16xf32>
      %get3A_955 = arith.constant 3 : i32
      %get3A_956 = arith.constant 1 : i32
      %get3A_957 = arith.index_cast %get3A_955 : i32 to index
      %get3A_958 = arith.index_cast %get3A_956 : i32 to index
      %get3A_959 = arith.constant 32 : index
      %get3A_960 = tpu.vector_load %arg6[%get3A_957, %get3A_958, %get3A_959] {strides = array<i32>} : memref<4x4x128xf32, #tpu.memory_space<vmem>>, vector<1x1x16xf32>,
      %get3A_961 = vector.shape_cast %get3A_960 : vector<1x1x16xf32> to vector<16xf32>
      %min3A_962 = arith.minimumf %min3A_930, %get3A_961 : vector<16xf32>
      %get3A_963 = arith.constant 3 : i32
      %get3A_964 = arith.constant 2 : i32
      %get3A_965 = arith.index_cast %get3A_963 : i32 to index
      %get3A_966 = arith.index_cast %get3A_964 : i32 to index
      %get3A_967 = arith.constant 32 : index
      %get3A_968 = tpu.vector_load %arg6[%get3A_965, %get3A_966, %get3A_967] {strides = array<i32>} : memref<4x4x128xf32, #tpu.memory_space<vmem>>, vector<1x1x16xf32>,
      %get3A_969 = vector.shape_cast %get3A_968 : vector<1x1x16xf32> to vector<16xf32>
      %add3A_970 = arith.addf %add3A_938, %get3A_969 : vector<16xf32>
      %get3A_971 = arith.constant 3 : i32
      %get3A_972 = arith.constant 3 : i32
      %get3A_973 = arith.index_cast %get3A_971 : i32 to index
      %get3A_974 = arith.index_cast %get3A_972 : i32 to index
      %get3A_975 = arith.constant 32 : index
      %get3A_976 = tpu.vector_load %arg6[%get3A_973, %get3A_974, %get3A_975] {strides = array<i32>} : memref<4x4x128xf32, #tpu.memory_space<vmem>>, vector<1x1x16xf32>,
      %get3A_977 = vector.shape_cast %get3A_976 : vector<1x1x16xf32> to vector<16xf32>
      %add3A_978 = arith.addf %add3A_946, %get3A_977 : vector<16xf32>
      %mul3A_979 = arith.constant 2.44140625E-4 : f32
      %mul3A_980 = vector.broadcast %mul3A_979 : f32 to vector<16xf32>
      %mul3A_981 = arith.mulf %add3A_970, %mul3A_980 : vector<16xf32>
      %mul3A_982 = arith.mulf %add3A_970, %mul3A_981 : vector<16xf32>
      %sub3A_983 = arith.subf %add3A_978, %mul3A_982 : vector<16xf32>
      %mul3A_984 = arith.constant 2.44200259E-4 : f32
      %mul3A_985 = vector.broadcast %mul3A_984 : f32 to vector<16xf32>
      %mul3A_986 = arith.mulf %sub3A_983, %mul3A_985 : vector<16xf32>
      %max3A_987 = arith.constant 0.000000e+00 : f32
      %max3A_988 = vector.broadcast %max3A_987 : f32 to vector<16xf32>
      %max3A_989 = arith.maximumf %mul3A_986, %max3A_988 : vector<16xf32>
      %bitcast_convert_type3A_990 = tpu.bitcast %max3A_989 : vector<16xf32> -> vector<16xi32>
      %shift_right_arithmetic3A_991 = arith.constant 1 : i32
      %shift_right_arithmetic3A_992 = vector.broadcast %shift_right_arithmetic3A_991 : i32 to vector<16xi32>
      %shift_right_arithmetic3A_993 = arith.shrsi %bitcast_convert_type3A_990, %shift_right_arithmetic3A_992 : vector<16xi32>
      %sub3A_994 = arith.constant 1597463007 : i32
      %sub3A_995 = vector.broadcast %sub3A_994 : i32 to vector<16xi32>
      %sub3A_996 = arith.subi %sub3A_995, %shift_right_arithmetic3A_993 : vector<16xi32>
      %bitcast_convert_type3A_997 = tpu.bitcast %sub3A_996 : vector<16xi32> -> vector<16xf32>
      %mul3A_998 = arith.constant 5.000000e-01 : f32
      %mul3A_999 = vector.broadcast %mul3A_998 : f32 to vector<16xf32>
      %mul3A_1000 = arith.mulf %max3A_989, %mul3A_999 : vector<16xf32>
      %mul3A_1001 = arith.mulf %mul3A_1000, %bitcast_convert_type3A_997 : vector<16xf32>
      %mul3A_1002 = arith.mulf %mul3A_1001, %bitcast_convert_type3A_997 : vector<16xf32>
      %sub3A_1003 = arith.constant 1.500000e+00 : f32
      %sub3A_1004 = vector.broadcast %sub3A_1003 : f32 to vector<16xf32>
      %sub3A_1005 = arith.subf %sub3A_1004, %mul3A_1002 : vector<16xf32>
      %mul3A_1006 = arith.mulf %bitcast_convert_type3A_997, %sub3A_1005 : vector<16xf32>
      %mul3A_1007 = arith.mulf %mul3A_1000, %mul3A_1006 : vector<16xf32>
      %mul3A_1008 = arith.mulf %mul3A_1007, %mul3A_1006 : vector<16xf32>
      %sub3A_1009 = arith.constant 1.500000e+00 : f32
      %sub3A_1010 = vector.broadcast %sub3A_1009 : f32 to vector<16xf32>
      %sub3A_1011 = arith.subf %sub3A_1010, %mul3A_1008 : vector<16xf32>
      %mul3A_1012 = arith.mulf %mul3A_1006, %sub3A_1011 : vector<16xf32>
      %mul3A_1013 = arith.mulf %mul3A_1000, %mul3A_1012 : vector<16xf32>
      %mul3A_1014 = arith.mulf %mul3A_1013, %mul3A_1012 : vector<16xf32>
      %sub3A_1015 = arith.constant 1.500000e+00 : f32
      %sub3A_1016 = vector.broadcast %sub3A_1015 : f32 to vector<16xf32>
      %sub3A_1017 = arith.subf %sub3A_1016, %mul3A_1014 : vector<16xf32>
      %mul3A_1018 = arith.mulf %mul3A_1012, %sub3A_1017 : vector<16xf32>
      %mul3A_1019 = arith.mulf %max3A_989, %mul3A_1018 : vector<16xf32>
      %gt3A_1020 = arith.constant 0.000000e+00 : f32
      %gt3A_1021 = vector.broadcast %gt3A_1020 : f32 to vector<16xf32>
      %gt3A_1022 = arith.cmpf ogt, %max3A_989, %gt3A_1021 : vector<16xf32>
      %jit3A_1023 = arith.constant 0.000000e+00 : f32
      %broadcast_in_dim3A_1024 = vector.broadcast %jit3A_1023 : f32 to vector<16xf32>
      %select_n3A_1025 = arith.select %gt3A_1022, %mul3A_1019, %broadcast_in_dim3A_1024 : vector<16xi1>, vector<16xf32>
      %swap3A_1026 = arith.constant 0 : i32
      %swap3A_1027 = arith.index_cast %swap3A_1026 : i32 to index
      %swap3A_1028 = arith.constant 32 : index
      %swap3A_1029 = tpu.vector_load %arg5[%swap3A_1027, %swap3A_1028] {strides = array<i32>} : memref<4x128xf32, #tpu.memory_space<vmem>>, vector<1x16xf32>,
      %swap3A_1030 = vector.shape_cast %swap3A_1029 : vector<1x16xf32> to vector<16xf32>
      %swap3A_1031 = vector.shape_cast %max3A_954 : vector<16xf32> to vector<1x16xf32>
      tpu.vector_store %arg5[%swap3A_1027, %swap3A_1028], %swap3A_1031 {strides = array<i32>} : memref<4x128xf32, #tpu.memory_space<vmem>>, vector<1x16xf32>,
      %swap3A_1032 = arith.constant 1 : i32
      %swap3A_1033 = arith.index_cast %swap3A_1032 : i32 to index
      %swap3A_1034 = arith.constant 32 : index
      %swap3A_1035 = tpu.vector_load %arg5[%swap3A_1033, %swap3A_1034] {strides = array<i32>} : memref<4x128xf32, #tpu.memory_space<vmem>>, vector<1x16xf32>,
      %swap3A_1036 = vector.shape_cast %swap3A_1035 : vector<1x16xf32> to vector<16xf32>
      %swap3A_1037 = vector.shape_cast %min3A_962 : vector<16xf32> to vector<1x16xf32>
      tpu.vector_store %arg5[%swap3A_1033, %swap3A_1034], %swap3A_1037 {strides = array<i32>} : memref<4x128xf32, #tpu.memory_space<vmem>>, vector<1x16xf32>,
      %swap3A_1038 = arith.constant 2 : i32
      %swap3A_1039 = arith.index_cast %swap3A_1038 : i32 to index
      %swap3A_1040 = arith.constant 32 : index
      %swap3A_1041 = tpu.vector_load %arg5[%swap3A_1039, %swap3A_1040] {strides = array<i32>} : memref<4x128xf32, #tpu.memory_space<vmem>>, vector<1x16xf32>,
      %swap3A_1042 = vector.shape_cast %swap3A_1041 : vector<1x16xf32> to vector<16xf32>
      %swap3A_1043 = vector.shape_cast %mul3A_981 : vector<16xf32> to vector<1x16xf32>
      tpu.vector_store %arg5[%swap3A_1039, %swap3A_1040], %swap3A_1043 {strides = array<i32>} : memref<4x128xf32, #tpu.memory_space<vmem>>, vector<1x16xf32>,
      %swap3A_1044 = arith.constant 3 : i32
      %swap3A_1045 = arith.index_cast %swap3A_1044 : i32 to index
      %swap3A_1046 = arith.constant 32 : index
      %swap3A_1047 = tpu.vector_load %arg5[%swap3A_1045, %swap3A_1046] {strides = array<i32>} : memref<4x128xf32, #tpu.memory_space<vmem>>, vector<1x16xf32>,
      %swap3A_1048 = vector.shape_cast %swap3A_1047 : vector<1x16xf32> to vector<16xf32>
      %swap3A_1049 = vector.shape_cast %select_n3A_1025 : vector<16xf32> to vector<1x16xf32>
      tpu.vector_store %arg5[%swap3A_1045, %swap3A_1046], %swap3A_1049 {strides = array<i32>} : memref<4x128xf32, #tpu.memory_space<vmem>>, vector<1x16xf32>,
      %get3A_1050 = arith.constant 0 : i32
      %get3A_1051 = arith.constant 0 : i32
      %get3A_1052 = arith.index_cast %get3A_1050 : i32 to index
      %get3A_1053 = arith.index_cast %get3A_1051 : i32 to index
      %get3A_1054 = arith.constant 48 : index
      %get3A_1055 = tpu.vector_load %arg6[%get3A_1052, %get3A_1053, %get3A_1054] {strides = array<i32>} : memref<4x4x128xf32, #tpu.memory_space<vmem>>, vector<1x1x16xf32>,
      %get3A_1056 = vector.shape_cast %get3A_1055 : vector<1x1x16xf32> to vector<16xf32>
      %get3A_1057 = arith.constant 0 : i32
      %get3A_1058 = arith.constant 1 : i32
      %get3A_1059 = arith.index_cast %get3A_1057 : i32 to index
      %get3A_1060 = arith.index_cast %get3A_1058 : i32 to index
      %get3A_1061 = arith.constant 48 : index
      %get3A_1062 = tpu.vector_load %arg6[%get3A_1059, %get3A_1060, %get3A_1061] {strides = array<i32>} : memref<4x4x128xf32, #tpu.memory_space<vmem>>, vector<1x1x16xf32>,
      %get3A_1063 = vector.shape_cast %get3A_1062 : vector<1x1x16xf32> to vector<16xf32>
      %get3A_1064 = arith.constant 0 : i32
      %get3A_1065 = arith.constant 2 : i32
      %get3A_1066 = arith.index_cast %get3A_1064 : i32 to index
      %get3A_1067 = arith.index_cast %get3A_1065 : i32 to index
      %get3A_1068 = arith.constant 48 : index
      %get3A_1069 = tpu.vector_load %arg6[%get3A_1066, %get3A_1067, %get3A_1068] {strides = array<i32>} : memref<4x4x128xf32, #tpu.memory_space<vmem>>, vector<1x1x16xf32>,
      %get3A_1070 = vector.shape_cast %get3A_1069 : vector<1x1x16xf32> to vector<16xf32>
      %get3A_1071 = arith.constant 0 : i32
      %get3A_1072 = arith.constant 3 : i32
      %get3A_1073 = arith.index_cast %get3A_1071 : i32 to index
      %get3A_1074 = arith.index_cast %get3A_1072 : i32 to index
      %get3A_1075 = arith.constant 48 : index
      %get3A_1076 = tpu.vector_load %arg6[%get3A_1073, %get3A_1074, %get3A_1075] {strides = array<i32>} : memref<4x4x128xf32, #tpu.memory_space<vmem>>, vector<1x1x16xf32>,
      %get3A_1077 = vector.shape_cast %get3A_1076 : vector<1x1x16xf32> to vector<16xf32>
      %get3A_1078 = arith.constant 1 : i32
      %get3A_1079 = arith.constant 0 : i32
      %get3A_1080 = arith.index_cast %get3A_1078 : i32 to index
      %get3A_1081 = arith.index_cast %get3A_1079 : i32 to index
      %get3A_1082 = arith.constant 48 : index
      %get3A_1083 = tpu.vector_load %arg6[%get3A_1080, %get3A_1081, %get3A_1082] {strides = array<i32>} : memref<4x4x128xf32, #tpu.memory_space<vmem>>, vector<1x1x16xf32>,
      %get3A_1084 = vector.shape_cast %get3A_1083 : vector<1x1x16xf32> to vector<16xf32>
      %max3A_1085 = arith.maximumf %get3A_1056, %get3A_1084 : vector<16xf32>
      %get3A_1086 = arith.constant 1 : i32
      %get3A_1087 = arith.constant 1 : i32
      %get3A_1088 = arith.index_cast %get3A_1086 : i32 to index
      %get3A_1089 = arith.index_cast %get3A_1087 : i32 to index
      %get3A_1090 = arith.constant 48 : index
      %get3A_1091 = tpu.vector_load %arg6[%get3A_1088, %get3A_1089, %get3A_1090] {strides = array<i32>} : memref<4x4x128xf32, #tpu.memory_space<vmem>>, vector<1x1x16xf32>,
      %get3A_1092 = vector.shape_cast %get3A_1091 : vector<1x1x16xf32> to vector<16xf32>
      %min3A_1093 = arith.minimumf %get3A_1063, %get3A_1092 : vector<16xf32>
      %get3A_1094 = arith.constant 1 : i32
      %get3A_1095 = arith.constant 2 : i32
      %get3A_1096 = arith.index_cast %get3A_1094 : i32 to index
      %get3A_1097 = arith.index_cast %get3A_1095 : i32 to index
      %get3A_1098 = arith.constant 48 : index
      %get3A_1099 = tpu.vector_load %arg6[%get3A_1096, %get3A_1097, %get3A_1098] {strides = array<i32>} : memref<4x4x128xf32, #tpu.memory_space<vmem>>, vector<1x1x16xf32>,
      %get3A_1100 = vector.shape_cast %get3A_1099 : vector<1x1x16xf32> to vector<16xf32>
      %add3A_1101 = arith.addf %get3A_1070, %get3A_1100 : vector<16xf32>
      %get3A_1102 = arith.constant 1 : i32
      %get3A_1103 = arith.constant 3 : i32
      %get3A_1104 = arith.index_cast %get3A_1102 : i32 to index
      %get3A_1105 = arith.index_cast %get3A_1103 : i32 to index
      %get3A_1106 = arith.constant 48 : index
      %get3A_1107 = tpu.vector_load %arg6[%get3A_1104, %get3A_1105, %get3A_1106] {strides = array<i32>} : memref<4x4x128xf32, #tpu.memory_space<vmem>>, vector<1x1x16xf32>,
      %get3A_1108 = vector.shape_cast %get3A_1107 : vector<1x1x16xf32> to vector<16xf32>
      %add3A_1109 = arith.addf %get3A_1077, %get3A_1108 : vector<16xf32>
      %get3A_1110 = arith.constant 2 : i32
      %get3A_1111 = arith.constant 0 : i32
      %get3A_1112 = arith.index_cast %get3A_1110 : i32 to index
      %get3A_1113 = arith.index_cast %get3A_1111 : i32 to index
      %get3A_1114 = arith.constant 48 : index
      %get3A_1115 = tpu.vector_load %arg6[%get3A_1112, %get3A_1113, %get3A_1114] {strides = array<i32>} : memref<4x4x128xf32, #tpu.memory_space<vmem>>, vector<1x1x16xf32>,
      %get3A_1116 = vector.shape_cast %get3A_1115 : vector<1x1x16xf32> to vector<16xf32>
      %max3A_1117 = arith.maximumf %max3A_1085, %get3A_1116 : vector<16xf32>
      %get3A_1118 = arith.constant 2 : i32
      %get3A_1119 = arith.constant 1 : i32
      %get3A_1120 = arith.index_cast %get3A_1118 : i32 to index
      %get3A_1121 = arith.index_cast %get3A_1119 : i32 to index
      %get3A_1122 = arith.constant 48 : index
      %get3A_1123 = tpu.vector_load %arg6[%get3A_1120, %get3A_1121, %get3A_1122] {strides = array<i32>} : memref<4x4x128xf32, #tpu.memory_space<vmem>>, vector<1x1x16xf32>,
      %get3A_1124 = vector.shape_cast %get3A_1123 : vector<1x1x16xf32> to vector<16xf32>
      %min3A_1125 = arith.minimumf %min3A_1093, %get3A_1124 : vector<16xf32>
      %get3A_1126 = arith.constant 2 : i32
      %get3A_1127 = arith.constant 2 : i32
      %get3A_1128 = arith.index_cast %get3A_1126 : i32 to index
      %get3A_1129 = arith.index_cast %get3A_1127 : i32 to index
      %get3A_1130 = arith.constant 48 : index
      %get3A_1131 = tpu.vector_load %arg6[%get3A_1128, %get3A_1129, %get3A_1130] {strides = array<i32>} : memref<4x4x128xf32, #tpu.memory_space<vmem>>, vector<1x1x16xf32>,
      %get3A_1132 = vector.shape_cast %get3A_1131 : vector<1x1x16xf32> to vector<16xf32>
      %add3A_1133 = arith.addf %add3A_1101, %get3A_1132 : vector<16xf32>
      %get3A_1134 = arith.constant 2 : i32
      %get3A_1135 = arith.constant 3 : i32
      %get3A_1136 = arith.index_cast %get3A_1134 : i32 to index
      %get3A_1137 = arith.index_cast %get3A_1135 : i32 to index
      %get3A_1138 = arith.constant 48 : index
      %get3A_1139 = tpu.vector_load %arg6[%get3A_1136, %get3A_1137, %get3A_1138] {strides = array<i32>} : memref<4x4x128xf32, #tpu.memory_space<vmem>>, vector<1x1x16xf32>,
      %get3A_1140 = vector.shape_cast %get3A_1139 : vector<1x1x16xf32> to vector<16xf32>
      %add3A_1141 = arith.addf %add3A_1109, %get3A_1140 : vector<16xf32>
      %get3A_1142 = arith.constant 3 : i32
      %get3A_1143 = arith.constant 0 : i32
      %get3A_1144 = arith.index_cast %get3A_1142 : i32 to index
      %get3A_1145 = arith.index_cast %get3A_1143 : i32 to index
      %get3A_1146 = arith.constant 48 : index
      %get3A_1147 = tpu.vector_load %arg6[%get3A_1144, %get3A_1145, %get3A_1146] {strides = array<i32>} : memref<4x4x128xf32, #tpu.memory_space<vmem>>, vector<1x1x16xf32>,
      %get3A_1148 = vector.shape_cast %get3A_1147 : vector<1x1x16xf32> to vector<16xf32>
      %max3A_1149 = arith.maximumf %max3A_1117, %get3A_1148 : vector<16xf32>
      %get3A_1150 = arith.constant 3 : i32
      %get3A_1151 = arith.constant 1 : i32
      %get3A_1152 = arith.index_cast %get3A_1150 : i32 to index
      %get3A_1153 = arith.index_cast %get3A_1151 : i32 to index
      %get3A_1154 = arith.constant 48 : index
      %get3A_1155 = tpu.vector_load %arg6[%get3A_1152, %get3A_1153, %get3A_1154] {strides = array<i32>} : memref<4x4x128xf32, #tpu.memory_space<vmem>>, vector<1x1x16xf32>,
      %get3A_1156 = vector.shape_cast %get3A_1155 : vector<1x1x16xf32> to vector<16xf32>
      %min3A_1157 = arith.minimumf %min3A_1125, %get3A_1156 : vector<16xf32>
      %get3A_1158 = arith.constant 3 : i32
      %get3A_1159 = arith.constant 2 : i32
      %get3A_1160 = arith.index_cast %get3A_1158 : i32 to index
      %get3A_1161 = arith.index_cast %get3A_1159 : i32 to index
      %get3A_1162 = arith.constant 48 : index
      %get3A_1163 = tpu.vector_load %arg6[%get3A_1160, %get3A_1161, %get3A_1162] {strides = array<i32>} : memref<4x4x128xf32, #tpu.memory_space<vmem>>, vector<1x1x16xf32>,
      %get3A_1164 = vector.shape_cast %get3A_1163 : vector<1x1x16xf32> to vector<16xf32>
      %add3A_1165 = arith.addf %add3A_1133, %get3A_1164 : vector<16xf32>
      %get3A_1166 = arith.constant 3 : i32
      %get3A_1167 = arith.constant 3 : i32
      %get3A_1168 = arith.index_cast %get3A_1166 : i32 to index
      %get3A_1169 = arith.index_cast %get3A_1167 : i32 to index
      %get3A_1170 = arith.constant 48 : index
      %get3A_1171 = tpu.vector_load %arg6[%get3A_1168, %get3A_1169, %get3A_1170] {strides = array<i32>} : memref<4x4x128xf32, #tpu.memory_space<vmem>>, vector<1x1x16xf32>,
      %get3A_1172 = vector.shape_cast %get3A_1171 : vector<1x1x16xf32> to vector<16xf32>
      %add3A_1173 = arith.addf %add3A_1141, %get3A_1172 : vector<16xf32>
      %mul3A_1174 = arith.constant 2.44140625E-4 : f32
      %mul3A_1175 = vector.broadcast %mul3A_1174 : f32 to vector<16xf32>
      %mul3A_1176 = arith.mulf %add3A_1165, %mul3A_1175 : vector<16xf32>
      %mul3A_1177 = arith.mulf %add3A_1165, %mul3A_1176 : vector<16xf32>
      %sub3A_1178 = arith.subf %add3A_1173, %mul3A_1177 : vector<16xf32>
      %mul3A_1179 = arith.constant 2.44200259E-4 : f32
      %mul3A_1180 = vector.broadcast %mul3A_1179 : f32 to vector<16xf32>
      %mul3A_1181 = arith.mulf %sub3A_1178, %mul3A_1180 : vector<16xf32>
      %max3A_1182 = arith.constant 0.000000e+00 : f32
      %max3A_1183 = vector.broadcast %max3A_1182 : f32 to vector<16xf32>
      %max3A_1184 = arith.maximumf %mul3A_1181, %max3A_1183 : vector<16xf32>
      %bitcast_convert_type3A_1185 = tpu.bitcast %max3A_1184 : vector<16xf32> -> vector<16xi32>
      %shift_right_arithmetic3A_1186 = arith.constant 1 : i32
      %shift_right_arithmetic3A_1187 = vector.broadcast %shift_right_arithmetic3A_1186 : i32 to vector<16xi32>
      %shift_right_arithmetic3A_1188 = arith.shrsi %bitcast_convert_type3A_1185, %shift_right_arithmetic3A_1187 : vector<16xi32>
      %sub3A_1189 = arith.constant 1597463007 : i32
      %sub3A_1190 = vector.broadcast %sub3A_1189 : i32 to vector<16xi32>
      %sub3A_1191 = arith.subi %sub3A_1190, %shift_right_arithmetic3A_1188 : vector<16xi32>
      %bitcast_convert_type3A_1192 = tpu.bitcast %sub3A_1191 : vector<16xi32> -> vector<16xf32>
      %mul3A_1193 = arith.constant 5.000000e-01 : f32
      %mul3A_1194 = vector.broadcast %mul3A_1193 : f32 to vector<16xf32>
      %mul3A_1195 = arith.mulf %max3A_1184, %mul3A_1194 : vector<16xf32>
      %mul3A_1196 = arith.mulf %mul3A_1195, %bitcast_convert_type3A_1192 : vector<16xf32>
      %mul3A_1197 = arith.mulf %mul3A_1196, %bitcast_convert_type3A_1192 : vector<16xf32>
      %sub3A_1198 = arith.constant 1.500000e+00 : f32
      %sub3A_1199 = vector.broadcast %sub3A_1198 : f32 to vector<16xf32>
      %sub3A_1200 = arith.subf %sub3A_1199, %mul3A_1197 : vector<16xf32>
      %mul3A_1201 = arith.mulf %bitcast_convert_type3A_1192, %sub3A_1200 : vector<16xf32>
      %mul3A_1202 = arith.mulf %mul3A_1195, %mul3A_1201 : vector<16xf32>
      %mul3A_1203 = arith.mulf %mul3A_1202, %mul3A_1201 : vector<16xf32>
      %sub3A_1204 = arith.constant 1.500000e+00 : f32
      %sub3A_1205 = vector.broadcast %sub3A_1204 : f32 to vector<16xf32>
      %sub3A_1206 = arith.subf %sub3A_1205, %mul3A_1203 : vector<16xf32>
      %mul3A_1207 = arith.mulf %mul3A_1201, %sub3A_1206 : vector<16xf32>
      %mul3A_1208 = arith.mulf %mul3A_1195, %mul3A_1207 : vector<16xf32>
      %mul3A_1209 = arith.mulf %mul3A_1208, %mul3A_1207 : vector<16xf32>
      %sub3A_1210 = arith.constant 1.500000e+00 : f32
      %sub3A_1211 = vector.broadcast %sub3A_1210 : f32 to vector<16xf32>
      %sub3A_1212 = arith.subf %sub3A_1211, %mul3A_1209 : vector<16xf32>
      %mul3A_1213 = arith.mulf %mul3A_1207, %sub3A_1212 : vector<16xf32>
      %mul3A_1214 = arith.mulf %max3A_1184, %mul3A_1213 : vector<16xf32>
      %gt3A_1215 = arith.constant 0.000000e+00 : f32
      %gt3A_1216 = vector.broadcast %gt3A_1215 : f32 to vector<16xf32>
      %gt3A_1217 = arith.cmpf ogt, %max3A_1184, %gt3A_1216 : vector<16xf32>
      %jit3A_1218 = arith.constant 0.000000e+00 : f32
      %broadcast_in_dim3A_1219 = vector.broadcast %jit3A_1218 : f32 to vector<16xf32>
      %select_n3A_1220 = arith.select %gt3A_1217, %mul3A_1214, %broadcast_in_dim3A_1219 : vector<16xi1>, vector<16xf32>
      %swap3A_1221 = arith.constant 0 : i32
      %swap3A_1222 = arith.index_cast %swap3A_1221 : i32 to index
      %swap3A_1223 = arith.constant 48 : index
      %swap3A_1224 = tpu.vector_load %arg5[%swap3A_1222, %swap3A_1223] {strides = array<i32>} : memref<4x128xf32, #tpu.memory_space<vmem>>, vector<1x16xf32>,
      %swap3A_1225 = vector.shape_cast %swap3A_1224 : vector<1x16xf32> to vector<16xf32>
      %swap3A_1226 = vector.shape_cast %max3A_1149 : vector<16xf32> to vector<1x16xf32>
      tpu.vector_store %arg5[%swap3A_1222, %swap3A_1223], %swap3A_1226 {strides = array<i32>} : memref<4x128xf32, #tpu.memory_space<vmem>>, vector<1x16xf32>,
      %swap3A_1227 = arith.constant 1 : i32
      %swap3A_1228 = arith.index_cast %swap3A_1227 : i32 to index
      %swap3A_1229 = arith.constant 48 : index
      %swap3A_1230 = tpu.vector_load %arg5[%swap3A_1228, %swap3A_1229] {strides = array<i32>} : memref<4x128xf32, #tpu.memory_space<vmem>>, vector<1x16xf32>,
      %swap3A_1231 = vector.shape_cast %swap3A_1230 : vector<1x16xf32> to vector<16xf32>
      %swap3A_1232 = vector.shape_cast %min3A_1157 : vector<16xf32> to vector<1x16xf32>
      tpu.vector_store %arg5[%swap3A_1228, %swap3A_1229], %swap3A_1232 {strides = array<i32>} : memref<4x128xf32, #tpu.memory_space<vmem>>, vector<1x16xf32>,
      %swap3A_1233 = arith.constant 2 : i32
      %swap3A_1234 = arith.index_cast %swap3A_1233 : i32 to index
      %swap3A_1235 = arith.constant 48 : index
      %swap3A_1236 = tpu.vector_load %arg5[%swap3A_1234, %swap3A_1235] {strides = array<i32>} : memref<4x128xf32, #tpu.memory_space<vmem>>, vector<1x16xf32>,
      %swap3A_1237 = vector.shape_cast %swap3A_1236 : vector<1x16xf32> to vector<16xf32>
      %swap3A_1238 = vector.shape_cast %mul3A_1176 : vector<16xf32> to vector<1x16xf32>
      tpu.vector_store %arg5[%swap3A_1234, %swap3A_1235], %swap3A_1238 {strides = array<i32>} : memref<4x128xf32, #tpu.memory_space<vmem>>, vector<1x16xf32>,
      %swap3A_1239 = arith.constant 3 : i32
      %swap3A_1240 = arith.index_cast %swap3A_1239 : i32 to index
      %swap3A_1241 = arith.constant 48 : index
      %swap3A_1242 = tpu.vector_load %arg5[%swap3A_1240, %swap3A_1241] {strides = array<i32>} : memref<4x128xf32, #tpu.memory_space<vmem>>, vector<1x16xf32>,
      %swap3A_1243 = vector.shape_cast %swap3A_1242 : vector<1x16xf32> to vector<16xf32>
      %swap3A_1244 = vector.shape_cast %select_n3A_1220 : vector<16xf32> to vector<1x16xf32>
      tpu.vector_store %arg5[%swap3A_1240, %swap3A_1241], %swap3A_1244 {strides = array<i32>} : memref<4x128xf32, #tpu.memory_space<vmem>>, vector<1x16xf32>,
      %get3A_1245 = arith.constant 0 : i32
      %get3A_1246 = arith.constant 0 : i32
      %get3A_1247 = arith.index_cast %get3A_1245 : i32 to index
      %get3A_1248 = arith.index_cast %get3A_1246 : i32 to index
      %get3A_1249 = arith.constant 64 : index
      %get3A_1250 = tpu.vector_load %arg6[%get3A_1247, %get3A_1248, %get3A_1249] {strides = array<i32>} : memref<4x4x128xf32, #tpu.memory_space<vmem>>, vector<1x1x16xf32>,
      %get3A_1251 = vector.shape_cast %get3A_1250 : vector<1x1x16xf32> to vector<16xf32>
      %get3A_1252 = arith.constant 0 : i32
      %get3A_1253 = arith.constant 1 : i32
      %get3A_1254 = arith.index_cast %get3A_1252 : i32 to index
      %get3A_1255 = arith.index_cast %get3A_1253 : i32 to index
      %get3A_1256 = arith.constant 64 : index
      %get3A_1257 = tpu.vector_load %arg6[%get3A_1254, %get3A_1255, %get3A_1256] {strides = array<i32>} : memref<4x4x128xf32, #tpu.memory_space<vmem>>, vector<1x1x16xf32>,
      %get3A_1258 = vector.shape_cast %get3A_1257 : vector<1x1x16xf32> to vector<16xf32>
      %get3A_1259 = arith.constant 0 : i32
      %get3A_1260 = arith.constant 2 : i32
      %get3A_1261 = arith.index_cast %get3A_1259 : i32 to index
      %get3A_1262 = arith.index_cast %get3A_1260 : i32 to index
      %get3A_1263 = arith.constant 64 : index
      %get3A_1264 = tpu.vector_load %arg6[%get3A_1261, %get3A_1262, %get3A_1263] {strides = array<i32>} : memref<4x4x128xf32, #tpu.memory_space<vmem>>, vector<1x1x16xf32>,
      %get3A_1265 = vector.shape_cast %get3A_1264 : vector<1x1x16xf32> to vector<16xf32>
      %get3A_1266 = arith.constant 0 : i32
      %get3A_1267 = arith.constant 3 : i32
      %get3A_1268 = arith.index_cast %get3A_1266 : i32 to index
      %get3A_1269 = arith.index_cast %get3A_1267 : i32 to index
      %get3A_1270 = arith.constant 64 : index
      %get3A_1271 = tpu.vector_load %arg6[%get3A_1268, %get3A_1269, %get3A_1270] {strides = array<i32>} : memref<4x4x128xf32, #tpu.memory_space<vmem>>, vector<1x1x16xf32>,
      %get3A_1272 = vector.shape_cast %get3A_1271 : vector<1x1x16xf32> to vector<16xf32>
      %get3A_1273 = arith.constant 1 : i32
      %get3A_1274 = arith.constant 0 : i32
      %get3A_1275 = arith.index_cast %get3A_1273 : i32 to index
      %get3A_1276 = arith.index_cast %get3A_1274 : i32 to index
      %get3A_1277 = arith.constant 64 : index
      %get3A_1278 = tpu.vector_load %arg6[%get3A_1275, %get3A_1276, %get3A_1277] {strides = array<i32>} : memref<4x4x128xf32, #tpu.memory_space<vmem>>, vector<1x1x16xf32>,
      %get3A_1279 = vector.shape_cast %get3A_1278 : vector<1x1x16xf32> to vector<16xf32>
      %max3A_1280 = arith.maximumf %get3A_1251, %get3A_1279 : vector<16xf32>
      %get3A_1281 = arith.constant 1 : i32
      %get3A_1282 = arith.constant 1 : i32
      %get3A_1283 = arith.index_cast %get3A_1281 : i32 to index
      %get3A_1284 = arith.index_cast %get3A_1282 : i32 to index
      %get3A_1285 = arith.constant 64 : index
      %get3A_1286 = tpu.vector_load %arg6[%get3A_1283, %get3A_1284, %get3A_1285] {strides = array<i32>} : memref<4x4x128xf32, #tpu.memory_space<vmem>>, vector<1x1x16xf32>,
      %get3A_1287 = vector.shape_cast %get3A_1286 : vector<1x1x16xf32> to vector<16xf32>
      %min3A_1288 = arith.minimumf %get3A_1258, %get3A_1287 : vector<16xf32>
      %get3A_1289 = arith.constant 1 : i32
      %get3A_1290 = arith.constant 2 : i32
      %get3A_1291 = arith.index_cast %get3A_1289 : i32 to index
      %get3A_1292 = arith.index_cast %get3A_1290 : i32 to index
      %get3A_1293 = arith.constant 64 : index
      %get3A_1294 = tpu.vector_load %arg6[%get3A_1291, %get3A_1292, %get3A_1293] {strides = array<i32>} : memref<4x4x128xf32, #tpu.memory_space<vmem>>, vector<1x1x16xf32>,
      %get3A_1295 = vector.shape_cast %get3A_1294 : vector<1x1x16xf32> to vector<16xf32>
      %add3A_1296 = arith.addf %get3A_1265, %get3A_1295 : vector<16xf32>
      %get3A_1297 = arith.constant 1 : i32
      %get3A_1298 = arith.constant 3 : i32
      %get3A_1299 = arith.index_cast %get3A_1297 : i32 to index
      %get3A_1300 = arith.index_cast %get3A_1298 : i32 to index
      %get3A_1301 = arith.constant 64 : index
      %get3A_1302 = tpu.vector_load %arg6[%get3A_1299, %get3A_1300, %get3A_1301] {strides = array<i32>} : memref<4x4x128xf32, #tpu.memory_space<vmem>>, vector<1x1x16xf32>,
      %get3A_1303 = vector.shape_cast %get3A_1302 : vector<1x1x16xf32> to vector<16xf32>
      %add3A_1304 = arith.addf %get3A_1272, %get3A_1303 : vector<16xf32>
      %get3A_1305 = arith.constant 2 : i32
      %get3A_1306 = arith.constant 0 : i32
      %get3A_1307 = arith.index_cast %get3A_1305 : i32 to index
      %get3A_1308 = arith.index_cast %get3A_1306 : i32 to index
      %get3A_1309 = arith.constant 64 : index
      %get3A_1310 = tpu.vector_load %arg6[%get3A_1307, %get3A_1308, %get3A_1309] {strides = array<i32>} : memref<4x4x128xf32, #tpu.memory_space<vmem>>, vector<1x1x16xf32>,
      %get3A_1311 = vector.shape_cast %get3A_1310 : vector<1x1x16xf32> to vector<16xf32>
      %max3A_1312 = arith.maximumf %max3A_1280, %get3A_1311 : vector<16xf32>
      %get3A_1313 = arith.constant 2 : i32
      %get3A_1314 = arith.constant 1 : i32
      %get3A_1315 = arith.index_cast %get3A_1313 : i32 to index
      %get3A_1316 = arith.index_cast %get3A_1314 : i32 to index
      %get3A_1317 = arith.constant 64 : index
      %get3A_1318 = tpu.vector_load %arg6[%get3A_1315, %get3A_1316, %get3A_1317] {strides = array<i32>} : memref<4x4x128xf32, #tpu.memory_space<vmem>>, vector<1x1x16xf32>,
      %get3A_1319 = vector.shape_cast %get3A_1318 : vector<1x1x16xf32> to vector<16xf32>
      %min3A_1320 = arith.minimumf %min3A_1288, %get3A_1319 : vector<16xf32>
      %get3A_1321 = arith.constant 2 : i32
      %get3A_1322 = arith.constant 2 : i32
      %get3A_1323 = arith.index_cast %get3A_1321 : i32 to index
      %get3A_1324 = arith.index_cast %get3A_1322 : i32 to index
      %get3A_1325 = arith.constant 64 : index
      %get3A_1326 = tpu.vector_load %arg6[%get3A_1323, %get3A_1324, %get3A_1325] {strides = array<i32>} : memref<4x4x128xf32, #tpu.memory_space<vmem>>, vector<1x1x16xf32>,
      %get3A_1327 = vector.shape_cast %get3A_1326 : vector<1x1x16xf32> to vector<16xf32>
      %add3A_1328 = arith.addf %add3A_1296, %get3A_1327 : vector<16xf32>
      %get3A_1329 = arith.constant 2 : i32
      %get3A_1330 = arith.constant 3 : i32
      %get3A_1331 = arith.index_cast %get3A_1329 : i32 to index
      %get3A_1332 = arith.index_cast %get3A_1330 : i32 to index
      %get3A_1333 = arith.constant 64 : index
      %get3A_1334 = tpu.vector_load %arg6[%get3A_1331, %get3A_1332, %get3A_1333] {strides = array<i32>} : memref<4x4x128xf32, #tpu.memory_space<vmem>>, vector<1x1x16xf32>,
      %get3A_1335 = vector.shape_cast %get3A_1334 : vector<1x1x16xf32> to vector<16xf32>
      %add3A_1336 = arith.addf %add3A_1304, %get3A_1335 : vector<16xf32>
      %get3A_1337 = arith.constant 3 : i32
      %get3A_1338 = arith.constant 0 : i32
      %get3A_1339 = arith.index_cast %get3A_1337 : i32 to index
      %get3A_1340 = arith.index_cast %get3A_1338 : i32 to index
      %get3A_1341 = arith.constant 64 : index
      %get3A_1342 = tpu.vector_load %arg6[%get3A_1339, %get3A_1340, %get3A_1341] {strides = array<i32>} : memref<4x4x128xf32, #tpu.memory_space<vmem>>, vector<1x1x16xf32>,
      %get3A_1343 = vector.shape_cast %get3A_1342 : vector<1x1x16xf32> to vector<16xf32>
      %max3A_1344 = arith.maximumf %max3A_1312, %get3A_1343 : vector<16xf32>
      %get3A_1345 = arith.constant 3 : i32
      %get3A_1346 = arith.constant 1 : i32
      %get3A_1347 = arith.index_cast %get3A_1345 : i32 to index
      %get3A_1348 = arith.index_cast %get3A_1346 : i32 to index
      %get3A_1349 = arith.constant 64 : index
      %get3A_1350 = tpu.vector_load %arg6[%get3A_1347, %get3A_1348, %get3A_1349] {strides = array<i32>} : memref<4x4x128xf32, #tpu.memory_space<vmem>>, vector<1x1x16xf32>,
      %get3A_1351 = vector.shape_cast %get3A_1350 : vector<1x1x16xf32> to vector<16xf32>
      %min3A_1352 = arith.minimumf %min3A_1320, %get3A_1351 : vector<16xf32>
      %get3A_1353 = arith.constant 3 : i32
      %get3A_1354 = arith.constant 2 : i32
      %get3A_1355 = arith.index_cast %get3A_1353 : i32 to index
      %get3A_1356 = arith.index_cast %get3A_1354 : i32 to index
      %get3A_1357 = arith.constant 64 : index
      %get3A_1358 = tpu.vector_load %arg6[%get3A_1355, %get3A_1356, %get3A_1357] {strides = array<i32>} : memref<4x4x128xf32, #tpu.memory_space<vmem>>, vector<1x1x16xf32>,
      %get3A_1359 = vector.shape_cast %get3A_1358 : vector<1x1x16xf32> to vector<16xf32>
      %add3A_1360 = arith.addf %add3A_1328, %get3A_1359 : vector<16xf32>
      %get3A_1361 = arith.constant 3 : i32
      %get3A_1362 = arith.constant 3 : i32
      %get3A_1363 = arith.index_cast %get3A_1361 : i32 to index
      %get3A_1364 = arith.index_cast %get3A_1362 : i32 to index
      %get3A_1365 = arith.constant 64 : index
      %get3A_1366 = tpu.vector_load %arg6[%get3A_1363, %get3A_1364, %get3A_1365] {strides = array<i32>} : memref<4x4x128xf32, #tpu.memory_space<vmem>>, vector<1x1x16xf32>,
      %get3A_1367 = vector.shape_cast %get3A_1366 : vector<1x1x16xf32> to vector<16xf32>
      %add3A_1368 = arith.addf %add3A_1336, %get3A_1367 : vector<16xf32>
      %mul3A_1369 = arith.constant 2.44140625E-4 : f32
      %mul3A_1370 = vector.broadcast %mul3A_1369 : f32 to vector<16xf32>
      %mul3A_1371 = arith.mulf %add3A_1360, %mul3A_1370 : vector<16xf32>
      %mul3A_1372 = arith.mulf %add3A_1360, %mul3A_1371 : vector<16xf32>
      %sub3A_1373 = arith.subf %add3A_1368, %mul3A_1372 : vector<16xf32>
      %mul3A_1374 = arith.constant 2.44200259E-4 : f32
      %mul3A_1375 = vector.broadcast %mul3A_1374 : f32 to vector<16xf32>
      %mul3A_1376 = arith.mulf %sub3A_1373, %mul3A_1375 : vector<16xf32>
      %max3A_1377 = arith.constant 0.000000e+00 : f32
      %max3A_1378 = vector.broadcast %max3A_1377 : f32 to vector<16xf32>
      %max3A_1379 = arith.maximumf %mul3A_1376, %max3A_1378 : vector<16xf32>
      %bitcast_convert_type3A_1380 = tpu.bitcast %max3A_1379 : vector<16xf32> -> vector<16xi32>
      %shift_right_arithmetic3A_1381 = arith.constant 1 : i32
      %shift_right_arithmetic3A_1382 = vector.broadcast %shift_right_arithmetic3A_1381 : i32 to vector<16xi32>
      %shift_right_arithmetic3A_1383 = arith.shrsi %bitcast_convert_type3A_1380, %shift_right_arithmetic3A_1382 : vector<16xi32>
      %sub3A_1384 = arith.constant 1597463007 : i32
      %sub3A_1385 = vector.broadcast %sub3A_1384 : i32 to vector<16xi32>
      %sub3A_1386 = arith.subi %sub3A_1385, %shift_right_arithmetic3A_1383 : vector<16xi32>
      %bitcast_convert_type3A_1387 = tpu.bitcast %sub3A_1386 : vector<16xi32> -> vector<16xf32>
      %mul3A_1388 = arith.constant 5.000000e-01 : f32
      %mul3A_1389 = vector.broadcast %mul3A_1388 : f32 to vector<16xf32>
      %mul3A_1390 = arith.mulf %max3A_1379, %mul3A_1389 : vector<16xf32>
      %mul3A_1391 = arith.mulf %mul3A_1390, %bitcast_convert_type3A_1387 : vector<16xf32>
      %mul3A_1392 = arith.mulf %mul3A_1391, %bitcast_convert_type3A_1387 : vector<16xf32>
      %sub3A_1393 = arith.constant 1.500000e+00 : f32
      %sub3A_1394 = vector.broadcast %sub3A_1393 : f32 to vector<16xf32>
      %sub3A_1395 = arith.subf %sub3A_1394, %mul3A_1392 : vector<16xf32>
      %mul3A_1396 = arith.mulf %bitcast_convert_type3A_1387, %sub3A_1395 : vector<16xf32>
      %mul3A_1397 = arith.mulf %mul3A_1390, %mul3A_1396 : vector<16xf32>
      %mul3A_1398 = arith.mulf %mul3A_1397, %mul3A_1396 : vector<16xf32>
      %sub3A_1399 = arith.constant 1.500000e+00 : f32
      %sub3A_1400 = vector.broadcast %sub3A_1399 : f32 to vector<16xf32>
      %sub3A_1401 = arith.subf %sub3A_1400, %mul3A_1398 : vector<16xf32>
      %mul3A_1402 = arith.mulf %mul3A_1396, %sub3A_1401 : vector<16xf32>
      %mul3A_1403 = arith.mulf %mul3A_1390, %mul3A_1402 : vector<16xf32>
      %mul3A_1404 = arith.mulf %mul3A_1403, %mul3A_1402 : vector<16xf32>
      %sub3A_1405 = arith.constant 1.500000e+00 : f32
      %sub3A_1406 = vector.broadcast %sub3A_1405 : f32 to vector<16xf32>
      %sub3A_1407 = arith.subf %sub3A_1406, %mul3A_1404 : vector<16xf32>
      %mul3A_1408 = arith.mulf %mul3A_1402, %sub3A_1407 : vector<16xf32>
      %mul3A_1409 = arith.mulf %max3A_1379, %mul3A_1408 : vector<16xf32>
      %gt3A_1410 = arith.constant 0.000000e+00 : f32
      %gt3A_1411 = vector.broadcast %gt3A_1410 : f32 to vector<16xf32>
      %gt3A_1412 = arith.cmpf ogt, %max3A_1379, %gt3A_1411 : vector<16xf32>
      %jit3A_1413 = arith.constant 0.000000e+00 : f32
      %broadcast_in_dim3A_1414 = vector.broadcast %jit3A_1413 : f32 to vector<16xf32>
      %select_n3A_1415 = arith.select %gt3A_1412, %mul3A_1409, %broadcast_in_dim3A_1414 : vector<16xi1>, vector<16xf32>
      %swap3A_1416 = arith.constant 0 : i32
      %swap3A_1417 = arith.index_cast %swap3A_1416 : i32 to index
      %swap3A_1418 = arith.constant 64 : index
      %swap3A_1419 = tpu.vector_load %arg5[%swap3A_1417, %swap3A_1418] {strides = array<i32>} : memref<4x128xf32, #tpu.memory_space<vmem>>, vector<1x16xf32>,
      %swap3A_1420 = vector.shape_cast %swap3A_1419 : vector<1x16xf32> to vector<16xf32>
      %swap3A_1421 = vector.shape_cast %max3A_1344 : vector<16xf32> to vector<1x16xf32>
      tpu.vector_store %arg5[%swap3A_1417, %swap3A_1418], %swap3A_1421 {strides = array<i32>} : memref<4x128xf32, #tpu.memory_space<vmem>>, vector<1x16xf32>,
      %swap3A_1422 = arith.constant 1 : i32
      %swap3A_1423 = arith.index_cast %swap3A_1422 : i32 to index
      %swap3A_1424 = arith.constant 64 : index
      %swap3A_1425 = tpu.vector_load %arg5[%swap3A_1423, %swap3A_1424] {strides = array<i32>} : memref<4x128xf32, #tpu.memory_space<vmem>>, vector<1x16xf32>,
      %swap3A_1426 = vector.shape_cast %swap3A_1425 : vector<1x16xf32> to vector<16xf32>
      %swap3A_1427 = vector.shape_cast %min3A_1352 : vector<16xf32> to vector<1x16xf32>
      tpu.vector_store %arg5[%swap3A_1423, %swap3A_1424], %swap3A_1427 {strides = array<i32>} : memref<4x128xf32, #tpu.memory_space<vmem>>, vector<1x16xf32>,
      %swap3A_1428 = arith.constant 2 : i32
      %swap3A_1429 = arith.index_cast %swap3A_1428 : i32 to index
      %swap3A_1430 = arith.constant 64 : index
      %swap3A_1431 = tpu.vector_load %arg5[%swap3A_1429, %swap3A_1430] {strides = array<i32>} : memref<4x128xf32, #tpu.memory_space<vmem>>, vector<1x16xf32>,
      %swap3A_1432 = vector.shape_cast %swap3A_1431 : vector<1x16xf32> to vector<16xf32>
      %swap3A_1433 = vector.shape_cast %mul3A_1371 : vector<16xf32> to vector<1x16xf32>
      tpu.vector_store %arg5[%swap3A_1429, %swap3A_1430], %swap3A_1433 {strides = array<i32>} : memref<4x128xf32, #tpu.memory_space<vmem>>, vector<1x16xf32>,
      %swap3A_1434 = arith.constant 3 : i32
      %swap3A_1435 = arith.index_cast %swap3A_1434 : i32 to index
      %swap3A_1436 = arith.constant 64 : index
      %swap3A_1437 = tpu.vector_load %arg5[%swap3A_1435, %swap3A_1436] {strides = array<i32>} : memref<4x128xf32, #tpu.memory_space<vmem>>, vector<1x16xf32>,
      %swap3A_1438 = vector.shape_cast %swap3A_1437 : vector<1x16xf32> to vector<16xf32>
      %swap3A_1439 = vector.shape_cast %select_n3A_1415 : vector<16xf32> to vector<1x16xf32>
      tpu.vector_store %arg5[%swap3A_1435, %swap3A_1436], %swap3A_1439 {strides = array<i32>} : memref<4x128xf32, #tpu.memory_space<vmem>>, vector<1x16xf32>,
      %get3A_1440 = arith.constant 0 : i32
      %get3A_1441 = arith.constant 0 : i32
      %get3A_1442 = arith.index_cast %get3A_1440 : i32 to index
      %get3A_1443 = arith.index_cast %get3A_1441 : i32 to index
      %get3A_1444 = arith.constant 80 : index
      %get3A_1445 = tpu.vector_load %arg6[%get3A_1442, %get3A_1443, %get3A_1444] {strides = array<i32>} : memref<4x4x128xf32, #tpu.memory_space<vmem>>, vector<1x1x16xf32>,
      %get3A_1446 = vector.shape_cast %get3A_1445 : vector<1x1x16xf32> to vector<16xf32>
      %get3A_1447 = arith.constant 0 : i32
      %get3A_1448 = arith.constant 1 : i32
      %get3A_1449 = arith.index_cast %get3A_1447 : i32 to index
      %get3A_1450 = arith.index_cast %get3A_1448 : i32 to index
      %get3A_1451 = arith.constant 80 : index
      %get3A_1452 = tpu.vector_load %arg6[%get3A_1449, %get3A_1450, %get3A_1451] {strides = array<i32>} : memref<4x4x128xf32, #tpu.memory_space<vmem>>, vector<1x1x16xf32>,
      %get3A_1453 = vector.shape_cast %get3A_1452 : vector<1x1x16xf32> to vector<16xf32>
      %get3A_1454 = arith.constant 0 : i32
      %get3A_1455 = arith.constant 2 : i32
      %get3A_1456 = arith.index_cast %get3A_1454 : i32 to index
      %get3A_1457 = arith.index_cast %get3A_1455 : i32 to index
      %get3A_1458 = arith.constant 80 : index
      %get3A_1459 = tpu.vector_load %arg6[%get3A_1456, %get3A_1457, %get3A_1458] {strides = array<i32>} : memref<4x4x128xf32, #tpu.memory_space<vmem>>, vector<1x1x16xf32>,
      %get3A_1460 = vector.shape_cast %get3A_1459 : vector<1x1x16xf32> to vector<16xf32>
      %get3A_1461 = arith.constant 0 : i32
      %get3A_1462 = arith.constant 3 : i32
      %get3A_1463 = arith.index_cast %get3A_1461 : i32 to index
      %get3A_1464 = arith.index_cast %get3A_1462 : i32 to index
      %get3A_1465 = arith.constant 80 : index
      %get3A_1466 = tpu.vector_load %arg6[%get3A_1463, %get3A_1464, %get3A_1465] {strides = array<i32>} : memref<4x4x128xf32, #tpu.memory_space<vmem>>, vector<1x1x16xf32>,
      %get3A_1467 = vector.shape_cast %get3A_1466 : vector<1x1x16xf32> to vector<16xf32>
      %get3A_1468 = arith.constant 1 : i32
      %get3A_1469 = arith.constant 0 : i32
      %get3A_1470 = arith.index_cast %get3A_1468 : i32 to index
      %get3A_1471 = arith.index_cast %get3A_1469 : i32 to index
      %get3A_1472 = arith.constant 80 : index
      %get3A_1473 = tpu.vector_load %arg6[%get3A_1470, %get3A_1471, %get3A_1472] {strides = array<i32>} : memref<4x4x128xf32, #tpu.memory_space<vmem>>, vector<1x1x16xf32>,
      %get3A_1474 = vector.shape_cast %get3A_1473 : vector<1x1x16xf32> to vector<16xf32>
      %max3A_1475 = arith.maximumf %get3A_1446, %get3A_1474 : vector<16xf32>
      %get3A_1476 = arith.constant 1 : i32
      %get3A_1477 = arith.constant 1 : i32
      %get3A_1478 = arith.index_cast %get3A_1476 : i32 to index
      %get3A_1479 = arith.index_cast %get3A_1477 : i32 to index
      %get3A_1480 = arith.constant 80 : index
      %get3A_1481 = tpu.vector_load %arg6[%get3A_1478, %get3A_1479, %get3A_1480] {strides = array<i32>} : memref<4x4x128xf32, #tpu.memory_space<vmem>>, vector<1x1x16xf32>,
      %get3A_1482 = vector.shape_cast %get3A_1481 : vector<1x1x16xf32> to vector<16xf32>
      %min3A_1483 = arith.minimumf %get3A_1453, %get3A_1482 : vector<16xf32>
      %get3A_1484 = arith.constant 1 : i32
      %get3A_1485 = arith.constant 2 : i32
      %get3A_1486 = arith.index_cast %get3A_1484 : i32 to index
      %get3A_1487 = arith.index_cast %get3A_1485 : i32 to index
      %get3A_1488 = arith.constant 80 : index
      %get3A_1489 = tpu.vector_load %arg6[%get3A_1486, %get3A_1487, %get3A_1488] {strides = array<i32>} : memref<4x4x128xf32, #tpu.memory_space<vmem>>, vector<1x1x16xf32>,
      %get3A_1490 = vector.shape_cast %get3A_1489 : vector<1x1x16xf32> to vector<16xf32>
      %add3A_1491 = arith.addf %get3A_1460, %get3A_1490 : vector<16xf32>
      %get3A_1492 = arith.constant 1 : i32
      %get3A_1493 = arith.constant 3 : i32
      %get3A_1494 = arith.index_cast %get3A_1492 : i32 to index
      %get3A_1495 = arith.index_cast %get3A_1493 : i32 to index
      %get3A_1496 = arith.constant 80 : index
      %get3A_1497 = tpu.vector_load %arg6[%get3A_1494, %get3A_1495, %get3A_1496] {strides = array<i32>} : memref<4x4x128xf32, #tpu.memory_space<vmem>>, vector<1x1x16xf32>,
      %get3A_1498 = vector.shape_cast %get3A_1497 : vector<1x1x16xf32> to vector<16xf32>
      %add3A_1499 = arith.addf %get3A_1467, %get3A_1498 : vector<16xf32>
      %get3A_1500 = arith.constant 2 : i32
      %get3A_1501 = arith.constant 0 : i32
      %get3A_1502 = arith.index_cast %get3A_1500 : i32 to index
      %get3A_1503 = arith.index_cast %get3A_1501 : i32 to index
      %get3A_1504 = arith.constant 80 : index
      %get3A_1505 = tpu.vector_load %arg6[%get3A_1502, %get3A_1503, %get3A_1504] {strides = array<i32>} : memref<4x4x128xf32, #tpu.memory_space<vmem>>, vector<1x1x16xf32>,
      %get3A_1506 = vector.shape_cast %get3A_1505 : vector<1x1x16xf32> to vector<16xf32>
      %max3A_1507 = arith.maximumf %max3A_1475, %get3A_1506 : vector<16xf32>
      %get3A_1508 = arith.constant 2 : i32
      %get3A_1509 = arith.constant 1 : i32
      %get3A_1510 = arith.index_cast %get3A_1508 : i32 to index
      %get3A_1511 = arith.index_cast %get3A_1509 : i32 to index
      %get3A_1512 = arith.constant 80 : index
      %get3A_1513 = tpu.vector_load %arg6[%get3A_1510, %get3A_1511, %get3A_1512] {strides = array<i32>} : memref<4x4x128xf32, #tpu.memory_space<vmem>>, vector<1x1x16xf32>,
      %get3A_1514 = vector.shape_cast %get3A_1513 : vector<1x1x16xf32> to vector<16xf32>
      %min3A_1515 = arith.minimumf %min3A_1483, %get3A_1514 : vector<16xf32>
      %get3A_1516 = arith.constant 2 : i32
      %get3A_1517 = arith.constant 2 : i32
      %get3A_1518 = arith.index_cast %get3A_1516 : i32 to index
      %get3A_1519 = arith.index_cast %get3A_1517 : i32 to index
      %get3A_1520 = arith.constant 80 : index
      %get3A_1521 = tpu.vector_load %arg6[%get3A_1518, %get3A_1519, %get3A_1520] {strides = array<i32>} : memref<4x4x128xf32, #tpu.memory_space<vmem>>, vector<1x1x16xf32>,
      %get3A_1522 = vector.shape_cast %get3A_1521 : vector<1x1x16xf32> to vector<16xf32>
      %add3A_1523 = arith.addf %add3A_1491, %get3A_1522 : vector<16xf32>
      %get3A_1524 = arith.constant 2 : i32
      %get3A_1525 = arith.constant 3 : i32
      %get3A_1526 = arith.index_cast %get3A_1524 : i32 to index
      %get3A_1527 = arith.index_cast %get3A_1525 : i32 to index
      %get3A_1528 = arith.constant 80 : index
      %get3A_1529 = tpu.vector_load %arg6[%get3A_1526, %get3A_1527, %get3A_1528] {strides = array<i32>} : memref<4x4x128xf32, #tpu.memory_space<vmem>>, vector<1x1x16xf32>,
      %get3A_1530 = vector.shape_cast %get3A_1529 : vector<1x1x16xf32> to vector<16xf32>
      %add3A_1531 = arith.addf %add3A_1499, %get3A_1530 : vector<16xf32>
      %get3A_1532 = arith.constant 3 : i32
      %get3A_1533 = arith.constant 0 : i32
      %get3A_1534 = arith.index_cast %get3A_1532 : i32 to index
      %get3A_1535 = arith.index_cast %get3A_1533 : i32 to index
      %get3A_1536 = arith.constant 80 : index
      %get3A_1537 = tpu.vector_load %arg6[%get3A_1534, %get3A_1535, %get3A_1536] {strides = array<i32>} : memref<4x4x128xf32, #tpu.memory_space<vmem>>, vector<1x1x16xf32>,
      %get3A_1538 = vector.shape_cast %get3A_1537 : vector<1x1x16xf32> to vector<16xf32>
      %max3A_1539 = arith.maximumf %max3A_1507, %get3A_1538 : vector<16xf32>
      %get3A_1540 = arith.constant 3 : i32
      %get3A_1541 = arith.constant 1 : i32
      %get3A_1542 = arith.index_cast %get3A_1540 : i32 to index
      %get3A_1543 = arith.index_cast %get3A_1541 : i32 to index
      %get3A_1544 = arith.constant 80 : index
      %get3A_1545 = tpu.vector_load %arg6[%get3A_1542, %get3A_1543, %get3A_1544] {strides = array<i32>} : memref<4x4x128xf32, #tpu.memory_space<vmem>>, vector<1x1x16xf32>,
      %get3A_1546 = vector.shape_cast %get3A_1545 : vector<1x1x16xf32> to vector<16xf32>
      %min3A_1547 = arith.minimumf %min3A_1515, %get3A_1546 : vector<16xf32>
      %get3A_1548 = arith.constant 3 : i32
      %get3A_1549 = arith.constant 2 : i32
      %get3A_1550 = arith.index_cast %get3A_1548 : i32 to index
      %get3A_1551 = arith.index_cast %get3A_1549 : i32 to index
      %get3A_1552 = arith.constant 80 : index
      %get3A_1553 = tpu.vector_load %arg6[%get3A_1550, %get3A_1551, %get3A_1552] {strides = array<i32>} : memref<4x4x128xf32, #tpu.memory_space<vmem>>, vector<1x1x16xf32>,
      %get3A_1554 = vector.shape_cast %get3A_1553 : vector<1x1x16xf32> to vector<16xf32>
      %add3A_1555 = arith.addf %add3A_1523, %get3A_1554 : vector<16xf32>
      %get3A_1556 = arith.constant 3 : i32
      %get3A_1557 = arith.constant 3 : i32
      %get3A_1558 = arith.index_cast %get3A_1556 : i32 to index
      %get3A_1559 = arith.index_cast %get3A_1557 : i32 to index
      %get3A_1560 = arith.constant 80 : index
      %get3A_1561 = tpu.vector_load %arg6[%get3A_1558, %get3A_1559, %get3A_1560] {strides = array<i32>} : memref<4x4x128xf32, #tpu.memory_space<vmem>>, vector<1x1x16xf32>,
      %get3A_1562 = vector.shape_cast %get3A_1561 : vector<1x1x16xf32> to vector<16xf32>
      %add3A_1563 = arith.addf %add3A_1531, %get3A_1562 : vector<16xf32>
      %mul3A_1564 = arith.constant 2.44140625E-4 : f32
      %mul3A_1565 = vector.broadcast %mul3A_1564 : f32 to vector<16xf32>
      %mul3A_1566 = arith.mulf %add3A_1555, %mul3A_1565 : vector<16xf32>
      %mul3A_1567 = arith.mulf %add3A_1555, %mul3A_1566 : vector<16xf32>
      %sub3A_1568 = arith.subf %add3A_1563, %mul3A_1567 : vector<16xf32>
      %mul3A_1569 = arith.constant 2.44200259E-4 : f32
      %mul3A_1570 = vector.broadcast %mul3A_1569 : f32 to vector<16xf32>
      %mul3A_1571 = arith.mulf %sub3A_1568, %mul3A_1570 : vector<16xf32>
      %max3A_1572 = arith.constant 0.000000e+00 : f32
      %max3A_1573 = vector.broadcast %max3A_1572 : f32 to vector<16xf32>
      %max3A_1574 = arith.maximumf %mul3A_1571, %max3A_1573 : vector<16xf32>
      %bitcast_convert_type3A_1575 = tpu.bitcast %max3A_1574 : vector<16xf32> -> vector<16xi32>
      %shift_right_arithmetic3A_1576 = arith.constant 1 : i32
      %shift_right_arithmetic3A_1577 = vector.broadcast %shift_right_arithmetic3A_1576 : i32 to vector<16xi32>
      %shift_right_arithmetic3A_1578 = arith.shrsi %bitcast_convert_type3A_1575, %shift_right_arithmetic3A_1577 : vector<16xi32>
      %sub3A_1579 = arith.constant 1597463007 : i32
      %sub3A_1580 = vector.broadcast %sub3A_1579 : i32 to vector<16xi32>
      %sub3A_1581 = arith.subi %sub3A_1580, %shift_right_arithmetic3A_1578 : vector<16xi32>
      %bitcast_convert_type3A_1582 = tpu.bitcast %sub3A_1581 : vector<16xi32> -> vector<16xf32>
      %mul3A_1583 = arith.constant 5.000000e-01 : f32
      %mul3A_1584 = vector.broadcast %mul3A_1583 : f32 to vector<16xf32>
      %mul3A_1585 = arith.mulf %max3A_1574, %mul3A_1584 : vector<16xf32>
      %mul3A_1586 = arith.mulf %mul3A_1585, %bitcast_convert_type3A_1582 : vector<16xf32>
      %mul3A_1587 = arith.mulf %mul3A_1586, %bitcast_convert_type3A_1582 : vector<16xf32>
      %sub3A_1588 = arith.constant 1.500000e+00 : f32
      %sub3A_1589 = vector.broadcast %sub3A_1588 : f32 to vector<16xf32>
      %sub3A_1590 = arith.subf %sub3A_1589, %mul3A_1587 : vector<16xf32>
      %mul3A_1591 = arith.mulf %bitcast_convert_type3A_1582, %sub3A_1590 : vector<16xf32>
      %mul3A_1592 = arith.mulf %mul3A_1585, %mul3A_1591 : vector<16xf32>
      %mul3A_1593 = arith.mulf %mul3A_1592, %mul3A_1591 : vector<16xf32>
      %sub3A_1594 = arith.constant 1.500000e+00 : f32
      %sub3A_1595 = vector.broadcast %sub3A_1594 : f32 to vector<16xf32>
      %sub3A_1596 = arith.subf %sub3A_1595, %mul3A_1593 : vector<16xf32>
      %mul3A_1597 = arith.mulf %mul3A_1591, %sub3A_1596 : vector<16xf32>
      %mul3A_1598 = arith.mulf %mul3A_1585, %mul3A_1597 : vector<16xf32>
      %mul3A_1599 = arith.mulf %mul3A_1598, %mul3A_1597 : vector<16xf32>
      %sub3A_1600 = arith.constant 1.500000e+00 : f32
      %sub3A_1601 = vector.broadcast %sub3A_1600 : f32 to vector<16xf32>
      %sub3A_1602 = arith.subf %sub3A_1601, %mul3A_1599 : vector<16xf32>
      %mul3A_1603 = arith.mulf %mul3A_1597, %sub3A_1602 : vector<16xf32>
      %mul3A_1604 = arith.mulf %max3A_1574, %mul3A_1603 : vector<16xf32>
      %gt3A_1605 = arith.constant 0.000000e+00 : f32
      %gt3A_1606 = vector.broadcast %gt3A_1605 : f32 to vector<16xf32>
      %gt3A_1607 = arith.cmpf ogt, %max3A_1574, %gt3A_1606 : vector<16xf32>
      %jit3A_1608 = arith.constant 0.000000e+00 : f32
      %broadcast_in_dim3A_1609 = vector.broadcast %jit3A_1608 : f32 to vector<16xf32>
      %select_n3A_1610 = arith.select %gt3A_1607, %mul3A_1604, %broadcast_in_dim3A_1609 : vector<16xi1>, vector<16xf32>
      %swap3A_1611 = arith.constant 0 : i32
      %swap3A_1612 = arith.index_cast %swap3A_1611 : i32 to index
      %swap3A_1613 = arith.constant 80 : index
      %swap3A_1614 = tpu.vector_load %arg5[%swap3A_1612, %swap3A_1613] {strides = array<i32>} : memref<4x128xf32, #tpu.memory_space<vmem>>, vector<1x16xf32>,
      %swap3A_1615 = vector.shape_cast %swap3A_1614 : vector<1x16xf32> to vector<16xf32>
      %swap3A_1616 = vector.shape_cast %max3A_1539 : vector<16xf32> to vector<1x16xf32>
      tpu.vector_store %arg5[%swap3A_1612, %swap3A_1613], %swap3A_1616 {strides = array<i32>} : memref<4x128xf32, #tpu.memory_space<vmem>>, vector<1x16xf32>,
      %swap3A_1617 = arith.constant 1 : i32
      %swap3A_1618 = arith.index_cast %swap3A_1617 : i32 to index
      %swap3A_1619 = arith.constant 80 : index
      %swap3A_1620 = tpu.vector_load %arg5[%swap3A_1618, %swap3A_1619] {strides = array<i32>} : memref<4x128xf32, #tpu.memory_space<vmem>>, vector<1x16xf32>,
      %swap3A_1621 = vector.shape_cast %swap3A_1620 : vector<1x16xf32> to vector<16xf32>
      %swap3A_1622 = vector.shape_cast %min3A_1547 : vector<16xf32> to vector<1x16xf32>
      tpu.vector_store %arg5[%swap3A_1618, %swap3A_1619], %swap3A_1622 {strides = array<i32>} : memref<4x128xf32, #tpu.memory_space<vmem>>, vector<1x16xf32>,
      %swap3A_1623 = arith.constant 2 : i32
      %swap3A_1624 = arith.index_cast %swap3A_1623 : i32 to index
      %swap3A_1625 = arith.constant 80 : index
      %swap3A_1626 = tpu.vector_load %arg5[%swap3A_1624, %swap3A_1625] {strides = array<i32>} : memref<4x128xf32, #tpu.memory_space<vmem>>, vector<1x16xf32>,
      %swap3A_1627 = vector.shape_cast %swap3A_1626 : vector<1x16xf32> to vector<16xf32>
      %swap3A_1628 = vector.shape_cast %mul3A_1566 : vector<16xf32> to vector<1x16xf32>
      tpu.vector_store %arg5[%swap3A_1624, %swap3A_1625], %swap3A_1628 {strides = array<i32>} : memref<4x128xf32, #tpu.memory_space<vmem>>, vector<1x16xf32>,
      %swap3A_1629 = arith.constant 3 : i32
      %swap3A_1630 = arith.index_cast %swap3A_1629 : i32 to index
      %swap3A_1631 = arith.constant 80 : index
      %swap3A_1632 = tpu.vector_load %arg5[%swap3A_1630, %swap3A_1631] {strides = array<i32>} : memref<4x128xf32, #tpu.memory_space<vmem>>, vector<1x16xf32>,
      %swap3A_1633 = vector.shape_cast %swap3A_1632 : vector<1x16xf32> to vector<16xf32>
      %swap3A_1634 = vector.shape_cast %select_n3A_1610 : vector<16xf32> to vector<1x16xf32>
      tpu.vector_store %arg5[%swap3A_1630, %swap3A_1631], %swap3A_1634 {strides = array<i32>} : memref<4x128xf32, #tpu.memory_space<vmem>>, vector<1x16xf32>,
      %get3A_1635 = arith.constant 0 : i32
      %get3A_1636 = arith.constant 0 : i32
      %get3A_1637 = arith.index_cast %get3A_1635 : i32 to index
      %get3A_1638 = arith.index_cast %get3A_1636 : i32 to index
      %get3A_1639 = arith.constant 96 : index
      %get3A_1640 = tpu.vector_load %arg6[%get3A_1637, %get3A_1638, %get3A_1639] {strides = array<i32>} : memref<4x4x128xf32, #tpu.memory_space<vmem>>, vector<1x1x16xf32>,
      %get3A_1641 = vector.shape_cast %get3A_1640 : vector<1x1x16xf32> to vector<16xf32>
      %get3A_1642 = arith.constant 0 : i32
      %get3A_1643 = arith.constant 1 : i32
      %get3A_1644 = arith.index_cast %get3A_1642 : i32 to index
      %get3A_1645 = arith.index_cast %get3A_1643 : i32 to index
      %get3A_1646 = arith.constant 96 : index
      %get3A_1647 = tpu.vector_load %arg6[%get3A_1644, %get3A_1645, %get3A_1646] {strides = array<i32>} : memref<4x4x128xf32, #tpu.memory_space<vmem>>, vector<1x1x16xf32>,
      %get3A_1648 = vector.shape_cast %get3A_1647 : vector<1x1x16xf32> to vector<16xf32>
      %get3A_1649 = arith.constant 0 : i32
      %get3A_1650 = arith.constant 2 : i32
      %get3A_1651 = arith.index_cast %get3A_1649 : i32 to index
      %get3A_1652 = arith.index_cast %get3A_1650 : i32 to index
      %get3A_1653 = arith.constant 96 : index
      %get3A_1654 = tpu.vector_load %arg6[%get3A_1651, %get3A_1652, %get3A_1653] {strides = array<i32>} : memref<4x4x128xf32, #tpu.memory_space<vmem>>, vector<1x1x16xf32>,
      %get3A_1655 = vector.shape_cast %get3A_1654 : vector<1x1x16xf32> to vector<16xf32>
      %get3A_1656 = arith.constant 0 : i32
      %get3A_1657 = arith.constant 3 : i32
      %get3A_1658 = arith.index_cast %get3A_1656 : i32 to index
      %get3A_1659 = arith.index_cast %get3A_1657 : i32 to index
      %get3A_1660 = arith.constant 96 : index
      %get3A_1661 = tpu.vector_load %arg6[%get3A_1658, %get3A_1659, %get3A_1660] {strides = array<i32>} : memref<4x4x128xf32, #tpu.memory_space<vmem>>, vector<1x1x16xf32>,
      %get3A_1662 = vector.shape_cast %get3A_1661 : vector<1x1x16xf32> to vector<16xf32>
      %get3A_1663 = arith.constant 1 : i32
      %get3A_1664 = arith.constant 0 : i32
      %get3A_1665 = arith.index_cast %get3A_1663 : i32 to index
      %get3A_1666 = arith.index_cast %get3A_1664 : i32 to index
      %get3A_1667 = arith.constant 96 : index
      %get3A_1668 = tpu.vector_load %arg6[%get3A_1665, %get3A_1666, %get3A_1667] {strides = array<i32>} : memref<4x4x128xf32, #tpu.memory_space<vmem>>, vector<1x1x16xf32>,
      %get3A_1669 = vector.shape_cast %get3A_1668 : vector<1x1x16xf32> to vector<16xf32>
      %max3A_1670 = arith.maximumf %get3A_1641, %get3A_1669 : vector<16xf32>
      %get3A_1671 = arith.constant 1 : i32
      %get3A_1672 = arith.constant 1 : i32
      %get3A_1673 = arith.index_cast %get3A_1671 : i32 to index
      %get3A_1674 = arith.index_cast %get3A_1672 : i32 to index
      %get3A_1675 = arith.constant 96 : index
      %get3A_1676 = tpu.vector_load %arg6[%get3A_1673, %get3A_1674, %get3A_1675] {strides = array<i32>} : memref<4x4x128xf32, #tpu.memory_space<vmem>>, vector<1x1x16xf32>,
      %get3A_1677 = vector.shape_cast %get3A_1676 : vector<1x1x16xf32> to vector<16xf32>
      %min3A_1678 = arith.minimumf %get3A_1648, %get3A_1677 : vector<16xf32>
      %get3A_1679 = arith.constant 1 : i32
      %get3A_1680 = arith.constant 2 : i32
      %get3A_1681 = arith.index_cast %get3A_1679 : i32 to index
      %get3A_1682 = arith.index_cast %get3A_1680 : i32 to index
      %get3A_1683 = arith.constant 96 : index
      %get3A_1684 = tpu.vector_load %arg6[%get3A_1681, %get3A_1682, %get3A_1683] {strides = array<i32>} : memref<4x4x128xf32, #tpu.memory_space<vmem>>, vector<1x1x16xf32>,
      %get3A_1685 = vector.shape_cast %get3A_1684 : vector<1x1x16xf32> to vector<16xf32>
      %add3A_1686 = arith.addf %get3A_1655, %get3A_1685 : vector<16xf32>
      %get3A_1687 = arith.constant 1 : i32
      %get3A_1688 = arith.constant 3 : i32
      %get3A_1689 = arith.index_cast %get3A_1687 : i32 to index
      %get3A_1690 = arith.index_cast %get3A_1688 : i32 to index
      %get3A_1691 = arith.constant 96 : index
      %get3A_1692 = tpu.vector_load %arg6[%get3A_1689, %get3A_1690, %get3A_1691] {strides = array<i32>} : memref<4x4x128xf32, #tpu.memory_space<vmem>>, vector<1x1x16xf32>,
      %get3A_1693 = vector.shape_cast %get3A_1692 : vector<1x1x16xf32> to vector<16xf32>
      %add3A_1694 = arith.addf %get3A_1662, %get3A_1693 : vector<16xf32>
      %get3A_1695 = arith.constant 2 : i32
      %get3A_1696 = arith.constant 0 : i32
      %get3A_1697 = arith.index_cast %get3A_1695 : i32 to index
      %get3A_1698 = arith.index_cast %get3A_1696 : i32 to index
      %get3A_1699 = arith.constant 96 : index
      %get3A_1700 = tpu.vector_load %arg6[%get3A_1697, %get3A_1698, %get3A_1699] {strides = array<i32>} : memref<4x4x128xf32, #tpu.memory_space<vmem>>, vector<1x1x16xf32>,
      %get3A_1701 = vector.shape_cast %get3A_1700 : vector<1x1x16xf32> to vector<16xf32>
      %max3A_1702 = arith.maximumf %max3A_1670, %get3A_1701 : vector<16xf32>
      %get3A_1703 = arith.constant 2 : i32
      %get3A_1704 = arith.constant 1 : i32
      %get3A_1705 = arith.index_cast %get3A_1703 : i32 to index
      %get3A_1706 = arith.index_cast %get3A_1704 : i32 to index
      %get3A_1707 = arith.constant 96 : index
      %get3A_1708 = tpu.vector_load %arg6[%get3A_1705, %get3A_1706, %get3A_1707] {strides = array<i32>} : memref<4x4x128xf32, #tpu.memory_space<vmem>>, vector<1x1x16xf32>,
      %get3A_1709 = vector.shape_cast %get3A_1708 : vector<1x1x16xf32> to vector<16xf32>
      %min3A_1710 = arith.minimumf %min3A_1678, %get3A_1709 : vector<16xf32>
      %get3A_1711 = arith.constant 2 : i32
      %get3A_1712 = arith.constant 2 : i32
      %get3A_1713 = arith.index_cast %get3A_1711 : i32 to index
      %get3A_1714 = arith.index_cast %get3A_1712 : i32 to index
      %get3A_1715 = arith.constant 96 : index
      %get3A_1716 = tpu.vector_load %arg6[%get3A_1713, %get3A_1714, %get3A_1715] {strides = array<i32>} : memref<4x4x128xf32, #tpu.memory_space<vmem>>, vector<1x1x16xf32>,
      %get3A_1717 = vector.shape_cast %get3A_1716 : vector<1x1x16xf32> to vector<16xf32>
      %add3A_1718 = arith.addf %add3A_1686, %get3A_1717 : vector<16xf32>
      %get3A_1719 = arith.constant 2 : i32
      %get3A_1720 = arith.constant 3 : i32
      %get3A_1721 = arith.index_cast %get3A_1719 : i32 to index
      %get3A_1722 = arith.index_cast %get3A_1720 : i32 to index
      %get3A_1723 = arith.constant 96 : index
      %get3A_1724 = tpu.vector_load %arg6[%get3A_1721, %get3A_1722, %get3A_1723] {strides = array<i32>} : memref<4x4x128xf32, #tpu.memory_space<vmem>>, vector<1x1x16xf32>,
      %get3A_1725 = vector.shape_cast %get3A_1724 : vector<1x1x16xf32> to vector<16xf32>
      %add3A_1726 = arith.addf %add3A_1694, %get3A_1725 : vector<16xf32>
      %get3A_1727 = arith.constant 3 : i32
      %get3A_1728 = arith.constant 0 : i32
      %get3A_1729 = arith.index_cast %get3A_1727 : i32 to index
      %get3A_1730 = arith.index_cast %get3A_1728 : i32 to index
      %get3A_1731 = arith.constant 96 : index
      %get3A_1732 = tpu.vector_load %arg6[%get3A_1729, %get3A_1730, %get3A_1731] {strides = array<i32>} : memref<4x4x128xf32, #tpu.memory_space<vmem>>, vector<1x1x16xf32>,
      %get3A_1733 = vector.shape_cast %get3A_1732 : vector<1x1x16xf32> to vector<16xf32>
      %max3A_1734 = arith.maximumf %max3A_1702, %get3A_1733 : vector<16xf32>
      %get3A_1735 = arith.constant 3 : i32
      %get3A_1736 = arith.constant 1 : i32
      %get3A_1737 = arith.index_cast %get3A_1735 : i32 to index
      %get3A_1738 = arith.index_cast %get3A_1736 : i32 to index
      %get3A_1739 = arith.constant 96 : index
      %get3A_1740 = tpu.vector_load %arg6[%get3A_1737, %get3A_1738, %get3A_1739] {strides = array<i32>} : memref<4x4x128xf32, #tpu.memory_space<vmem>>, vector<1x1x16xf32>,
      %get3A_1741 = vector.shape_cast %get3A_1740 : vector<1x1x16xf32> to vector<16xf32>
      %min3A_1742 = arith.minimumf %min3A_1710, %get3A_1741 : vector<16xf32>
      %get3A_1743 = arith.constant 3 : i32
      %get3A_1744 = arith.constant 2 : i32
      %get3A_1745 = arith.index_cast %get3A_1743 : i32 to index
      %get3A_1746 = arith.index_cast %get3A_1744 : i32 to index
      %get3A_1747 = arith.constant 96 : index
      %get3A_1748 = tpu.vector_load %arg6[%get3A_1745, %get3A_1746, %get3A_1747] {strides = array<i32>} : memref<4x4x128xf32, #tpu.memory_space<vmem>>, vector<1x1x16xf32>,
      %get3A_1749 = vector.shape_cast %get3A_1748 : vector<1x1x16xf32> to vector<16xf32>
      %add3A_1750 = arith.addf %add3A_1718, %get3A_1749 : vector<16xf32>
      %get3A_1751 = arith.constant 3 : i32
      %get3A_1752 = arith.constant 3 : i32
      %get3A_1753 = arith.index_cast %get3A_1751 : i32 to index
      %get3A_1754 = arith.index_cast %get3A_1752 : i32 to index
      %get3A_1755 = arith.constant 96 : index
      %get3A_1756 = tpu.vector_load %arg6[%get3A_1753, %get3A_1754, %get3A_1755] {strides = array<i32>} : memref<4x4x128xf32, #tpu.memory_space<vmem>>, vector<1x1x16xf32>,
      %get3A_1757 = vector.shape_cast %get3A_1756 : vector<1x1x16xf32> to vector<16xf32>
      %add3A_1758 = arith.addf %add3A_1726, %get3A_1757 : vector<16xf32>
      %mul3A_1759 = arith.constant 2.44140625E-4 : f32
      %mul3A_1760 = vector.broadcast %mul3A_1759 : f32 to vector<16xf32>
      %mul3A_1761 = arith.mulf %add3A_1750, %mul3A_1760 : vector<16xf32>
      %mul3A_1762 = arith.mulf %add3A_1750, %mul3A_1761 : vector<16xf32>
      %sub3A_1763 = arith.subf %add3A_1758, %mul3A_1762 : vector<16xf32>
      %mul3A_1764 = arith.constant 2.44200259E-4 : f32
      %mul3A_1765 = vector.broadcast %mul3A_1764 : f32 to vector<16xf32>
      %mul3A_1766 = arith.mulf %sub3A_1763, %mul3A_1765 : vector<16xf32>
      %max3A_1767 = arith.constant 0.000000e+00 : f32
      %max3A_1768 = vector.broadcast %max3A_1767 : f32 to vector<16xf32>
      %max3A_1769 = arith.maximumf %mul3A_1766, %max3A_1768 : vector<16xf32>
      %bitcast_convert_type3A_1770 = tpu.bitcast %max3A_1769 : vector<16xf32> -> vector<16xi32>
      %shift_right_arithmetic3A_1771 = arith.constant 1 : i32
      %shift_right_arithmetic3A_1772 = vector.broadcast %shift_right_arithmetic3A_1771 : i32 to vector<16xi32>
      %shift_right_arithmetic3A_1773 = arith.shrsi %bitcast_convert_type3A_1770, %shift_right_arithmetic3A_1772 : vector<16xi32>
      %sub3A_1774 = arith.constant 1597463007 : i32
      %sub3A_1775 = vector.broadcast %sub3A_1774 : i32 to vector<16xi32>
      %sub3A_1776 = arith.subi %sub3A_1775, %shift_right_arithmetic3A_1773 : vector<16xi32>
      %bitcast_convert_type3A_1777 = tpu.bitcast %sub3A_1776 : vector<16xi32> -> vector<16xf32>
      %mul3A_1778 = arith.constant 5.000000e-01 : f32
      %mul3A_1779 = vector.broadcast %mul3A_1778 : f32 to vector<16xf32>
      %mul3A_1780 = arith.mulf %max3A_1769, %mul3A_1779 : vector<16xf32>
      %mul3A_1781 = arith.mulf %mul3A_1780, %bitcast_convert_type3A_1777 : vector<16xf32>
      %mul3A_1782 = arith.mulf %mul3A_1781, %bitcast_convert_type3A_1777 : vector<16xf32>
      %sub3A_1783 = arith.constant 1.500000e+00 : f32
      %sub3A_1784 = vector.broadcast %sub3A_1783 : f32 to vector<16xf32>
      %sub3A_1785 = arith.subf %sub3A_1784, %mul3A_1782 : vector<16xf32>
      %mul3A_1786 = arith.mulf %bitcast_convert_type3A_1777, %sub3A_1785 : vector<16xf32>
      %mul3A_1787 = arith.mulf %mul3A_1780, %mul3A_1786 : vector<16xf32>
      %mul3A_1788 = arith.mulf %mul3A_1787, %mul3A_1786 : vector<16xf32>
      %sub3A_1789 = arith.constant 1.500000e+00 : f32
      %sub3A_1790 = vector.broadcast %sub3A_1789 : f32 to vector<16xf32>
      %sub3A_1791 = arith.subf %sub3A_1790, %mul3A_1788 : vector<16xf32>
      %mul3A_1792 = arith.mulf %mul3A_1786, %sub3A_1791 : vector<16xf32>
      %mul3A_1793 = arith.mulf %mul3A_1780, %mul3A_1792 : vector<16xf32>
      %mul3A_1794 = arith.mulf %mul3A_1793, %mul3A_1792 : vector<16xf32>
      %sub3A_1795 = arith.constant 1.500000e+00 : f32
      %sub3A_1796 = vector.broadcast %sub3A_1795 : f32 to vector<16xf32>
      %sub3A_1797 = arith.subf %sub3A_1796, %mul3A_1794 : vector<16xf32>
      %mul3A_1798 = arith.mulf %mul3A_1792, %sub3A_1797 : vector<16xf32>
      %mul3A_1799 = arith.mulf %max3A_1769, %mul3A_1798 : vector<16xf32>
      %gt3A_1800 = arith.constant 0.000000e+00 : f32
      %gt3A_1801 = vector.broadcast %gt3A_1800 : f32 to vector<16xf32>
      %gt3A_1802 = arith.cmpf ogt, %max3A_1769, %gt3A_1801 : vector<16xf32>
      %jit3A_1803 = arith.constant 0.000000e+00 : f32
      %broadcast_in_dim3A_1804 = vector.broadcast %jit3A_1803 : f32 to vector<16xf32>
      %select_n3A_1805 = arith.select %gt3A_1802, %mul3A_1799, %broadcast_in_dim3A_1804 : vector<16xi1>, vector<16xf32>
      %swap3A_1806 = arith.constant 0 : i32
      %swap3A_1807 = arith.index_cast %swap3A_1806 : i32 to index
      %swap3A_1808 = arith.constant 96 : index
      %swap3A_1809 = tpu.vector_load %arg5[%swap3A_1807, %swap3A_1808] {strides = array<i32>} : memref<4x128xf32, #tpu.memory_space<vmem>>, vector<1x16xf32>,
      %swap3A_1810 = vector.shape_cast %swap3A_1809 : vector<1x16xf32> to vector<16xf32>
      %swap3A_1811 = vector.shape_cast %max3A_1734 : vector<16xf32> to vector<1x16xf32>
      tpu.vector_store %arg5[%swap3A_1807, %swap3A_1808], %swap3A_1811 {strides = array<i32>} : memref<4x128xf32, #tpu.memory_space<vmem>>, vector<1x16xf32>,
      %swap3A_1812 = arith.constant 1 : i32
      %swap3A_1813 = arith.index_cast %swap3A_1812 : i32 to index
      %swap3A_1814 = arith.constant 96 : index
      %swap3A_1815 = tpu.vector_load %arg5[%swap3A_1813, %swap3A_1814] {strides = array<i32>} : memref<4x128xf32, #tpu.memory_space<vmem>>, vector<1x16xf32>,
      %swap3A_1816 = vector.shape_cast %swap3A_1815 : vector<1x16xf32> to vector<16xf32>
      %swap3A_1817 = vector.shape_cast %min3A_1742 : vector<16xf32> to vector<1x16xf32>
      tpu.vector_store %arg5[%swap3A_1813, %swap3A_1814], %swap3A_1817 {strides = array<i32>} : memref<4x128xf32, #tpu.memory_space<vmem>>, vector<1x16xf32>,
      %swap3A_1818 = arith.constant 2 : i32
      %swap3A_1819 = arith.index_cast %swap3A_1818 : i32 to index
      %swap3A_1820 = arith.constant 96 : index
      %swap3A_1821 = tpu.vector_load %arg5[%swap3A_1819, %swap3A_1820] {strides = array<i32>} : memref<4x128xf32, #tpu.memory_space<vmem>>, vector<1x16xf32>,
      %swap3A_1822 = vector.shape_cast %swap3A_1821 : vector<1x16xf32> to vector<16xf32>
      %swap3A_1823 = vector.shape_cast %mul3A_1761 : vector<16xf32> to vector<1x16xf32>
      tpu.vector_store %arg5[%swap3A_1819, %swap3A_1820], %swap3A_1823 {strides = array<i32>} : memref<4x128xf32, #tpu.memory_space<vmem>>, vector<1x16xf32>,
      %swap3A_1824 = arith.constant 3 : i32
      %swap3A_1825 = arith.index_cast %swap3A_1824 : i32 to index
      %swap3A_1826 = arith.constant 96 : index
      %swap3A_1827 = tpu.vector_load %arg5[%swap3A_1825, %swap3A_1826] {strides = array<i32>} : memref<4x128xf32, #tpu.memory_space<vmem>>, vector<1x16xf32>,
      %swap3A_1828 = vector.shape_cast %swap3A_1827 : vector<1x16xf32> to vector<16xf32>
      %swap3A_1829 = vector.shape_cast %select_n3A_1805 : vector<16xf32> to vector<1x16xf32>
      tpu.vector_store %arg5[%swap3A_1825, %swap3A_1826], %swap3A_1829 {strides = array<i32>} : memref<4x128xf32, #tpu.memory_space<vmem>>, vector<1x16xf32>,
      %get3A_1830 = arith.constant 0 : i32
      %get3A_1831 = arith.constant 0 : i32
      %get3A_1832 = arith.index_cast %get3A_1830 : i32 to index
      %get3A_1833 = arith.index_cast %get3A_1831 : i32 to index
      %get3A_1834 = arith.constant 112 : index
      %get3A_1835 = tpu.vector_load %arg6[%get3A_1832, %get3A_1833, %get3A_1834] {strides = array<i32>} : memref<4x4x128xf32, #tpu.memory_space<vmem>>, vector<1x1x16xf32>,
      %get3A_1836 = vector.shape_cast %get3A_1835 : vector<1x1x16xf32> to vector<16xf32>
      %get3A_1837 = arith.constant 0 : i32
      %get3A_1838 = arith.constant 1 : i32
      %get3A_1839 = arith.index_cast %get3A_1837 : i32 to index
      %get3A_1840 = arith.index_cast %get3A_1838 : i32 to index
      %get3A_1841 = arith.constant 112 : index
      %get3A_1842 = tpu.vector_load %arg6[%get3A_1839, %get3A_1840, %get3A_1841] {strides = array<i32>} : memref<4x4x128xf32, #tpu.memory_space<vmem>>, vector<1x1x16xf32>,
      %get3A_1843 = vector.shape_cast %get3A_1842 : vector<1x1x16xf32> to vector<16xf32>
      %get3A_1844 = arith.constant 0 : i32
      %get3A_1845 = arith.constant 2 : i32
      %get3A_1846 = arith.index_cast %get3A_1844 : i32 to index
      %get3A_1847 = arith.index_cast %get3A_1845 : i32 to index
      %get3A_1848 = arith.constant 112 : index
      %get3A_1849 = tpu.vector_load %arg6[%get3A_1846, %get3A_1847, %get3A_1848] {strides = array<i32>} : memref<4x4x128xf32, #tpu.memory_space<vmem>>, vector<1x1x16xf32>,
      %get3A_1850 = vector.shape_cast %get3A_1849 : vector<1x1x16xf32> to vector<16xf32>
      %get3A_1851 = arith.constant 0 : i32
      %get3A_1852 = arith.constant 3 : i32
      %get3A_1853 = arith.index_cast %get3A_1851 : i32 to index
      %get3A_1854 = arith.index_cast %get3A_1852 : i32 to index
      %get3A_1855 = arith.constant 112 : index
      %get3A_1856 = tpu.vector_load %arg6[%get3A_1853, %get3A_1854, %get3A_1855] {strides = array<i32>} : memref<4x4x128xf32, #tpu.memory_space<vmem>>, vector<1x1x16xf32>,
      %get3A_1857 = vector.shape_cast %get3A_1856 : vector<1x1x16xf32> to vector<16xf32>
      %get3A_1858 = arith.constant 1 : i32
      %get3A_1859 = arith.constant 0 : i32
      %get3A_1860 = arith.index_cast %get3A_1858 : i32 to index
      %get3A_1861 = arith.index_cast %get3A_1859 : i32 to index
      %get3A_1862 = arith.constant 112 : index
      %get3A_1863 = tpu.vector_load %arg6[%get3A_1860, %get3A_1861, %get3A_1862] {strides = array<i32>} : memref<4x4x128xf32, #tpu.memory_space<vmem>>, vector<1x1x16xf32>,
      %get3A_1864 = vector.shape_cast %get3A_1863 : vector<1x1x16xf32> to vector<16xf32>
      %max3A_1865 = arith.maximumf %get3A_1836, %get3A_1864 : vector<16xf32>
      %get3A_1866 = arith.constant 1 : i32
      %get3A_1867 = arith.constant 1 : i32
      %get3A_1868 = arith.index_cast %get3A_1866 : i32 to index
      %get3A_1869 = arith.index_cast %get3A_1867 : i32 to index
      %get3A_1870 = arith.constant 112 : index
      %get3A_1871 = tpu.vector_load %arg6[%get3A_1868, %get3A_1869, %get3A_1870] {strides = array<i32>} : memref<4x4x128xf32, #tpu.memory_space<vmem>>, vector<1x1x16xf32>,
      %get3A_1872 = vector.shape_cast %get3A_1871 : vector<1x1x16xf32> to vector<16xf32>
      %min3A_1873 = arith.minimumf %get3A_1843, %get3A_1872 : vector<16xf32>
      %get3A_1874 = arith.constant 1 : i32
      %get3A_1875 = arith.constant 2 : i32
      %get3A_1876 = arith.index_cast %get3A_1874 : i32 to index
      %get3A_1877 = arith.index_cast %get3A_1875 : i32 to index
      %get3A_1878 = arith.constant 112 : index
      %get3A_1879 = tpu.vector_load %arg6[%get3A_1876, %get3A_1877, %get3A_1878] {strides = array<i32>} : memref<4x4x128xf32, #tpu.memory_space<vmem>>, vector<1x1x16xf32>,
      %get3A_1880 = vector.shape_cast %get3A_1879 : vector<1x1x16xf32> to vector<16xf32>
      %add3A_1881 = arith.addf %get3A_1850, %get3A_1880 : vector<16xf32>
      %get3A_1882 = arith.constant 1 : i32
      %get3A_1883 = arith.constant 3 : i32
      %get3A_1884 = arith.index_cast %get3A_1882 : i32 to index
      %get3A_1885 = arith.index_cast %get3A_1883 : i32 to index
      %get3A_1886 = arith.constant 112 : index
      %get3A_1887 = tpu.vector_load %arg6[%get3A_1884, %get3A_1885, %get3A_1886] {strides = array<i32>} : memref<4x4x128xf32, #tpu.memory_space<vmem>>, vector<1x1x16xf32>,
      %get3A_1888 = vector.shape_cast %get3A_1887 : vector<1x1x16xf32> to vector<16xf32>
      %add3A_1889 = arith.addf %get3A_1857, %get3A_1888 : vector<16xf32>
      %get3A_1890 = arith.constant 2 : i32
      %get3A_1891 = arith.constant 0 : i32
      %get3A_1892 = arith.index_cast %get3A_1890 : i32 to index
      %get3A_1893 = arith.index_cast %get3A_1891 : i32 to index
      %get3A_1894 = arith.constant 112 : index
      %get3A_1895 = tpu.vector_load %arg6[%get3A_1892, %get3A_1893, %get3A_1894] {strides = array<i32>} : memref<4x4x128xf32, #tpu.memory_space<vmem>>, vector<1x1x16xf32>,
      %get3A_1896 = vector.shape_cast %get3A_1895 : vector<1x1x16xf32> to vector<16xf32>
      %max3A_1897 = arith.maximumf %max3A_1865, %get3A_1896 : vector<16xf32>
      %get3A_1898 = arith.constant 2 : i32
      %get3A_1899 = arith.constant 1 : i32
      %get3A_1900 = arith.index_cast %get3A_1898 : i32 to index
      %get3A_1901 = arith.index_cast %get3A_1899 : i32 to index
      %get3A_1902 = arith.constant 112 : index
      %get3A_1903 = tpu.vector_load %arg6[%get3A_1900, %get3A_1901, %get3A_1902] {strides = array<i32>} : memref<4x4x128xf32, #tpu.memory_space<vmem>>, vector<1x1x16xf32>,
      %get3A_1904 = vector.shape_cast %get3A_1903 : vector<1x1x16xf32> to vector<16xf32>
      %min3A_1905 = arith.minimumf %min3A_1873, %get3A_1904 : vector<16xf32>
      %get3A_1906 = arith.constant 2 : i32
      %get3A_1907 = arith.constant 2 : i32
      %get3A_1908 = arith.index_cast %get3A_1906 : i32 to index
      %get3A_1909 = arith.index_cast %get3A_1907 : i32 to index
      %get3A_1910 = arith.constant 112 : index
      %get3A_1911 = tpu.vector_load %arg6[%get3A_1908, %get3A_1909, %get3A_1910] {strides = array<i32>} : memref<4x4x128xf32, #tpu.memory_space<vmem>>, vector<1x1x16xf32>,
      %get3A_1912 = vector.shape_cast %get3A_1911 : vector<1x1x16xf32> to vector<16xf32>
      %add3A_1913 = arith.addf %add3A_1881, %get3A_1912 : vector<16xf32>
      %get3A_1914 = arith.constant 2 : i32
      %get3A_1915 = arith.constant 3 : i32
      %get3A_1916 = arith.index_cast %get3A_1914 : i32 to index
      %get3A_1917 = arith.index_cast %get3A_1915 : i32 to index
      %get3A_1918 = arith.constant 112 : index
      %get3A_1919 = tpu.vector_load %arg6[%get3A_1916, %get3A_1917, %get3A_1918] {strides = array<i32>} : memref<4x4x128xf32, #tpu.memory_space<vmem>>, vector<1x1x16xf32>,
      %get3A_1920 = vector.shape_cast %get3A_1919 : vector<1x1x16xf32> to vector<16xf32>
      %add3A_1921 = arith.addf %add3A_1889, %get3A_1920 : vector<16xf32>
      %get3A_1922 = arith.constant 3 : i32
      %get3A_1923 = arith.constant 0 : i32
      %get3A_1924 = arith.index_cast %get3A_1922 : i32 to index
      %get3A_1925 = arith.index_cast %get3A_1923 : i32 to index
      %get3A_1926 = arith.constant 112 : index
      %get3A_1927 = tpu.vector_load %arg6[%get3A_1924, %get3A_1925, %get3A_1926] {strides = array<i32>} : memref<4x4x128xf32, #tpu.memory_space<vmem>>, vector<1x1x16xf32>,
      %get3A_1928 = vector.shape_cast %get3A_1927 : vector<1x1x16xf32> to vector<16xf32>
      %max3A_1929 = arith.maximumf %max3A_1897, %get3A_1928 : vector<16xf32>
      %get3A_1930 = arith.constant 3 : i32
      %get3A_1931 = arith.constant 1 : i32
      %get3A_1932 = arith.index_cast %get3A_1930 : i32 to index
      %get3A_1933 = arith.index_cast %get3A_1931 : i32 to index
      %get3A_1934 = arith.constant 112 : index
      %get3A_1935 = tpu.vector_load %arg6[%get3A_1932, %get3A_1933, %get3A_1934] {strides = array<i32>} : memref<4x4x128xf32, #tpu.memory_space<vmem>>, vector<1x1x16xf32>,
      %get3A_1936 = vector.shape_cast %get3A_1935 : vector<1x1x16xf32> to vector<16xf32>
      %min3A_1937 = arith.minimumf %min3A_1905, %get3A_1936 : vector<16xf32>
      %get3A_1938 = arith.constant 3 : i32
      %get3A_1939 = arith.constant 2 : i32
      %get3A_1940 = arith.index_cast %get3A_1938 : i32 to index
      %get3A_1941 = arith.index_cast %get3A_1939 : i32 to index
      %get3A_1942 = arith.constant 112 : index
      %get3A_1943 = tpu.vector_load %arg6[%get3A_1940, %get3A_1941, %get3A_1942] {strides = array<i32>} : memref<4x4x128xf32, #tpu.memory_space<vmem>>, vector<1x1x16xf32>,
      %get3A_1944 = vector.shape_cast %get3A_1943 : vector<1x1x16xf32> to vector<16xf32>
      %add3A_1945 = arith.addf %add3A_1913, %get3A_1944 : vector<16xf32>
      %get3A_1946 = arith.constant 3 : i32
      %get3A_1947 = arith.constant 3 : i32
      %get3A_1948 = arith.index_cast %get3A_1946 : i32 to index
      %get3A_1949 = arith.index_cast %get3A_1947 : i32 to index
      %get3A_1950 = arith.constant 112 : index
      %get3A_1951 = tpu.vector_load %arg6[%get3A_1948, %get3A_1949, %get3A_1950] {strides = array<i32>} : memref<4x4x128xf32, #tpu.memory_space<vmem>>, vector<1x1x16xf32>,
      %get3A_1952 = vector.shape_cast %get3A_1951 : vector<1x1x16xf32> to vector<16xf32>
      %add3A_1953 = arith.addf %add3A_1921, %get3A_1952 : vector<16xf32>
      %mul3A_1954 = arith.constant 2.44140625E-4 : f32
      %mul3A_1955 = vector.broadcast %mul3A_1954 : f32 to vector<16xf32>
      %mul3A_1956 = arith.mulf %add3A_1945, %mul3A_1955 : vector<16xf32>
      %mul3A_1957 = arith.mulf %add3A_1945, %mul3A_1956 : vector<16xf32>
      %sub3A_1958 = arith.subf %add3A_1953, %mul3A_1957 : vector<16xf32>
      %mul3A_1959 = arith.constant 2.44200259E-4 : f32
      %mul3A_1960 = vector.broadcast %mul3A_1959 : f32 to vector<16xf32>
      %mul3A_1961 = arith.mulf %sub3A_1958, %mul3A_1960 : vector<16xf32>
      %max3A_1962 = arith.constant 0.000000e+00 : f32
      %max3A_1963 = vector.broadcast %max3A_1962 : f32 to vector<16xf32>
      %max3A_1964 = arith.maximumf %mul3A_1961, %max3A_1963 : vector<16xf32>
      %bitcast_convert_type3A_1965 = tpu.bitcast %max3A_1964 : vector<16xf32> -> vector<16xi32>
      %shift_right_arithmetic3A_1966 = arith.constant 1 : i32
      %shift_right_arithmetic3A_1967 = vector.broadcast %shift_right_arithmetic3A_1966 : i32 to vector<16xi32>
      %shift_right_arithmetic3A_1968 = arith.shrsi %bitcast_convert_type3A_1965, %shift_right_arithmetic3A_1967 : vector<16xi32>
      %sub3A_1969 = arith.constant 1597463007 : i32
      %sub3A_1970 = vector.broadcast %sub3A_1969 : i32 to vector<16xi32>
      %sub3A_1971 = arith.subi %sub3A_1970, %shift_right_arithmetic3A_1968 : vector<16xi32>
      %bitcast_convert_type3A_1972 = tpu.bitcast %sub3A_1971 : vector<16xi32> -> vector<16xf32>
      %mul3A_1973 = arith.constant 5.000000e-01 : f32
      %mul3A_1974 = vector.broadcast %mul3A_1973 : f32 to vector<16xf32>
      %mul3A_1975 = arith.mulf %max3A_1964, %mul3A_1974 : vector<16xf32>
      %mul3A_1976 = arith.mulf %mul3A_1975, %bitcast_convert_type3A_1972 : vector<16xf32>
      %mul3A_1977 = arith.mulf %mul3A_1976, %bitcast_convert_type3A_1972 : vector<16xf32>
      %sub3A_1978 = arith.constant 1.500000e+00 : f32
      %sub3A_1979 = vector.broadcast %sub3A_1978 : f32 to vector<16xf32>
      %sub3A_1980 = arith.subf %sub3A_1979, %mul3A_1977 : vector<16xf32>
      %mul3A_1981 = arith.mulf %bitcast_convert_type3A_1972, %sub3A_1980 : vector<16xf32>
      %mul3A_1982 = arith.mulf %mul3A_1975, %mul3A_1981 : vector<16xf32>
      %mul3A_1983 = arith.mulf %mul3A_1982, %mul3A_1981 : vector<16xf32>
      %sub3A_1984 = arith.constant 1.500000e+00 : f32
      %sub3A_1985 = vector.broadcast %sub3A_1984 : f32 to vector<16xf32>
      %sub3A_1986 = arith.subf %sub3A_1985, %mul3A_1983 : vector<16xf32>
      %mul3A_1987 = arith.mulf %mul3A_1981, %sub3A_1986 : vector<16xf32>
      %mul3A_1988 = arith.mulf %mul3A_1975, %mul3A_1987 : vector<16xf32>
      %mul3A_1989 = arith.mulf %mul3A_1988, %mul3A_1987 : vector<16xf32>
      %sub3A_1990 = arith.constant 1.500000e+00 : f32
      %sub3A_1991 = vector.broadcast %sub3A_1990 : f32 to vector<16xf32>
      %sub3A_1992 = arith.subf %sub3A_1991, %mul3A_1989 : vector<16xf32>
      %mul3A_1993 = arith.mulf %mul3A_1987, %sub3A_1992 : vector<16xf32>
      %mul3A_1994 = arith.mulf %max3A_1964, %mul3A_1993 : vector<16xf32>
      %gt3A_1995 = arith.constant 0.000000e+00 : f32
      %gt3A_1996 = vector.broadcast %gt3A_1995 : f32 to vector<16xf32>
      %gt3A_1997 = arith.cmpf ogt, %max3A_1964, %gt3A_1996 : vector<16xf32>
      %jit3A_1998 = arith.constant 0.000000e+00 : f32
      %broadcast_in_dim3A_1999 = vector.broadcast %jit3A_1998 : f32 to vector<16xf32>
      %select_n3A_2000 = arith.select %gt3A_1997, %mul3A_1994, %broadcast_in_dim3A_1999 : vector<16xi1>, vector<16xf32>
      %swap3A_2001 = arith.constant 0 : i32
      %swap3A_2002 = arith.index_cast %swap3A_2001 : i32 to index
      %swap3A_2003 = arith.constant 112 : index
      %swap3A_2004 = tpu.vector_load %arg5[%swap3A_2002, %swap3A_2003] {strides = array<i32>} : memref<4x128xf32, #tpu.memory_space<vmem>>, vector<1x16xf32>,
      %swap3A_2005 = vector.shape_cast %swap3A_2004 : vector<1x16xf32> to vector<16xf32>
      %swap3A_2006 = vector.shape_cast %max3A_1929 : vector<16xf32> to vector<1x16xf32>
      tpu.vector_store %arg5[%swap3A_2002, %swap3A_2003], %swap3A_2006 {strides = array<i32>} : memref<4x128xf32, #tpu.memory_space<vmem>>, vector<1x16xf32>,
      %swap3A_2007 = arith.constant 1 : i32
      %swap3A_2008 = arith.index_cast %swap3A_2007 : i32 to index
      %swap3A_2009 = arith.constant 112 : index
      %swap3A_2010 = tpu.vector_load %arg5[%swap3A_2008, %swap3A_2009] {strides = array<i32>} : memref<4x128xf32, #tpu.memory_space<vmem>>, vector<1x16xf32>,
      %swap3A_2011 = vector.shape_cast %swap3A_2010 : vector<1x16xf32> to vector<16xf32>
      %swap3A_2012 = vector.shape_cast %min3A_1937 : vector<16xf32> to vector<1x16xf32>
      tpu.vector_store %arg5[%swap3A_2008, %swap3A_2009], %swap3A_2012 {strides = array<i32>} : memref<4x128xf32, #tpu.memory_space<vmem>>, vector<1x16xf32>,
      %swap3A_2013 = arith.constant 2 : i32
      %swap3A_2014 = arith.index_cast %swap3A_2013 : i32 to index
      %swap3A_2015 = arith.constant 112 : index
      %swap3A_2016 = tpu.vector_load %arg5[%swap3A_2014, %swap3A_2015] {strides = array<i32>} : memref<4x128xf32, #tpu.memory_space<vmem>>, vector<1x16xf32>,
      %swap3A_2017 = vector.shape_cast %swap3A_2016 : vector<1x16xf32> to vector<16xf32>
      %swap3A_2018 = vector.shape_cast %mul3A_1956 : vector<16xf32> to vector<1x16xf32>
      tpu.vector_store %arg5[%swap3A_2014, %swap3A_2015], %swap3A_2018 {strides = array<i32>} : memref<4x128xf32, #tpu.memory_space<vmem>>, vector<1x16xf32>,
      %swap3A_2019 = arith.constant 3 : i32
      %swap3A_2020 = arith.index_cast %swap3A_2019 : i32 to index
      %swap3A_2021 = arith.constant 112 : index
      %swap3A_2022 = tpu.vector_load %arg5[%swap3A_2020, %swap3A_2021] {strides = array<i32>} : memref<4x128xf32, #tpu.memory_space<vmem>>, vector<1x16xf32>,
      %swap3A_2023 = vector.shape_cast %swap3A_2022 : vector<1x16xf32> to vector<16xf32>
      %swap3A_2024 = vector.shape_cast %select_n3A_2000 : vector<16xf32> to vector<1x16xf32>
      tpu.vector_store %arg5[%swap3A_2020, %swap3A_2021], %swap3A_2024 {strides = array<i32>} : memref<4x128xf32, #tpu.memory_space<vmem>>, vector<1x16xf32>,
      %sub3A_2025 = arith.constant 12 : i32
      %sub3A_2026 = arith.subi %add3A_72, %sub3A_2025 : i32
      "tpu.region"() ({
        %run_scoped3A = tpu.sem_alloc : memref<!tpu.dma_semaphore, #tpu.memory_space<semaphore_mem>>
        %dma_start3A_2027 = arith.constant 0 : i32
        %dma_start3A_2028 = tpu.memref_slice %arg3[%sub3A_2026, %dma_start3A_2027, %mul3A_74] : memref<4x4x256xf32, #tpu.memory_space<hbm>> -> memref<1x4x128xf32, #tpu.memory_space<hbm>>
        %dma_start3A_2029 = tpu.memref_squeeze %dma_start3A_2028 : memref<1x4x128xf32, #tpu.memory_space<hbm>> -> memref<4x128xf32, #tpu.memory_space<hbm>>
        %dma_start3A_2030 = arith.constant 0 : i32
        %dma_start3A_2031 = tpu.memref_slice %arg3[%sub3A_2026, %dma_start3A_2030, %mul3A_74] : memref<4x4x256xf32, #tpu.memory_space<hbm>> -> memref<1x4x128xf32, #tpu.memory_space<hbm>>
        %dma_start3A_2032 = tpu.memref_squeeze %dma_start3A_2031 : memref<1x4x128xf32, #tpu.memory_space<hbm>> -> memref<4x128xf32, #tpu.memory_space<hbm>>
        tpu.enqueue_dma source(%arg5 : memref<4x128xf32, #tpu.memory_space<vmem>>) target(%dma_start3A_2032 : memref<4x128xf32, #tpu.memory_space<hbm>>) target_semaphore(%run_scoped3A : memref<!tpu.dma_semaphore, #tpu.memory_space<semaphore_mem>>)
        %dma_wait3A_2033 = arith.constant 0 : i32
        %dma_wait3A_2034 = tpu.memref_slice %arg3[%sub3A_2026, %dma_wait3A_2033, %mul3A_74] : memref<4x4x256xf32, #tpu.memory_space<hbm>> -> memref<1x4x128xf32, #tpu.memory_space<hbm>>
        %dma_wait3A_2035 = tpu.memref_squeeze %dma_wait3A_2034 : memref<1x4x128xf32, #tpu.memory_space<hbm>> -> memref<4x128xf32, #tpu.memory_space<hbm>>
        %dma_wait3A_2036 = arith.constant 0 : i32
        %dma_wait3A_2037 = tpu.memref_slice %arg3[%sub3A_2026, %dma_wait3A_2036, %mul3A_74] : memref<4x4x256xf32, #tpu.memory_space<hbm>> -> memref<1x4x128xf32, #tpu.memory_space<hbm>>
        %dma_wait3A_2038 = tpu.memref_squeeze %dma_wait3A_2037 : memref<1x4x128xf32, #tpu.memory_space<hbm>> -> memref<4x128xf32, #tpu.memory_space<hbm>>
        tpu.wait_dma2 semaphore(%run_scoped3A : memref<!tpu.dma_semaphore, #tpu.memory_space<semaphore_mem>>) src(%arg5 : memref<4x128xf32, #tpu.memory_space<vmem>>) dst(%dma_wait3A_2038 : memref<4x128xf32, #tpu.memory_space<hbm>>)
        tpu.yield
      }) : () -> ()
    } else {
    }
    return
  }
}

module attributes {stable_mosaic.version = 14 : i64} {
  func.func @_tc_body(%arg0: i32, %arg1: memref<1x4096x256xf32, #tpu.memory_space<vmem>>, %arg2: memref<1x4x256xf32, #tpu.memory_space<vmem>>) attributes {dimension_semantics = [#tpu.dimension_semantics<arbitrary>], iteration_bounds = array<i64: 12>, scalar_prefetch = 0 : i64, scratch_operands = 0 : i64, tpu.core_type = #tpu.core_type<tc>, window_params = [{transform_indices = @transform_0, window_bounds = array<i64: 1, 4096, 256>}, {transform_indices = @transform_1, window_bounds = array<i64: 1, 4, 256>}]} {
    %get3A = arith.constant 0 : index
    %get3A_0 = arith.constant 0 : index
    %get3A_1 = arith.constant 0 : index
    %get3A_2 = vector.load %arg1[%get3A, %get3A_0, %get3A_1] : memref<1x4096x256xf32, #tpu.memory_space<vmem>>, vector<1x4096x256xf32>
    %get3A_3 = vector.shape_cast %get3A_2 : vector<1x4096x256xf32> to vector<4096x256xf32>
    %reduce_max3A = arith.constant dense<0xFF800000> : vector<256xf32>
    %reduce_max3A_4 = vector.multi_reduction <maximumf>, %get3A_3, %reduce_max3A [0] : vector<4096x256xf32> to vector<256xf32>
    %reduce_min3A = arith.constant dense<0x7F800000> : vector<256xf32>
    %reduce_min3A_5 = vector.multi_reduction <minimumf>, %get3A_3, %reduce_min3A [0] : vector<4096x256xf32> to vector<256xf32>
    %broadcast_in_dim3A = arith.constant 1.000000e+00 : f32
    %broadcast_in_dim3A_6 = vector.broadcast %broadcast_in_dim3A : f32 to vector<1x4096xf32>
    %dot_general3A = arith.constant dense<0.000000e+00> : vector<1x256xf32>
    %dot_general3A_7 = tpu.matmul %broadcast_in_dim3A_6, %get3A_3, %dot_general3A {dimension_numbers = #tpu.dot_dimension_numbers<[1], [0], [0], [1], [0, 0, 1, 1], [], []>, transpose_lhs_hint = false} : vector<1x4096xf32>, vector<4096x256xf32>, vector<1x256xf32> -> vector<1x256xf32>
    %squeeze3A = vector.shape_cast %dot_general3A_7 : vector<1x256xf32> to vector<256xf32>
    %mul3A = arith.mulf %get3A_3, %get3A_3 : vector<4096x256xf32>
    %dot_general3A_8 = arith.constant dense<0.000000e+00> : vector<1x256xf32>
    %dot_general3A_9 = tpu.matmul %broadcast_in_dim3A_6, %mul3A, %dot_general3A_8 {dimension_numbers = #tpu.dot_dimension_numbers<[1], [0], [0], [1], [0, 0, 1, 1], [], []>, transpose_lhs_hint = false} : vector<1x4096xf32>, vector<4096x256xf32>, vector<1x256xf32> -> vector<1x256xf32>
    %squeeze3A_10 = vector.shape_cast %dot_general3A_9 : vector<1x256xf32> to vector<256xf32>
    %mul3A_11 = arith.constant 2.44140625E-4 : f32
    %mul3A_12 = vector.broadcast %mul3A_11 : f32 to vector<256xf32>
    %mul3A_13 = arith.mulf %squeeze3A, %mul3A_12 : vector<256xf32>
    %mul3A_14 = arith.mulf %squeeze3A, %mul3A_13 : vector<256xf32>
    %sub3A = arith.subf %squeeze3A_10, %mul3A_14 : vector<256xf32>
    %mul3A_15 = arith.constant 2.44200259E-4 : f32
    %mul3A_16 = vector.broadcast %mul3A_15 : f32 to vector<256xf32>
    %mul3A_17 = arith.mulf %sub3A, %mul3A_16 : vector<256xf32>
    %max3A = arith.constant 0.000000e+00 : f32
    %max3A_18 = vector.broadcast %max3A : f32 to vector<256xf32>
    %max3A_19 = arith.maximumf %mul3A_17, %max3A_18 : vector<256xf32>
    %sqrt3A = math.sqrt %max3A_19 : vector<256xf32>
    %stack3A = vector.shape_cast %reduce_max3A_4 : vector<256xf32> to vector<1x256xf32>
    %stack3A_20 = vector.shape_cast %reduce_min3A_5 : vector<256xf32> to vector<1x256xf32>
    %stack3A_21 = vector.shape_cast %mul3A_13 : vector<256xf32> to vector<1x256xf32>
    %stack3A_22 = vector.shape_cast %sqrt3A : vector<256xf32> to vector<1x256xf32>
    %stack3A_23 = tpu.concatenate %stack3A, %stack3A_20, %stack3A_21, %stack3A_22 in 0 : vector<1x256xf32>, vector<1x256xf32>, vector<1x256xf32>, vector<1x256xf32> -> vector<4x256xf32>
    %swap3A = arith.constant 0 : index
    %swap3A_24 = arith.constant 0 : index
    %swap3A_25 = arith.constant 0 : index
    %swap3A_26 = vector.load %arg2[%swap3A, %swap3A_24, %swap3A_25] : memref<1x4x256xf32, #tpu.memory_space<vmem>>, vector<1x4x256xf32>
    %swap3A_27 = vector.shape_cast %swap3A_26 : vector<1x4x256xf32> to vector<4x256xf32>
    %swap3A_28 = vector.shape_cast %stack3A_23 : vector<4x256xf32> to vector<1x4x256xf32>
    tpu.vector_store %arg2[%swap3A, %swap3A_24, %swap3A_25], %swap3A_28 {strides = array<i32>} : memref<1x4x256xf32, #tpu.memory_space<vmem>>, vector<1x4x256xf32>,
    return
  }
  func.func @transform_0(%arg0: i32) -> (i32, i32, i32) {
    %c0_i32 = arith.constant 0 : i32
    %c0_i32_0 = arith.constant 0 : i32
    %c0_i32_1 = arith.constant 0 : i32
    return %arg0, %c0_i32, %c0_i32_0 : i32, i32, i32
  }
  func.func @transform_1(%arg0: i32) -> (i32, i32, i32) {
    %c0_i32 = arith.constant 0 : i32
    %c0_i32_0 = arith.constant 0 : i32
    %c0_i32_1 = arith.constant 0 : i32
    return %arg0, %c0_i32, %c0_i32_0 : i32, i32, i32
  }
}

</mosaic_0001>

<sc_bundles>
// kernel: kernel.4.cloned.1.call-start
scs
__scs_entry_jumppad:
0x0: {  	(pc) =	sbr.rel $0x88, $3  }
0x1: {  	(tag) =	ssettag $0x0;
	lr =	simm.s32 $0x1  }
0x2: {  	[smem:$0x3FA0] =	sst lr;
	_ =	strace $0xD0000000  }
0x3: {  	_ = 	snop  }
0x4: {  	_ = 	snop  }
0x5: {  	_ = 	snop  }
0x6: {  	_ = 	snop  }
0x7: {  	_ = 	snop  }
__scs_overlays_trampoline_lowered:
0x8: {  	[smem:$0x3FAF] =	sst s0  }
0x9: {  	[smem:$0x3FB0] =	sst s1  }
0xa: {  	[smem:$0x3FB1] =	sst s2  }
0xb: {  	[smem:$0x3FB2] =	sst s3  }
0xc: {  	[smem:$0x3FB3] =	sst s4  }
0xd: {  	[smem:$0x3FB4] =	sst s5  }
0xe: {  	[smem:$0x3FB5] =	sst s6  }
0xf: {  	[smem:$0x3FB6] =	sst s7  }
0x10: {  	[smem:$0x3FB7] =	sst s8  }
0x11: {  	[smem:$0x3FB8] =	sst s9;
	s0 =	simm.s32 @!p0 $0x0  }
0x12: {  	s1 =	sld [smem:$0x3F9E];
	s0 =	simm.s32 @p0 $0x1  }
0x13: {  	[smem:$0x3FB9] =	sst s0;
	s0 =	simm.s32 @!p1 $0x0  }
0x14: {  	s2 =	sld [smem:$0x3F9D];
	s0 =	simm.s32 @p1 $0x1  }
0x15: {  	[smem:$0x3FBA] =	sst s0;
	s0 =	simm.s32 @!p2 $0x0  }
0x16: {  	s3 =	sld [smem:$0x3FDB];
	s0 =	simm.s32 @p2 $0x1  }
0x17: {  	s4 =	simm.s32 $0x1BF5;
	[smem:$0x3FBC] =	sst s0  }
0x18: {  	s0 =	sld [smem:$0x3F9F];
	_ =	swait.ge [sflag:s4], $0x0  }
0x19: {  	s7 =	sld [smem:$0x3FA0]  }
0x1a: {  	s8 =	sadd.s32 $0xFFFFE003, lr  }
0x1b: {  	s9 =	sadd.s32 $0xFFFFFEF7, lr;
	s5 =	simm.s32 $0xFFFFFFFF;
	p2 =	slt.u32 s8, $0xFFFFF086  }
0x1c: {  	p1 =	slt.u32 s9, $0xF7A;
	s5 =	simm.s32 @!p2 $0x0  }
0x1d: {  	s5 =	simm.s32 @p1 $0x1;
	p0 =	seq.s32 s7, s2  }
0x1e: {  	s7 =	smul.u32 @!p0 $0xF7A, s2;
	p2 =	seq.s32 @!p0 s5, $0x0  }
0x1f: {  	s9 =	smul.u32 $0xF7A, s1;
	s8 =	simm.s32 @!p0 $0x1BF5;
	p2 =	por !p2, p0  }
0x20: {  	[sflag:s8] =	ssyncset.s32 @!p0 $0xFFFFF086;
	s6 =	sadd.s32 @!p0 s3, s7;
	s7 =	simm.s32 @!p0 $0x108  }
0x21: {  	s3 =	sadd.s32 s3, s9;
	s6 =	sadd.s32 @!p0 $0x88, s6;
	s7 =	simm.s32 @p2 $0x1082  }
0x22: {  	[simem:s7], [sflag:s8] =	dma.local @!p0 [hbm:s6], $0xF7A  }
0x23: {  	s9 =	sor.u32 $0xD0000000, s2;
	s6 =	simm.s32 $0x108;
	_ =	swait.ge @!p0 [sflag:s8], $0x0  }
0x24: {  	s3 =	sadd.s32 $0x88, s3;
	s6 =	simm.s32 @!p1 $0x1082;
	[sflag:s4] =	ssyncset.s32 $0xFFFFF086  }
0x25: {  	[simem:s6], [sflag:s4] =	dma.local [hbm:s3], $0xF7A  }
0x26: {  	[smem:$0x3FA0] =	sst s1;
	(tag) =	ssettag s2;
	_ =	strace s9  }
0x27: {  	s1 =	sld [smem:$0x3FB0]  }
0x28: {  	s2 =	sld [smem:$0x3FB1]  }
0x29: {  	s4 =	sld [smem:$0x3FB3]  }
0x2a: {  	p0 =	seq.s32 s5, $0x0;
	s5 =	sld [smem:$0x3FB4]  }
0x2b: {  	s6 =	sld [smem:$0x3FB5]  }
0x2c: {  	s7 =	sld [smem:$0x3FB6]  }
0x2d: {  	s3 =	simm.s32 $0x108;
	s8 =	sld [smem:$0x3FB7]  }
0x2e: {  	s3 =	simm.s32 @!p0 $0x1082;
	s9 =	sld [smem:$0x3FB8]  }
0x2f: {  	lr =	sadd.s32 s0, s3;
	s0 =	sld [smem:$0x3FAF]  }
0x30: {  	s3 =	sld [smem:$0x3FB2]  }
0x31: {  	[smem:$0x3FBB] =	sst s10  }
0x32: {  	s10 =	sld [smem:$0x3FB9];
	_ =	sdelay $0x3  }
0x33: {  	p0 =	seq.s32 s10, $0x1;
	s10 =	sld [smem:$0x3FBB];
	_ =	sdelay $0x3  }
0x34: {  	[smem:$0x3FBB] =	sst s10  }
0x35: {  	s10 =	sld [smem:$0x3FBA];
	_ =	sdelay $0x3  }
0x36: {  	p1 =	seq.s32 s10, $0x1;
	s10 =	sld [smem:$0x3FBB];
	_ =	sdelay $0x3  }
0x37: {  	[smem:$0x3FBB] =	sst s10  }
0x38: {  	s10 =	sld [smem:$0x3FBC]  }
0x39: {  	_ = 	snop;
	(pc) =	sbr.ind lr, $3  }
0x3a: {  	_ = 	snop  }
0x3b: {  	_ = 	snop  }
0x3c: {  	p2 =	seq.s32 s10, $0x1;
	s10 =	sld [smem:$0x3FBB]  }
0x3d: {  	_ =	shalt  }
0x3e: {  	_ =	shalt  }
0x3f: {  	_ =	shalt  }
0x40: {  	_ =	shalt  }
0x41: {  	_ =	shalt  }
0x42: {  	_ =	shalt  }
0x43: {  	_ =	shalt  }
0x44: {  	_ =	shalt  }
0x45: {  	_ =	shalt  }
0x46: {  	_ =	shalt  }
0x47: {  	_ =	shalt  }
0x48: {  	_ =	shalt  }
0x49: {  	_ =	shalt  }
0x4a: {  	_ =	shalt  }
0x4b: {  	_ =	shalt  }
0x4c: {  	_ =	shalt  }
0x4d: {  	_ =	shalt  }
0x4e: {  	_ =	shalt  }
0x4f: {  	_ =	shalt  }
0x50: {  	_ =	shalt  }
0x51: {  	_ =	shalt  }
0x52: {  	_ =	shalt  }
0x53: {  	_ =	shalt  }
0x54: {  	_ =	shalt  }
0x55: {  	_ =	shalt  }
0x56: {  	_ =	shalt  }
0x57: {  	_ =	shalt  }
0x58: {  	_ =	shalt  }
0x59: {  	_ =	shalt  }
0x5a: {  	_ =	shalt  }
0x5b: {  	_ =	shalt  }
0x5c: {  	_ =	shalt  }
0x5d: {  	_ =	shalt  }
0x5e: {  	_ =	shalt  }
0x5f: {  	_ =	shalt  }
0x60: {  	_ =	shalt  }
0x61: {  	_ =	shalt  }
0x62: {  	_ =	shalt  }
0x63: {  	_ =	shalt  }
0x64: {  	_ =	shalt  }
0x65: {  	_ =	shalt  }
0x66: {  	_ =	shalt  }
0x67: {  	_ =	shalt  }
0x68: {  	_ =	shalt  }
0x69: {  	_ =	shalt  }
0x6a: {  	_ =	shalt  }
0x6b: {  	_ =	shalt  }
0x6c: {  	_ =	shalt  }
0x6d: {  	_ =	shalt  }
0x6e: {  	_ =	shalt  }
0x6f: {  	_ =	shalt  }
0x70: {  	_ =	shalt  }
0x71: {  	_ =	shalt  }
0x72: {  	_ =	shalt  }
0x73: {  	_ =	shalt  }
0x74: {  	_ =	shalt  }
0x75: {  	_ =	shalt  }
0x76: {  	_ =	shalt  }
0x77: {  	_ =	shalt  }
0x78: {  	_ =	shalt  }
0x79: {  	_ =	shalt  }
0x7a: {  	_ =	shalt  }
0x7b: {  	_ =	shalt  }
0x7c: {  	_ =	shalt  }
0x7d: {  	_ =	shalt  }
0x7e: {  	_ =	shalt  }
0x7f: {  	_ =	shalt  }
0x80: {  	_ =	shalt  }
0x81: {  	_ =	shalt  }
0x82: {  	_ =	shalt  }
0x83: {  	_ =	shalt  }
0x84: {  	_ =	shalt  }
0x85: {  	_ =	shalt  }
0x86: {  	_ =	shalt  }
0x87: {  	_ =	shalt  }
.Lfunc_end0:
.L_simem_size_0:
called_computation_lowered:
.L_overlay_start_0:
0x88: {  	s2 =	sld [smem:$0x3FD9]  }
0x89: {  	s3 =	sld [smem:$0x3FFE];
	_ =	sdelay $0x1  }
0x8a: {  	s1 =	srdreg.scid  }
0x8b: {  	s0 =	sand.u32 $0x1, s1  }
0x8c: {  	s17 =	sshll.u32 s0, $0xA;
	s2 =	sadd.s32 s3, s2  }
0x8d: {  	s2 =	sadd.s32 s2, s17  }
0x8e: {  	[smem:$0x3FC7] =	sst s2  }
0x8f: {  	_ = 	snop  }
0x90: {  	s2 =	sld [smem:$0x3FC9];
	(tm) =	ssettm $0x1  }
0x91: {  	s18 =	sld [smem:$0x3FFB];
	_ =	sdelay $0x3  }
0x92: {  	_ =	strace s18  }
0x93: {  	s3 =	sld [smem:$0x3FFC];
	_ =	sdelay $0x3  }
0x94: {  	_ =	strace s3  }
0x95: {  	s3 =	sld [smem:$0x3FFD];
	_ =	sdelay $0x3  }
0x96: {  	_ =	strace s3  }
0x97: {  	_ =	strace $0x8FFFFFFF  }
0x98: {  	s19 =	sld [smem:$0x3FDB];
	_ =	sdelay $0x1  }
0x99: {  	s4 =	simm.s32 $_scs_section_size  }
0x9a: {  	s5 =	simm.s32 $_size__tile_overlayer_lowered;
	s6 =	simm.s32 $_tile_overlayer_lowered  }
0x9b: {  	s22 =	simm.s32 $0x1BFF;
	s21 =	sshll.u32 s6, $0x1;
	s3 =	sadd.s32 s4, s19  }
0x9c: {  	s7 =	simm.s32 $0x0;
	s20 =	sshll.u32 s5, $0x1;
	s5 =	sadd.s32 s21, s3  }
0x9d: {  	[timem:s7], [sflag:s22] =	dma.local [hbm:s5], s20  }
0x9e: {  	_ =	swait.ge [sflag:s22], s20  }
0x9f: {  	s4 =	ssub.s32 $0x0, s20;
	[sflag:s22] =	ssyncset.done $0x0  }
0xa0: {  	[sflag:s22] =	ssyncadd.s32 s4;
	_ =	sdelay $0x1  }
0xa1: {  	s23 =	simm.s32 $0x1B8B  }
0xa2: {  	_ =	swait.ge [sflag:s23], $0x1  }
0xa3: {  	[sflag:s23] =	ssyncset.done $0x0  }
0xa4: {  	s25 =	simm.s32 $0x1B8E;
	s24 =	sld [smem:$0x3FFE];
	[sflag:s23] =	ssyncadd.s32 $0xFFFFFFFF  }
0xa5: {  	s26 =	simm.s32 $execute0_lowered;
	[smem:$0x3FD2] =	sst s25  }
0xa6: {  	s5 =	sshll.u32 s26, $0x1;
	_ =	strace $0x80000046;
	[dreg:$0x1] =	wrdreg $0xFFFFFFFF  }
0xa7: {  	s28 =	simm.s32 $_size_execute0_lowered;
	s3 =	sadd.s32 s3, s5;
	[dreg:$0x0] =	wrdreg $0x0  }
0xa8: {  	s5 =	sshll.u32 s28, $0x1;
	[dreg:$0x2] =	wrdreg s3  }
0xa9: {  	[dreg:$0x3] =	wrdreg s5  }
0xaa: {  	[dreg:$0x4] =	wrdreg $0xC0  }
0xab: {  	_ =	task [dreg:s7], $0x5FFFF  }
0xac: {  	[dreg:$0x1] =	wrdreg $0xFFFFFFFF  }
0xad: {  	[dreg:$0x0] =	wrdreg $0x60  }
0xae: {  	[dreg:$0x2] =	wrdreg s2  }
0xaf: {  	[dreg:$0x3] =	wrdreg s24  }
0xb0: {  	[dreg:$0x4] =	wrdreg $0x10A000  }
0xb1: {  	[dreg:$0x5] =	wrdreg $0x9  }
0xb2: {  	_ =	task.clear_ibuf [dreg:s7], $0x6FFFF;
	_ =	strace $0x90000046  }
0xb3: {  	s29 =	simm.s32 $0x9;
	_ =	strace $0x80000048  }
0xb4: {  	_ =	swait.ge [sflag:s29], $0x1  }
0xb5: {  	[sflag:s29] =	ssyncadd.s32 $0xFFFFFFFF  }
0xb6: {  	_ =	strace $0x90000048  }
0xb7: {  	_ =	sfence  }
0xb8: {  	s30 =	sld [smem:$0x0];
	_ =	sdelay $0x2  }
0xb9: {  	s31 =	sshll.u32 s1, $0xD;
	s1 =	sshrl.u32 s1, $0x2  }
0xba: {  	s3 =	sand.u32 $0x4000, s31;
	s1 =	sadd.s32 s1, s30  }
0xbb: {  	s0 =	sor.u32 s3, s0;
	s1 =	sshll.u32 s1, $0x11  }
0xbc: {  	s0 =	sor.u32 s1, s0  }
0xbd: {  	s0 =	sadd.s32 $0x8F2B, s0  }
0xbe: {  	[sflag:s0] =	ssyncadd.remote.s32 $0x1  }
0xbf: {  	_ =	sfence.sel $0xFFFF  }
0xc0: {  	[dreg:$0x0] =	wrdreg $0xFFFFFFFF;
	(pc) =	sbr.abs _section_cstart, $3  }
0xc1: {  	[dreg:$0x1] =	wrdreg $0xFFFFFFFF  }
0xc2: {  	_ =	task.clear_ibuf [dreg:s7], $0x2FFFF;
	_ =	strace $0x9FFFFFFF  }
0xc3: {  	(tm) =	ssettm $0x7FFFFFFF  }
tec
execute0_lowered:
.L_overlay_start_1:
0x0: {  	(tag) =	ssettag $0x1  }
0x1: {  	s3 =	rddreg [dreg:$0x0]  }
0x2: {  	s4 =	rddreg [dreg:$0x1]  }
0x3: {  	s7 =	rddreg [dreg:$0x2]  }
0x4: {  	s0 =	rddreg [dreg:$0x3];
	s1 =	stileid.u32;
	s2 =	simm.s32 $0x0  }
0x5: {  	s6 =	srdreg.scid;
	s13 =	simm.s32 $0x1;
	s14 =	simm.s32 $0x2  }
0x6: {  	s16 =	simm.s32 $0x3;
	s17 =	simm.s32 $0x10200;
	s18 =	simm.s32 $0x0  }
0x7: {  	s5 =	sshrl.u32 s1, $0x2;
	[smem:$0x7FF] =	sst s2;
	s6 =	sand.u32 $0x1, s6  }
0x8: {  	s8 =	sshrl.u32 s1, $0x3;
	s15 =	sand.u32 $0x3, s1;
	s12 =	sshll.u32 s1, $0x9  }
0x9: {  	s5 =	sand.u32 $0x1, s5;
	s9 =	sshll.u32 s6, $0x1;
	s28 =	sshll.u32 s15, $0xF  }
0xa: {  	_ =	strace $0x80000047;
	s6 =	ssub.s32 $0x2, s6;
	s7 =	sadd.s32 s12, s7  }
0xb: {  	s12 =	simm.s32 $0x8000;
	p0 =	sne.s32 s15, $0x0;
	s15 =	simm.s32 $0x10000  }
0xc: {  	s8 =	sor.u32 s8, s9;
	s10 =	sshll.u32 s5, $0x7;
	s5 =	sshll.u32 s5, $0x6  }
0xd: {  	s30 =	sshrl.u32 s6, $0x1;
	s11 =	sshll.u32 s8, $0x11;
	s9 =	sor.u32 s28, s10  }
.Ltmp0:
0xe: {  	s29 =	sadd.s32 s5, s4;
	s31 =	ssub.s32 s6, s30;
	(pc) =	sbr.rel .LBB2_1-.Ltmp0, $4  }
0xf: {  	s8 =	sshll.u32 s8, $0x7;
	s10 =	simm.s32 $0x400;
	s9 =	sor.u32 s9, s11  }
0x10: {  	s8 =	sadd.s32 s8, s29;
	s11 =	simm.s32 $0x800;
	s9 =	sadd.s32 s9, s3  }
0x11: {  	s8 =	sadd.s32 $0x400, s8;
	s3 =	sadd.s32 $0x180000, s9;
	s4 =	sadd.s32 $0x182000, s9  }
0x12: {  	s5 =	sadd.s32 $0x184000, s9;
	s6 =	sadd.s32 $0x186000, s9;
	s9 =	smax.u32 s31, $0x1  }
.LBB2_11:
0x13: {  	s18 =	sadd.s32 $0x1, s18  }
0x14: {  	p1 =	sne.s32 s18, s9  }
.Ltmp1:
0x15: {  	_ = 	snop;
	(pc) =	sbr.rel @!p1 .LBB2_12-.Ltmp1, $1  }
0x16: {  	_ =	sdelay $0x3  }
.LBB2_1:
0x17: {  	[tilespmem:s2], [sflag:$0x1] =	stream.strided.gather [hbm4b:s3+s10], $0x8000, s11, s10, $0x38;
	[tilespmem:$0x10C00] =	vst v63  }
0x18: {  	_ = 	snop  }
0x19: {  	[tilespmem:s12], [sflag:$0x2] =	stream.strided.gather [hbm4b:s4+s10], $0x8000, s11, s10, $0x38;
	[tilespmem:$0x10C00] =	vst v63  }
0x1a: {  	_ =	swait.ge [sflag:s13], $0x8000  }
0x1b: {  	[sflag:s13] =	ssyncset.done $0x0  }
0x1c: {  	s19 =	simm.s32 $0x0;
	[sflag:s13] =	ssyncadd.s32 $0xFFFF8000  }
0x1d: {  	v8 =	vld [tilespmem:s19+$0x70]  }
0x1e: {  	v20 =	vimm.f32 $-Inf;
	v0 =	vld [tilespmem:s19+$0x0]  }
0x1f: {  	v21 =	vimm.f32 $+Inf;
	v22 =	vimm.f32 $0.0e+00;
	v36 =	vimm.f32 $0.0e+00;
	v1 =	vld [tilespmem:s19+$0x10]  }
0x20: {  	v32 =	vimm.f32 $+Inf;
	v33 =	vimm.f32 $0.0e+00;
	v28 =	vimm.f32 $-Inf;
	v3 =	vld [tilespmem:s19+$0x20]  }
0x21: {  	v29 =	vimm.f32 $+Inf;
	v30 =	vimm.f32 $0.0e+00;
	v34 =	vimm.f32 $+Inf;
	v23 =	vld [tilespmem:s19+$0x40]  }
0x22: {  	v35 =	vimm.f32 $0.0e+00;
	v31 =	vimm.f32 $0.0e+00;
	v26 =	vld [tilespmem:s19+$0x50];
	v11 =	vmax.f32 v20, v8  }
0x23: {  	v25 =	vld [tilespmem:s19+$0x30];
	v12 =	vmin.f32 v21, v8;
	v2 =	vmul.f32 v8, v8;
	v4 =	vmul.f32 v0, v0  }
0x24: {  	v13 =	vmax.f32 v20, v0;
	v14 =	vmin.f32 v21, v0;
	v15 =	vadd.f32 v0, v22  }
0x25: {  	v24 =	vld [tilespmem:s19+$0x60];
	v0 =	vmul.f32 v1, v1;
	v18 =	vmax.f32 v20, v1;
	v19 =	vmin.f32 v21, v1  }
0x26: {  	v10 =	vadd.f32 v1, v22;
	v1 =	vmul.f32 v23, v23;
	v7 =	vmax.f32 v20, v3  }
0x27: {  	v27 =	vmul.f32 v26, v26;
	v16 =	vadd.f32 v2, v22;
	v2 =	vmul.f32 v3, v3  }
0x28: {  	v17 =	vadd.f32 v4, v22;
	v9 =	vadd.f32 v0, v22;
	v0 =	vmul.f32 v25, v25  }
0x29: {  	v5 =	vmin.f32 v21, v3;
	v3 =	vadd.f32 v3, v22;
	v6 =	vadd.f32 v2, v22  }
0x2a: {  	v37 =	vmul.f32 v24, v24;
	v4 =	vadd.f32 v0, v22;
	v2 =	vadd.f32 v1, v22  }
0x2b: {  	s20 =	simm.s32 $0x400;
	s19 =	simm.s32 $0x80;
	v0 =	vmax.f32 v20, v25;
	v1 =	vadd.f32 v27, v22;
	v27 =	vimm.f32 $-Inf  }
.LBB2_2:
0x2c: {  	p1 =	sne.s32 s20, $0x1FE00;
	v38 =	vld [tilespmem:s19+$0x70];
	v21 =	vmin.f32 v21, v25;
	v22 =	vadd.f32 v25, v22;
	v36 =	vadd.f32 v37, v36  }
0x2d: {  	v20 =	vmax.f32 v20, v23;
	v32 =	vmin.f32 v32, v23;
	v33 =	vadd.f32 v23, v33;
	v37 =	vld [tilespmem:s19+$0x0]  }
0x2e: {  	v28 =	vmax.f32 v28, v26;
	v29 =	vmin.f32 v29, v26;
	v30 =	vadd.f32 v26, v30;
	v39 =	vld [tilespmem:s19+$0x10]  }
0x2f: {  	v27 =	vmax.f32 v27, v24;
	v34 =	vmin.f32 v34, v24;
	v35 =	vadd.f32 v24, v35;
	v40 =	vld [tilespmem:s19+$0x20]  }
0x30: {  	v31 =	vadd.f32 v8, v31;
	v25 =	vld [tilespmem:s19+$0x30]  }
0x31: {  	v23 =	vld [tilespmem:s19+$0x40];
	v11 =	vmax.f32 v11, v38;
	v12 =	vmin.f32 v12, v38;
	v41 =	vmul.f32 v38, v38;
	v8 =	vmovc v38  }
0x32: {  	v13 =	vmax.f32 v13, v37;
	v14 =	vmin.f32 v14, v37;
	v38 =	vmul.f32 v37, v37;
	v26 =	vld [tilespmem:s19+$0x50]  }
0x33: {  	v15 =	vadd.f32 v37, v15;
	v37 =	vmul.f32 v39, v39;
	v24 =	vld [tilespmem:s19+$0x60];
	v16 =	vadd.f32 v41, v16  }
0x34: {  	v18 =	vmax.f32 v18, v39;
	v17 =	vadd.f32 v38, v17;
	v38 =	vmul.f32 v40, v40  }
.Ltmp2:
0x35: {  	v19 =	vmin.f32 v19, v39;
	v9 =	vadd.f32 v37, v9;
	v37 =	vmul.f32 v25, v25;
	(pc) =	sbr.rel @p1 .LBB2_2-.Ltmp2, $4  }
0x36: {  	v10 =	vadd.f32 v39, v10;
	v6 =	vadd.f32 v38, v6;
	v38 =	vmul.f32 v23, v23  }
0x37: {  	v7 =	vmax.f32 v7, v40;
	v4 =	vadd.f32 v37, v4;
	v39 =	vmul.f32 v26, v26  }
0x38: {  	v5 =	vmin.f32 v5, v40;
	v2 =	vadd.f32 v38, v2;
	v37 =	vmul.f32 v24, v24  }
0x39: {  	s19 =	sshra.s32 s20, $0x2;
	s20 =	sadd.s32 $0x200, s20;
	v3 =	vadd.f32 v40, v3;
	v0 =	vmax.f32 v0, v25;
	v1 =	vadd.f32 v39, v1  }
0x3a: {  	v38 =	vld [tilespmem:s19+$0x70]  }
0x3b: {  	v21 =	vmin.f32 v21, v25;
	v22 =	vadd.f32 v25, v22;
	v25 =	vld [tilespmem:s19+$0x0]  }
0x3c: {  	v36 =	vadd.f32 v37, v36;
	v20 =	vmax.f32 v20, v23;
	v32 =	vmin.f32 v32, v23;
	v59 =	vld [tilespmem:s19+$0x10]  }
0x3d: {  	v28 =	vmax.f32 v28, v26;
	v29 =	vmin.f32 v29, v26;
	v26 =	vadd.f32 v26, v30;
	v30 =	vld [tilespmem:s19+$0x20]  }
0x3e: {  	v23 =	vadd.f32 v23, v33;
	v27 =	vmax.f32 v27, v24;
	v34 =	vmin.f32 v34, v24;
	v40 =	vld [tilespmem:s19+$0x50]  }
0x3f: {  	v24 =	vadd.f32 v24, v35;
	v60 =	vld [tilespmem:s19+$0x30];
	v31 =	vadd.f32 v8, v31;
	v61 =	vmax.f32 v11, v38  }
0x40: {  	v41 =	vld [tilespmem:s19+$0x60];
	v12 =	vmin.f32 v12, v38;
	v8 =	vmul.f32 v38, v38;
	v39 =	vmul.f32 v25, v25  }
0x41: {  	v13 =	vmax.f32 v13, v25;
	v14 =	vmin.f32 v14, v25;
	v15 =	vadd.f32 v25, v15  }
0x42: {  	v25 =	vmul.f32 v59, v59;
	v42 =	vmax.f32 v18, v59;
	v43 =	vmin.f32 v19, v59  }
0x43: {  	s30 =	simm.s32 $0x0;
	v45 =	vadd.f32 v59, v10;
	v47 =	vmax.f32 v7, v30;
	v7 =	vmul.f32 v40, v40  }
0x44: {  	v11 =	vld [tilespmem:s19+$0x40];
	[tilespmem:s30], [sflag:$0x1] =	stream.strided.gather [hbm4b:s5+s10], $0x8000, s11, s10, $0x38;
	v5 =	vmin.f32 v5, v30;
	v3 =	vadd.f32 v30, v3;
	v48 =	vmax.f32 v0, v60  }
0x45: {  	v10 =	vmax.f32 v27, v41;
	_ =	swait.ge [sflag:s14], $0x8000;
	v16 =	vadd.f32 v8, v16;
	v39 =	vadd.f32 v39, v17  }
0x46: {  	v8 =	vmul.f32 v30, v30;
	v44 =	vadd.f32 v25, v9;
	v9 =	vmul.f32 v60, v60;
	[sflag:s14] =	ssyncset.done $0x0  }
0x47: {  	s31 =	simm.s32 $0x0;
	v49 =	vadd.f32 v7, v1;
	v17 =	vadd.f32 v60, v22;
	v22 =	vmin.f32 v34, v41;
	[sflag:s14] =	ssyncadd.s32 $0xFFFF8000  }
0x48: {  	v46 =	vadd.f32 v8, v6;
	v4 =	vadd.f32 v9, v4;
	v8 =	vmul.f32 v41, v41;
	v0 =	vld [tilespmem:s31+$0x8070]  }
0x49: {  	v1 =	vld [tilespmem:s31+$0x8000];
	v9 =	vmax.f32 v28, v40;
	v6 =	vmul.f32 v11, v11;
	v19 =	vadd.f32 v11, v23  }
0x4a: {  	v50 =	vld [tilespmem:s31+$0x8010];
	v18 =	vmin.f32 v32, v11;
	v23 =	vadd.f32 v41, v24;
	v7 =	vadd.f32 v8, v36  }
0x4b: {  	v62 =	vld [tilespmem:s31+$0x8020];
	v8 =	vmax.f32 v20, v11;
	v20 =	vmin.f32 v29, v40;
	v11 =	vadd.f32 v38, v31  }
0x4c: {  	v35 =	vld [tilespmem:s31+$0x8030];
	v2 =	vadd.f32 v6, v2;
	v6 =	vmin.f32 v21, v60;
	v21 =	vadd.f32 v40, v26  }
0x4d: {  	v33 =	vld [tilespmem:s31+$0x8040];
	v32 =	vmax.f32 v61, v0;
	v24 =	vmin.f32 v12, v0;
	v26 =	vmul.f32 v0, v0  }
0x4e: {  	v36 =	vld [tilespmem:s31+$0x8050];
	v12 =	vmax.f32 v13, v1;
	v13 =	vmin.f32 v14, v1;
	v14 =	vmul.f32 v1, v1  }
0x4f: {  	v34 =	vld [tilespmem:s31+$0x8060];
	v25 =	vadd.f32 v1, v15;
	v1 =	vmul.f32 v50, v50;
	v28 =	vmax.f32 v42, v50  }
0x50: {  	v29 =	vmin.f32 v43, v50;
	v31 =	vadd.f32 v50, v45;
	v15 =	vmax.f32 v47, v62  }
0x51: {  	v26 =	vadd.f32 v26, v16;
	v27 =	vadd.f32 v14, v39;
	v14 =	vmul.f32 v62, v62  }
0x52: {  	v30 =	vadd.f32 v1, v44;
	v1 =	vmul.f32 v35, v35;
	v16 =	vmul.f32 v33, v33  }
0x53: {  	v5 =	vmin.f32 v5, v62;
	v63 =	vmul.f32 v36, v36;
	v14 =	vadd.f32 v14, v46  }
0x54: {  	v37 =	vmul.f32 v34, v34;
	v4 =	vadd.f32 v1, v4;
	v1 =	vadd.f32 v16, v2  }
0x55: {  	s20 =	simm.s32 $0x400;
	s19 =	simm.s32 $0x80;
	v16 =	vadd.f32 v62, v3;
	v2 =	vmax.f32 v48, v35;
	v3 =	vadd.f32 v63, v49  }
.LBB2_4:
0x56: {  	p1 =	sne.s32 s20, $0x1FE00;
	v38 =	vld [tilespmem:s19+$0x8070];
	v6 =	vmin.f32 v6, v35;
	v17 =	vadd.f32 v35, v17;
	v7 =	vadd.f32 v37, v7  }
0x57: {  	v8 =	vmax.f32 v8, v33;
	v18 =	vmin.f32 v18, v33;
	v19 =	vadd.f32 v33, v19;
	v37 =	vld [tilespmem:s19+$0x8000]  }
0x58: {  	v9 =	vmax.f32 v9, v36;
	v20 =	vmin.f32 v20, v36;
	v21 =	vadd.f32 v36, v21;
	v39 =	vld [tilespmem:s19+$0x8010]  }
0x59: {  	v10 =	vmax.f32 v10, v34;
	v22 =	vmin.f32 v22, v34;
	v23 =	vadd.f32 v34, v23;
	v40 =	vld [tilespmem:s19+$0x8020]  }
0x5a: {  	v11 =	vadd.f32 v0, v11;
	v35 =	vld [tilespmem:s19+$0x8030]  }
0x5b: {  	v33 =	vld [tilespmem:s19+$0x8040];
	v32 =	vmax.f32 v32, v38;
	v24 =	vmin.f32 v24, v38;
	v41 =	vmul.f32 v38, v38;
	v0 =	vmovc v38  }
0x5c: {  	v12 =	vmax.f32 v12, v37;
	v13 =	vmin.f32 v13, v37;
	v38 =	vmul.f32 v37, v37;
	v36 =	vld [tilespmem:s19+$0x8050]  }
0x5d: {  	v25 =	vadd.f32 v37, v25;
	v37 =	vmul.f32 v39, v39;
	v34 =	vld [tilespmem:s19+$0x8060];
	v26 =	vadd.f32 v41, v26  }
0x5e: {  	v28 =	vmax.f32 v28, v39;
	v27 =	vadd.f32 v38, v27;
	v38 =	vmul.f32 v40, v40  }
.Ltmp3:
0x5f: {  	v29 =	vmin.f32 v29, v39;
	v30 =	vadd.f32 v37, v30;
	v37 =	vmul.f32 v35, v35;
	(pc) =	sbr.rel @p1 .LBB2_4-.Ltmp3, $4  }
0x60: {  	v31 =	vadd.f32 v39, v31;
	v14 =	vadd.f32 v38, v14;
	v38 =	vmul.f32 v33, v33  }
0x61: {  	v15 =	vmax.f32 v15, v40;
	v4 =	vadd.f32 v37, v4;
	v39 =	vmul.f32 v36, v36  }
0x62: {  	v5 =	vmin.f32 v5, v40;
	v1 =	vadd.f32 v38, v1;
	v37 =	vmul.f32 v34, v34  }
0x63: {  	s19 =	sshra.s32 s20, $0x2;
	s20 =	sadd.s32 $0x200, s20;
	v16 =	vadd.f32 v40, v16;
	v2 =	vmax.f32 v2, v35;
	v3 =	vadd.f32 v39, v3  }
0x64: {  	v38 =	vld [tilespmem:s19+$0x8070]  }
0x65: {  	v6 =	vmin.f32 v6, v35;
	v17 =	vadd.f32 v35, v17;
	v52 =	vld [tilespmem:s19+$0x8000]  }
0x66: {  	v7 =	vadd.f32 v37, v7;
	v8 =	vmax.f32 v8, v33;
	v18 =	vmin.f32 v18, v33;
	v53 =	vld [tilespmem:s19+$0x8010]  }
0x67: {  	v19 =	vadd.f32 v33, v19;
	v9 =	vmax.f32 v9, v36;
	v20 =	vmin.f32 v20, v36;
	v54 =	vld [tilespmem:s19+$0x8020]  }
0x68: {  	v21 =	vadd.f32 v36, v21;
	v10 =	vmax.f32 v10, v34;
	v22 =	vmin.f32 v22, v34;
	v55 =	vld [tilespmem:s19+$0x8030]  }
0x69: {  	v23 =	vadd.f32 v34, v23;
	v11 =	vadd.f32 v0, v11;
	v41 =	vld [tilespmem:s19+$0x8060];
	v32 =	vmax.f32 v32, v38  }
0x6a: {  	v56 =	vld [tilespmem:s19+$0x8040];
	v24 =	vmin.f32 v24, v38;
	v0 =	vmul.f32 v38, v38;
	v39 =	vmul.f32 v52, v52  }
0x6b: {  	v40 =	vld [tilespmem:s19+$0x8050];
	[tilespmem:s12], [sflag:$0x2] =	stream.strided.gather [hbm4b:s6+s10], $0x8000, s11, s10, $0x38;
	v12 =	vmax.f32 v12, v52;
	v13 =	vmin.f32 v13, v52;
	v25 =	vadd.f32 v52, v25  }
0x6c: {  	_ =	swait.ge [sflag:s13], $0x8000;
	v57 =	vmul.f32 v53, v53;
	v28 =	vmax.f32 v28, v53;
	v29 =	vmin.f32 v29, v53  }
0x6d: {  	[sflag:s13] =	ssyncset.done $0x0;
	v58 =	vmul.f32 v55, v55;
	v31 =	vadd.f32 v53, v31;
	v42 =	vmax.f32 v15, v54  }
0x6e: {  	s31 =	simm.s32 $0x0;
	[sflag:s13] =	ssyncadd.s32 $0xFFFF8000;
	v44 =	vmin.f32 v5, v54;
	v5 =	vmul.f32 v41, v41;
	v45 =	vadd.f32 v54, v16  }
0x6f: {  	v60 =	vld [tilespmem:s31+$0x0];
	v2 =	vmax.f32 v2, v55;
	v15 =	vmin.f32 v18, v56;
	v16 =	vadd.f32 v56, v19  }
0x70: {  	v61 =	vld [tilespmem:s31+$0x10];
	v18 =	vadd.f32 v40, v21;
	v19 =	vmin.f32 v22, v41;
	v26 =	vadd.f32 v0, v26  }
0x71: {  	v62 =	vld [tilespmem:s31+$0x20];
	v27 =	vadd.f32 v39, v27;
	v0 =	vmul.f32 v54, v54;
	v30 =	vadd.f32 v57, v30  }
0x72: {  	v35 =	vld [tilespmem:s31+$0x30];
	v43 =	vadd.f32 v58, v4;
	v4 =	vmul.f32 v40, v40;
	v5 =	vadd.f32 v5, v7  }
0x73: {  	v36 =	vld [tilespmem:s31+$0x50];
	v7 =	vmax.f32 v9, v40;
	v9 =	vadd.f32 v38, v11;
	v59 =	vadd.f32 v0, v14  }
0x74: {  	v33 =	vld [tilespmem:s31+$0x40];
	v0 =	vmul.f32 v56, v56;
	v3 =	vadd.f32 v4, v3;
	v4 =	vmin.f32 v6, v55  }
0x75: {  	v34 =	vld [tilespmem:s31+$0x60];
	v14 =	vadd.f32 v55, v17;
	v6 =	vmax.f32 v8, v56;
	v17 =	vmin.f32 v20, v40  }
0x76: {  	v8 =	vmax.f32 v10, v41;
	v20 =	vadd.f32 v41, v23;
	v1 =	vadd.f32 v0, v1;
	v0 =	vld [tilespmem:s31+$0x70]  }
0x77: {  	v10 =	vmax.f32 v12, v60;
	v11 =	vmin.f32 v13, v60;
	v12 =	vmul.f32 v60, v60  }
0x78: {  	v22 =	vadd.f32 v60, v25;
	v13 =	vmul.f32 v61, v61;
	v63 =	vmul.f32 v36, v36  }
0x79: {  	v25 =	vmax.f32 v28, v61;
	v28 =	vadd.f32 v61, v31;
	v31 =	vmul.f32 v33, v33  }
0x7a: {  	v37 =	vmul.f32 v34, v34;
	v2 =	vmax.f32 v2, v35;
	v3 =	vadd.f32 v63, v3  }
0x7b: {  	v1 =	vadd.f32 v31, v1;
	v31 =	vadd.f32 v62, v45;
	v32 =	vmax.f32 v32, v0  }
0x7c: {  	v21 =	vmin.f32 v24, v0;
	v23 =	vmul.f32 v0, v0;
	v24 =	vadd.f32 v12, v27  }
0x7d: {  	v12 =	vmul.f32 v62, v62;
	v27 =	vadd.f32 v13, v30;
	v13 =	vmul.f32 v35, v35  }
0x7e: {  	v30 =	vmax.f32 v42, v62;
	v23 =	vadd.f32 v23, v26;
	v26 =	vmin.f32 v29, v61  }
0x7f: {  	s19 =	simm.s32 $0x80;
	s20 =	simm.s32 $0x400;
	v29 =	vadd.f32 v12, v59;
	v12 =	vadd.f32 v13, v43;
	v13 =	vmin.f32 v44, v62  }
.LBB2_6:
0x80: {  	p1 =	sne.s32 s20, $0x1FE00;
	v38 =	vld [tilespmem:s19+$0x70];
	v4 =	vmin.f32 v4, v35;
	v14 =	vadd.f32 v35, v14;
	v5 =	vadd.f32 v37, v5  }
0x81: {  	v6 =	vmax.f32 v6, v33;
	v15 =	vmin.f32 v15, v33;
	v16 =	vadd.f32 v33, v16;
	v37 =	vld [tilespmem:s19+$0x0]  }
0x82: {  	v7 =	vmax.f32 v7, v36;
	v17 =	vmin.f32 v17, v36;
	v18 =	vadd.f32 v36, v18;
	v39 =	vld [tilespmem:s19+$0x10]  }
0x83: {  	v8 =	vmax.f32 v8, v34;
	v19 =	vmin.f32 v19, v34;
	v20 =	vadd.f32 v34, v20;
	v40 =	vld [tilespmem:s19+$0x20]  }
0x84: {  	v9 =	vadd.f32 v0, v9;
	v35 =	vld [tilespmem:s19+$0x30]  }
0x85: {  	v33 =	vld [tilespmem:s19+$0x40];
	v32 =	vmax.f32 v32, v38;
	v21 =	vmin.f32 v21, v38;
	v41 =	vmul.f32 v38, v38;
	v0 =	vmovc v38  }
0x86: {  	v10 =	vmax.f32 v10, v37;
	v11 =	vmin.f32 v11, v37;
	v38 =	vmul.f32 v37, v37;
	v36 =	vld [tilespmem:s19+$0x50]  }
0x87: {  	v22 =	vadd.f32 v37, v22;
	v37 =	vmul.f32 v39, v39;
	v34 =	vld [tilespmem:s19+$0x60];
	v23 =	vadd.f32 v41, v23  }
0x88: {  	v25 =	vmax.f32 v25, v39;
	v24 =	vadd.f32 v38, v24;
	v38 =	vmul.f32 v40, v40  }
.Ltmp4:
0x89: {  	v26 =	vmin.f32 v26, v39;
	v27 =	vadd.f32 v37, v27;
	v37 =	vmul.f32 v35, v35;
	(pc) =	sbr.rel @p1 .LBB2_6-.Ltmp4, $4  }
0x8a: {  	v28 =	vadd.f32 v39, v28;
	v29 =	vadd.f32 v38, v29;
	v38 =	vmul.f32 v33, v33  }
0x8b: {  	v30 =	vmax.f32 v30, v40;
	v12 =	vadd.f32 v37, v12;
	v39 =	vmul.f32 v36, v36  }
0x8c: {  	v13 =	vmin.f32 v13, v40;
	v1 =	vadd.f32 v38, v1;
	v37 =	vmul.f32 v34, v34  }
0x8d: {  	s19 =	sshra.s32 s20, $0x2;
	s20 =	sadd.s32 $0x200, s20;
	v31 =	vadd.f32 v40, v31;
	v2 =	vmax.f32 v2, v35;
	v3 =	vadd.f32 v39, v3  }
0x8e: {  	v38 =	vld [tilespmem:s19+$0x70]  }
0x8f: {  	v4 =	vmin.f32 v4, v35;
	v14 =	vadd.f32 v35, v14;
	v56 =	vld [tilespmem:s19+$0x0]  }
0x90: {  	v5 =	vadd.f32 v37, v5;
	v6 =	vmax.f32 v6, v33;
	v57 =	vmin.f32 v15, v33;
	v15 =	vld [tilespmem:s19+$0x10]  }
0x91: {  	v58 =	vadd.f32 v33, v16;
	v7 =	vmax.f32 v7, v36;
	v17 =	vmin.f32 v17, v36;
	v16 =	vld [tilespmem:s19+$0x20]  }
0x92: {  	v18 =	vadd.f32 v36, v18;
	v8 =	vmax.f32 v8, v34;
	v60 =	vadd.f32 v0, v9;
	v9 =	vld [tilespmem:s19+$0x40]  }
0x93: {  	v19 =	vmin.f32 v19, v34;
	v20 =	vadd.f32 v34, v20;
	v59 =	vld [tilespmem:s19+$0x30];
	v32 =	vmax.f32 v32, v38  }
0x94: {  	v61 =	vld [tilespmem:s19+$0x60];
	v21 =	vmin.f32 v21, v38;
	v0 =	vmul.f32 v38, v38;
	v39 =	vmul.f32 v56, v56  }
0x95: {  	v40 =	vmax.f32 v10, v56;
	v41 =	vmin.f32 v11, v56;
	v22 =	vadd.f32 v56, v22  }
0x96: {  	v11 =	vld [tilespmem:s19+$0x50];
	v10 =	vmul.f32 v15, v15;
	v44 =	vmax.f32 v30, v16;
	_ =	swait.ge [sflag:s14], $0x8000;
	v46 =	vmin.f32 v13, v16  }
0x97: {  	v48 =	vadd.f32 v16, v31;
	v13 =	vmax.f32 v6, v9;
	[sflag:s14] =	ssyncset.done $0x0;
	v42 =	vadd.f32 v0, v23  }
0x98: {  	s31 =	simm.s32 $0x0;
	v0 =	vmul.f32 v16, v16;
	v62 =	vadd.f32 v10, v27;
	v10 =	vmul.f32 v59, v59;
	[sflag:s14] =	ssyncadd.s32 $0xFFFF8000  }
0x99: {  	v6 =	vmin.f32 v19, v61;
	v16 =	vadd.f32 v59, v14;
	v14 =	vadd.f32 v9, v58;
	v31 =	vld [tilespmem:s31+$0x8010]  }
0x9a: {  	v19 =	vld [tilespmem:s31+$0x8050];
	v29 =	vadd.f32 v0, v29;
	v0 =	vmul.f32 v9, v9;
	v45 =	vadd.f32 v10, v12  }
0x9b: {  	v12 =	vmin.f32 v57, v9;
	v10 =	vmul.f32 v11, v11;
	v9 =	vmin.f32 v17, v11;
	v17 =	vld [tilespmem:s31+$0x8060]  }
0x9c: {  	v25 =	vmax.f32 v25, v15;
	v47 =	vadd.f32 v0, v1;
	v1 =	vmul.f32 v61, v61;
	v0 =	vld [tilespmem:s31+$0x8070]  }
0x9d: {  	v50 =	vadd.f32 v10, v3;
	v10 =	vmax.f32 v7, v11;
	v11 =	vadd.f32 v11, v18;
	v18 =	vld [tilespmem:s31+$0x8020]  }
0x9e: {  	v26 =	vmin.f32 v26, v15;
	v49 =	vmax.f32 v2, v59;
	v2 =	vadd.f32 v1, v5;
	v5 =	vld [tilespmem:s31+$0x8000]  }
0x9f: {  	v43 =	vadd.f32 v15, v28;
	v15 =	vmin.f32 v4, v59;
	v24 =	vadd.f32 v39, v24  }
0xa0: {  	v7 =	vmax.f32 v8, v61;
	v8 =	vadd.f32 v61, v20;
	v3 =	vadd.f32 v38, v60  }
0xa1: {  	v23 =	vld [tilespmem:s31+$0x8030];
	v30 =	vmin.f32 v26, v31;
	v34 =	vadd.f32 v31, v43;
	v63 =	vmul.f32 v19, v19  }
0xa2: {  	v20 =	vld [tilespmem:s31+$0x8040];
	v37 =	vmul.f32 v17, v17;
	v4 =	vmax.f32 v32, v0;
	v1 =	vmin.f32 v21, v0  }
0xa3: {  	v21 =	vmul.f32 v0, v0;
	v36 =	vadd.f32 v18, v48;
	v32 =	vmax.f32 v40, v5  }
0xa4: {  	v28 =	vmul.f32 v5, v5;
	v33 =	vadd.f32 v5, v22;
	v22 =	vmul.f32 v31, v31  }
0xa5: {  	v27 =	vmin.f32 v41, v5;
	v5 =	vadd.f32 v21, v42;
	v21 =	vmul.f32 v18, v18  }
0xa6: {  	v35 =	vadd.f32 v28, v24;
	v28 =	vmax.f32 v25, v31;
	v26 =	vadd.f32 v22, v62  }
0xa7: {  	v22 =	vmul.f32 v23, v23;
	v24 =	vadd.f32 v21, v29;
	v21 =	vmul.f32 v20, v20  }
0xa8: {  	v29 =	vmax.f32 v44, v18;
	v31 =	vmin.f32 v46, v18;
	v18 =	vadd.f32 v63, v50  }
0xa9: {  	s20 =	simm.s32 $0x80;
	s19 =	simm.s32 $0x400;
	v25 =	vmax.f32 v49, v23;
	v22 =	vadd.f32 v22, v45;
	v21 =	vadd.f32 v21, v47  }
.LBB2_8:
0xaa: {  	p1 =	sne.s32 s19, $0x1FE00;
	v38 =	vld [tilespmem:s20+$0x8070];
	v15 =	vmin.f32 v15, v23;
	v16 =	vadd.f32 v23, v16;
	v2 =	vadd.f32 v37, v2  }
0xab: {  	v13 =	vmax.f32 v13, v20;
	v12 =	vmin.f32 v12, v20;
	v14 =	vadd.f32 v20, v14;
	v37 =	vld [tilespmem:s20+$0x8000]  }
0xac: {  	v10 =	vmax.f32 v10, v19;
	v9 =	vmin.f32 v9, v19;
	v11 =	vadd.f32 v19, v11;
	v39 =	vld [tilespmem:s20+$0x8010]  }
0xad: {  	v7 =	vmax.f32 v7, v17;
	v6 =	vmin.f32 v6, v17;
	v8 =	vadd.f32 v17, v8;
	v40 =	vld [tilespmem:s20+$0x8020]  }
0xae: {  	v3 =	vadd.f32 v0, v3;
	v23 =	vld [tilespmem:s20+$0x8030]  }
0xaf: {  	v20 =	vld [tilespmem:s20+$0x8040];
	v4 =	vmax.f32 v4, v38;
	v1 =	vmin.f32 v1, v38;
	v41 =	vmul.f32 v38, v38;
	v0 =	vmovc v38  }
0xb0: {  	v32 =	vmax.f32 v32, v37;
	v27 =	vmin.f32 v27, v37;
	v38 =	vmul.f32 v37, v37;
	v19 =	vld [tilespmem:s20+$0x8050]  }
0xb1: {  	v33 =	vadd.f32 v37, v33;
	v37 =	vmul.f32 v39, v39;
	v17 =	vld [tilespmem:s20+$0x8060];
	v5 =	vadd.f32 v41, v5  }
0xb2: {  	v28 =	vmax.f32 v28, v39;
	v35 =	vadd.f32 v38, v35;
	v38 =	vmul.f32 v40, v40  }
.Ltmp5:
0xb3: {  	v30 =	vmin.f32 v30, v39;
	v26 =	vadd.f32 v37, v26;
	v37 =	vmul.f32 v23, v23;
	(pc) =	sbr.rel @p1 .LBB2_8-.Ltmp5, $4  }
0xb4: {  	v34 =	vadd.f32 v39, v34;
	v24 =	vadd.f32 v38, v24;
	v38 =	vmul.f32 v20, v20  }
0xb5: {  	v29 =	vmax.f32 v29, v40;
	v22 =	vadd.f32 v37, v22;
	v39 =	vmul.f32 v19, v19  }
0xb6: {  	v31 =	vmin.f32 v31, v40;
	v21 =	vadd.f32 v38, v21;
	v37 =	vmul.f32 v17, v17  }
0xb7: {  	s20 =	sshra.s32 s19, $0x2;
	s19 =	sadd.s32 $0x200, s19;
	v36 =	vadd.f32 v40, v36;
	v25 =	vmax.f32 v25, v23;
	v18 =	vadd.f32 v39, v18  }
0xb8: {  	v38 =	vld [tilespmem:s20+$0x8070]  }
0xb9: {  	v39 =	vld [tilespmem:s20+$0x8000]  }
0xba: {  	v40 =	vld [tilespmem:s20+$0x8010]  }
0xbb: {  	v41 =	vld [tilespmem:s20+$0x8020]  }
0xbc: {  	v42 =	vld [tilespmem:s20+$0x8030]  }
0xbd: {  	v43 =	vld [tilespmem:s20+$0x8040]  }
0xbe: {  	v44 =	vld [tilespmem:s20+$0x8050];
	v32 =	vmax.f32 v32, v39  }
0xbf: {  	v46 =	vld [tilespmem:s20+$0x8060];
	v27 =	vmin.f32 v27, v39;
	[tilespmem:$0x10000] =	vst v32  }
0xc0: {  	v28 =	vmax.f32 v28, v40;
	[tilespmem:$0x10080] =	vst v27  }
0xc1: {  	v30 =	vmin.f32 v30, v40;
	[tilespmem:$0x10010] =	vst v28  }
0xc2: {  	v52 =	vmax.f32 v29, v41;
	[tilespmem:$0x10090] =	vst v30  }
0xc3: {  	v53 =	vmin.f32 v31, v41;
	[tilespmem:$0x10020] =	vst v52  }
0xc4: {  	v15 =	vmin.f32 v15, v23;
	v25 =	vmax.f32 v25, v42;
	[tilespmem:$0x100A0] =	vst v53  }
0xc5: {  	v13 =	vmax.f32 v13, v20;
	v15 =	vmin.f32 v15, v42;
	[tilespmem:$0x10030] =	vst v25  }
0xc6: {  	v12 =	vmin.f32 v12, v20;
	v13 =	vmax.f32 v13, v43;
	[tilespmem:$0x100B0] =	vst v15  }
0xc7: {  	v10 =	vmax.f32 v10, v19;
	v12 =	vmin.f32 v12, v43;
	[tilespmem:$0x10040] =	vst v13  }
0xc8: {  	v9 =	vmin.f32 v9, v19;
	v10 =	vmax.f32 v10, v44;
	[tilespmem:$0x100C0] =	vst v12  }
0xc9: {  	v7 =	vmax.f32 v7, v17;
	v9 =	vmin.f32 v9, v44;
	[tilespmem:$0x10050] =	vst v10  }
0xca: {  	v6 =	vmin.f32 v6, v17;
	v7 =	vmax.f32 v7, v46;
	[tilespmem:$0x100D0] =	vst v9  }
0xcb: {  	v6 =	vmin.f32 v6, v46;
	[tilespmem:$0x10060] =	vst v7  }
0xcc: {  	v61 =	vmax.f32 v4, v38;
	[tilespmem:$0x100E0] =	vst v6  }
0xcd: {  	v33 =	vadd.f32 v39, v33;
	v1 =	vmin.f32 v1, v38;
	[tilespmem:$0x10070] =	vst v61  }
0xce: {  	v16 =	vadd.f32 v23, v16;
	v50 =	vadd.f32 v40, v34;
	[tilespmem:$0x100F0] =	vst v1  }
0xcf: {  	v14 =	vadd.f32 v20, v14;
	v54 =	vadd.f32 v41, v36;
	[tilespmem:$0x10100] =	vst v33  }
0xd0: {  	v11 =	vadd.f32 v19, v11;
	v16 =	vadd.f32 v42, v16;
	[tilespmem:$0x10110] =	vst v50  }
0xd1: {  	v8 =	vadd.f32 v17, v8;
	v14 =	vadd.f32 v43, v14;
	[tilespmem:$0x10120] =	vst v54  }
0xd2: {  	v0 =	vadd.f32 v0, v3;
	v11 =	vadd.f32 v44, v11;
	[tilespmem:$0x10130] =	vst v16  }
0xd3: {  	v45 =	vmul.f32 v39, v39;
	v8 =	vadd.f32 v46, v8;
	[tilespmem:$0x10140] =	vst v14  }
0xd4: {  	v49 =	vmul.f32 v40, v40;
	v0 =	vadd.f32 v38, v0;
	[tilespmem:$0x10150] =	vst v11  }
0xd5: {  	v51 =	vmul.f32 v41, v41;
	v48 =	vadd.f32 v45, v35;
	[tilespmem:$0x10160] =	vst v8  }
0xd6: {  	v55 =	vmul.f32 v42, v42;
	v26 =	vadd.f32 v49, v26;
	[tilespmem:$0x10170] =	vst v0  }
0xd7: {  	v56 =	vmul.f32 v43, v43;
	v24 =	vadd.f32 v51, v24;
	[tilespmem:$0x10180] =	vst v48  }
0xd8: {  	v58 =	vmul.f32 v44, v44;
	v22 =	vadd.f32 v55, v22;
	[tilespmem:$0x10190] =	vst v26  }
0xd9: {  	v2 =	vadd.f32 v37, v2;
	v60 =	vmul.f32 v46, v46;
	v57 =	vadd.f32 v56, v21;
	[tilespmem:$0x101A0] =	vst v24  }
0xda: {  	v62 =	vmul.f32 v38, v38;
	v59 =	vadd.f32 v58, v18;
	[tilespmem:$0x101B0] =	vst v22  }
0xdb: {  	v2 =	vadd.f32 v60, v2;
	[tilespmem:$0x101C0] =	vst v57  }
0xdc: {  	v63 =	vadd.f32 v62, v5;
	[tilespmem:$0x101D0] =	vst v59  }
0xdd: {  	[tilespmem:$0x101E0] =	vst v2  }
0xde: {  	[tilespmem:$0x101F0] =	vst v63  }
0xdf: {  	[spmem:s7] =	stream.linear.scatter [tilespmem:s15], [sflag:$0x3], $0x200, $0x38;
	[tilespmem:$0x10C00] =	vst v63  }
.Ltmp6:
0xe0: {  	_ =	swait.ge [sflag:s16], $0x200;
	(pc) =	sbr.rel @p0 .LBB2_11-.Ltmp6, $3  }
0xe1: {  	[sflag:s16] =	ssyncset.done $0x0  }
0xe2: {  	[sflag:s16] =	ssyncadd.s32 $0xFFFFFE00  }
0xe3: {  	[bflag:$0x0] =	sbarrier.arrive $0xFFFF;
	_ =	sdelay $0x1  }
0xe4: {  	[tilespmem:s17], [sflag:$0x3] =	stream.linear.gather [spmem:s7], $0x800, $0x38;
	[tilespmem:$0x10C00] =	vst v63  }
0xe5: {  	_ =	swait.ge [sflag:s16], $0x800  }
0xe6: {  	[sflag:s16] =	ssyncset.done $0x0  }
0xe7: {  	[sflag:s16] =	ssyncadd.s32 $0xFFFFF800  }
0xe8: {  	v3 =	vld [tilespmem:$0x10200]  }
0xe9: {  	v24 =	vld [tilespmem:$0x10280]  }
0xea: {  	v0 =	vld [tilespmem:$0x10300]  }
0xeb: {  	v1 =	vld [tilespmem:$0x10380]  }
0xec: {  	v12 =	vld [tilespmem:$0x10400]  }
0xed: {  	v25 =	vld [tilespmem:$0x10480]  }
0xee: {  	v2 =	vld [tilespmem:$0x10500]  }
0xef: {  	v4 =	vld [tilespmem:$0x10580]  }
0xf0: {  	v22 =	vld [tilespmem:$0x10600]  }
0xf1: {  	v19 =	vld [tilespmem:$0x10680]  }
0xf2: {  	v5 =	vld [tilespmem:$0x10700]  }
0xf3: {  	v7 =	vld [tilespmem:$0x10780]  }
0xf4: {  	v10 =	vld [tilespmem:$0x10800]  }
0xf5: {  	v9 =	vld [tilespmem:$0x10880]  }
0xf6: {  	v13 =	vld [tilespmem:$0x10900]  }
0xf7: {  	v17 =	vld [tilespmem:$0x10980]  }
0xf8: {  	v6 =	vld [tilespmem:$0x10210]  }
0xf9: {  	v11 =	vld [tilespmem:$0x10290]  }
0xfa: {  	v18 =	vld [tilespmem:$0x10310]  }
0xfb: {  	v20 =	vld [tilespmem:$0x10390]  }
0xfc: {  	v15 =	vld [tilespmem:$0x10410]  }
0xfd: {  	v16 =	vld [tilespmem:$0x10490]  }
0xfe: {  	v21 =	vld [tilespmem:$0x10510]  }
0xff: {  	v37 =	vld [tilespmem:$0x10590]  }
0x100: {  	v14 =	vld [tilespmem:$0x10610]  }
0x101: {  	v8 =	vld [tilespmem:$0x10690]  }
0x102: {  	v23 =	vld [tilespmem:$0x10710]  }
0x103: {  	v26 =	vld [tilespmem:$0x10790]  }
0x104: {  	v27 =	vld [tilespmem:$0x10910];
	v0 =	vadd.f32 v2, v0  }
0x105: {  	v39 =	vld [tilespmem:$0x10990]  }
0x106: {  	v41 =	vld [tilespmem:$0x10320];
	v0 =	vadd.f32 v5, v0  }
0x107: {  	v42 =	vld [tilespmem:$0x103A0]  }
0x108: {  	v44 =	vld [tilespmem:$0x10520];
	v1 =	vadd.f32 v4, v1;
	v0 =	vadd.f32 v13, v0  }
0x109: {  	v30 =	vld [tilespmem:$0x10720]  }
0x10a: {  	v46 =	vld [tilespmem:$0x105A0];
	v38 =	vadd.f32 v21, v18;
	v4 =	vadd.f32 v7, v1;
	v1 =	vmul.f32 $2.441406250e-04, v0  }
0x10b: {  	v32 =	vld [tilespmem:$0x10920]  }
0x10c: {  	v33 =	vld [tilespmem:$0x107A0];
	v18 =	vadd.f32 v23, v38;
	v4 =	vadd.f32 v17, v4;
	v0 =	vmul.f32 v1, v0  }
0x10d: {  	v35 =	vld [tilespmem:$0x106A0];
	v2 =	vadd.f32 v37, v20  }
0x10e: {  	v50 =	vld [tilespmem:$0x109A0];
	v40 =	vadd.f32 v27, v18;
	v0 =	vsub.f32 v4, v0  }
0x10f: {  	v53 =	vld [tilespmem:$0x10530]  }
0x110: {  	v54 =	vld [tilespmem:$0x10730];
	v2 =	vadd.f32 v26, v2;
	v43 =	vmul.f32 $2.442002590e-04, v0;
	v0 =	vmul.f32 $2.441406250e-04, v40  }
0x111: {  	v57 =	vld [tilespmem:$0x107B0]  }
0x112: {  	v60 =	vld [tilespmem:$0x109B0];
	v2 =	vadd.f32 v39, v2;
	v45 =	vmul.f32 v0, v40  }
0x113: {  	v20 =	vld [tilespmem:$0x104A0];
	v21 =	vadd.f32 v44, v41;
	v61 =	vmax.f32 v3, v12;
	v27 =	vmax.f32 v43, $0.0e+00  }
0x114: {  	v37 =	vld [tilespmem:$0x10820];
	v28 =	vshra.s32 v27, $0x1;
	v29 =	vmul.f32 $5.000000000e-01, v27;
	v2 =	vsub.f32 v2, v45  }
0x115: {  	v41 =	vld [tilespmem:$0x105B0];
	v22 =	vmax.f32 v61, v22;
	v47 =	vadd.f32 v30, v21;
	v28 =	vsub.s32 $0x5F3759DF, v28  }
0x116: {  	v61 =	vld [tilespmem:$0x10750];
	v17 =	vadd.f32 v46, v42;
	v31 =	vmul.f32 v28, v29;
	v2 =	vmul.f32 $2.442002590e-04, v2  }
0x117: {  	v5 =	vld [tilespmem:$0x10890];
	v51 =	vadd.f32 v32, v47  }
0x118: {  	v7 =	vld [tilespmem:$0x10220];
	v33 =	vadd.f32 v33, v17;
	v31 =	vmul.f32 v28, v31;
	v34 =	vmax.f32 v2, $0.0e+00  }
0x119: {  	v39 =	vld [tilespmem:$0x10330];
	v2 =	vmul.f32 $2.441406250e-04, v51;
	v49 =	vshra.s32 v34, $0x1;
	v36 =	vmul.f32 $5.000000000e-01, v34  }
0x11a: {  	v26 =	vld [tilespmem:$0x10620];
	v48 =	vsub.f32 $1.500000000e+00, v31;
	v30 =	vsub.s32 $0x5F3759DF, v49  }
0x11b: {  	v13 =	vld [tilespmem:$0x10810];
	v31 =	vadd.f32 v50, v33;
	v23 =	vmul.f32 v2, v51;
	v52 =	vmul.f32 v30, v36  }
0x11c: {  	v21 =	vld [tilespmem:$0x108A0]  }
0x11d: {  	v15 =	vmax.f32 v6, v15;
	v40 =	vld [tilespmem:$0x103B0];
	v23 =	vsub.f32 v31, v23;
	v32 =	vmul.f32 v30, v52  }
0x11e: {  	v14 =	vmax.f32 v15, v14;
	v42 =	vld [tilespmem:$0x10930];
	v33 =	vadd.f32 v53, v39  }
0x11f: {  	v18 =	vld [tilespmem:$0x10420];
	v28 =	vmul.f32 v28, v48;
	v55 =	vmul.f32 $2.442002590e-04, v23;
	v32 =	vsub.f32 $1.500000000e+00, v32  }
0x120: {  	v17 =	vld [tilespmem:$0x10230];
	v14 =	vmax.f32 v14, v13;
	v31 =	vadd.f32 v54, v33  }
0x121: {  	v13 =	vld [tilespmem:$0x105D0];
	v38 =	vmul.f32 v28, v29;
	v30 =	vmul.f32 v30, v32;
	v32 =	vmax.f32 v55, $0.0e+00  }
0x122: {  	v4 =	vld [tilespmem:$0x102A0];
	v40 =	vadd.f32 v41, v40;
	v43 =	vshra.s32 v32, $0x1;
	v44 =	vmul.f32 $5.000000000e-01, v32  }
0x123: {  	v45 =	vld [tilespmem:$0x10430];
	v31 =	vadd.f32 v42, v31;
	v38 =	vmul.f32 v38, v28;
	v59 =	vsub.s32 $0x5F3759DF, v43  }
0x124: {  	v24 =	vmin.f32 v24, v25;
	v11 =	vmin.f32 v11, v16;
	v41 =	vld [tilespmem:$0x104B0];
	v46 =	vmul.f32 v59, v44  }
0x125: {  	v39 =	vadd.f32 v57, v40;
	v40 =	vld [tilespmem:$0x10340];
	v3 =	vmul.f32 $2.441406250e-04, v31;
	v38 =	vsub.f32 $1.500000000e+00, v38  }
0x126: {  	v19 =	vmin.f32 v24, v19;
	v51 =	vld [tilespmem:$0x10740];
	v56 =	vmul.f32 v30, v36;
	v46 =	vmul.f32 v59, v46  }
0x127: {  	v39 =	vadd.f32 v60, v39;
	v48 =	vld [tilespmem:$0x10540];
	v31 =	vmul.f32 v3, v31;
	v28 =	vmul.f32 v38, v28  }
0x128: {  	v8 =	vmin.f32 v11, v8;
	v23 =	vld [tilespmem:$0x102B0];
	v58 =	vmul.f32 v56, v30;
	v47 =	vsub.f32 $1.500000000e+00, v46  }
0x129: {  	v10 =	vmax.f32 v22, v10;
	v42 =	vld [tilespmem:$0x10960];
	v31 =	vsub.f32 v39, v31;
	v29 =	vmul.f32 v28, v29  }
0x12a: {  	v9 =	vmin.f32 v19, v9;
	v38 =	vld [tilespmem:$0x10940];
	v33 =	vsub.f32 $1.500000000e+00, v58;
	v50 =	vmul.f32 v59, v47  }
0x12b: {  	v7 =	vmax.f32 v7, v18;
	v43 =	vld [tilespmem:$0x109E0];
	v31 =	vmul.f32 $2.442002590e-04, v31;
	v29 =	vmul.f32 v29, v28  }
0x12c: {  	v7 =	vmax.f32 v7, v26;
	v39 =	vld [tilespmem:$0x103D0];
	v63 =	vmul.f32 v33, v30;
	v54 =	vmul.f32 v50, v44  }
0x12d: {  	v15 =	vmin.f32 v8, v5;
	v18 =	vmax.f32 v7, v37;
	v58 =	vld [tilespmem:$0x10550];
	v62 =	vsub.f32 $1.500000000e+00, v29  }
0x12e: {  	v6 =	vmax.f32 v31, $0.0e+00;
	v30 =	vld [tilespmem:$0x103C0];
	v49 =	vmul.f32 v63, v36;
	v19 =	vmul.f32 v54, v50  }
0x12f: {  	v56 =	vshra.s32 v6, $0x1;
	v31 =	vmul.f32 $5.000000000e-01, v6;
	v25 =	vmul.f32 v62, v28;
	v36 =	vld [tilespmem:$0x105C0]  }
0x130: {  	v57 =	vsub.s32 $0x5F3759DF, v56;
	v28 =	vld [tilespmem:$0x107C0];
	v53 =	vmul.f32 v49, v63;
	v19 =	vsub.f32 $1.500000000e+00, v19  }
0x131: {  	vm0 =	vgt.f32 v27, $0.0e+00;
	v59 =	vmul.f32 v57, v31;
	v52 =	vmul.f32 v25, v27;
	v25 =	vld [tilespmem:$0x10350]  }
0x132: {  	v4 =	vmin.f32 v4, v20;
	v27 =	vld [tilespmem:$0x109C0];
	v55 =	vsub.f32 $1.500000000e+00, v53;
	v19 =	vmul.f32 v19, v50  }
0x133: {  	vm9 =	vgt.f32 v34, $0.0e+00;
	v13 =	vadd.f32 v13, v39;
	v62 =	vmul.f32 v57, v59;
	v59 =	vld [tilespmem:$0x105E0]  }
0x134: {  	v16 =	vnsel vm0, $0x0, v52;
	v52 =	vld [tilespmem:$0x10360];
	v29 =	vmul.f32 v55, v63;
	v47 =	vmul.f32 v19, v44  }
0x135: {  	v45 =	vmax.f32 v17, v45;
	v49 =	vsub.f32 $1.500000000e+00, v62;
	v63 =	vadd.f32 v48, v40;
	v48 =	vld [tilespmem:$0x10950]  }
0x136: {  	v40 =	vld [tilespmem:$0x107D0];
	v25 =	vadd.f32 v58, v25;
	v60 =	vmul.f32 v29, v34;
	v5 =	vmul.f32 v47, v19  }
0x137: {  	v54 =	vadd.f32 v36, v30;
	v53 =	vmul.f32 v57, v49;
	v55 =	vld [tilespmem:$0x103E0];
	v50 =	vadd.f32 v51, v63  }
0x138: {  	v57 =	vld [tilespmem:$0x10560];
	v11 =	vnsel vm9, $0x0, v60;
	v60 =	vadd.f32 v61, v25;
	v5 =	vsub.f32 $1.500000000e+00, v5  }
0x139: {  	v56 =	vmin.f32 v4, v35;
	v51 =	vld [tilespmem:$0x109D0];
	v58 =	vmul.f32 v53, v31;
	v22 =	vadd.f32 v38, v50  }
0x13a: {  	v28 =	vadd.f32 v28, v54;
	v63 =	vld [tilespmem:$0x107E0];
	v7 =	vadd.f32 v48, v60;
	v5 =	vmul.f32 v5, v19  }
0x13b: {  	v61 =	vld [tilespmem:$0x10760];
	v62 =	vmul.f32 v58, v53;
	v13 =	vadd.f32 v40, v13;
	v4 =	vmul.f32 $2.441406250e-04, v22  }
0x13c: {  	v44 =	vld [tilespmem:$0x10370];
	v19 =	vmin.f32 v56, v21;
	v21 =	vmul.f32 v5, v32;
	v5 =	vmul.f32 $2.441406250e-04, v7  }
0x13d: {  	v27 =	vadd.f32 v27, v28;
	v47 =	vld [tilespmem:$0x10570];
	v20 =	vadd.f32 v57, v52;
	v22 =	vmul.f32 v4, v22  }
0x13e: {  	v50 =	vld [tilespmem:$0x10770];
	v25 =	vsub.f32 $1.500000000e+00, v62;
	v13 =	vadd.f32 v51, v13;
	v7 =	vmul.f32 v5, v7  }
0x13f: {  	vm10 =	vgt.f32 v32, $0.0e+00;
	v23 =	vmin.f32 v23, v41;
	v48 =	vld [tilespmem:$0x103F0];
	v22 =	vsub.f32 v27, v22  }
0x140: {  	v25 =	vmul.f32 v25, v53;
	v53 =	vld [tilespmem:$0x105F0];
	v52 =	vadd.f32 v61, v20;
	v7 =	vsub.f32 v13, v7  }
0x141: {  	vm11 =	vgt.f32 v6, $0.0e+00;
	v30 =	vadd.f32 v59, v55;
	v55 =	vld [tilespmem:$0x10970];
	v46 =	vmul.f32 $2.442002590e-04, v22  }
0x142: {  	v58 =	vld [tilespmem:$0x107F0];
	v8 =	vadd.f32 v42, v52;
	v22 =	vadd.f32 v47, v44;
	v7 =	vmul.f32 $2.442002590e-04, v7  }
0x143: {  	v12 =	vld [tilespmem:$0x10630];
	v28 =	vadd.f32 v63, v30;
	v49 =	vmul.f32 v25, v31;
	v17 =	vmax.f32 v46, $0.0e+00  }
0x144: {  	[tilespmem:$0x10100] =	vst v1;
	v1 =	vld [tilespmem:$0x10450];
	v22 =	vadd.f32 v50, v22;
	v13 =	vmax.f32 v7, $0.0e+00;
	v7 =	vmul.f32 $2.441406250e-04, v8  }
0x145: {  	v62 =	vld [tilespmem:$0x109F0];
	v27 =	vadd.f32 v43, v28;
	v20 =	vadd.f32 v53, v48;
	v51 =	vshra.s32 v17, $0x1  }
0x146: {  	v26 =	vld [tilespmem:$0x10240];
	v34 =	vmul.f32 $5.000000000e-01, v17;
	v22 =	vadd.f32 v55, v22;
	v8 =	vmul.f32 v7, v8  }
0x147: {  	v39 =	vld [tilespmem:$0x102C0];
	v20 =	vadd.f32 v58, v20;
	v54 =	vsub.s32 $0x5F3759DF, v51;
	v61 =	vshra.s32 v13, $0x1  }
0x148: {  	v59 =	vld [tilespmem:$0x10830];
	v35 =	vmul.f32 $5.000000000e-01, v13;
	v27 =	vsub.f32 v27, v8;
	v8 =	vmul.f32 $2.441406250e-04, v22  }
0x149: {  	[tilespmem:$0x10180] =	vst v16;
	v16 =	vld [tilespmem:$0x104D0];
	v29 =	vmul.f32 v49, v25;
	v57 =	vmul.f32 v54, v34;
	v32 =	vsub.s32 $0x5F3759DF, v61  }
0x14a: {  	v38 =	vld [tilespmem:$0x10270];
	v20 =	vadd.f32 v62, v20;
	v49 =	vmul.f32 v32, v35;
	v22 =	vmul.f32 v8, v22  }
0x14b: {  	v40 =	vld [tilespmem:$0x106C0];
	v47 =	vmax.f32 v45, v12;
	v50 =	vsub.f32 $1.500000000e+00, v29;
	v60 =	vmul.f32 v54, v57  }
0x14c: {  	[tilespmem:$0x10190] =	vst v11;
	v11 =	vld [tilespmem:$0x108D0];
	v52 =	vmul.f32 v32, v49;
	v27 =	vmul.f32 $2.442002590e-04, v27;
	v20 =	vsub.f32 v20, v22  }
0x14d: {  	[tilespmem:$0x10000] =	vst v10;
	v63 =	vld [tilespmem:$0x108B0];
	v10 =	vmax.f32 v47, v59;
	v25 =	vmul.f32 v50, v25;
	v31 =	vsub.f32 $1.500000000e+00, v60  }
0x14e: {  	v56 =	vld [tilespmem:$0x106B0];
	v41 =	vsub.f32 $1.500000000e+00, v52;
	v12 =	vmax.f32 v27, $0.0e+00;
	v20 =	vmul.f32 $2.442002590e-04, v20  }
0x14f: {  	v43 =	vld [tilespmem:$0x108C0];
	v24 =	vmul.f32 v54, v31;
	v54 =	vshra.s32 v12, $0x1;
	v42 =	vmul.f32 $5.000000000e-01, v12  }
0x150: {  	v28 =	vld [tilespmem:$0x10250];
	v32 =	vmul.f32 v32, v41;
	v36 =	vsub.s32 $0x5F3759DF, v54;
	v20 =	vmax.f32 v20, $0.0e+00  }
0x151: {  	v48 =	vld [tilespmem:$0x10440];
	v55 =	vmul.f32 v36, v42;
	v57 =	vshra.s32 v20, $0x1;
	v41 =	vmul.f32 $5.000000000e-01, v20  }
0x152: {  	[tilespmem:$0x10010] =	vst v14;
	v29 =	vld [tilespmem:$0x10640];
	v14 =	vmul.f32 v25, v6;
	v51 =	vmul.f32 v24, v34;
	v37 =	vsub.s32 $0x5F3759DF, v57  }
0x153: {  	v23 =	vmin.f32 v23, v56;
	v25 =	vld [tilespmem:$0x10650];
	v30 =	vmul.f32 v36, v55;
	v59 =	vmul.f32 v37, v41  }
0x154: {  	[tilespmem:$0x10080] =	vst v9;
	vm12 =	vgt.f32 v17, $0.0e+00;
	v60 =	vmin.f32 v23, v63;
	v31 =	vld [tilespmem:$0x104C0];
	v53 =	vmul.f32 v51, v24  }
0x155: {  	v1 =	vmax.f32 v28, v1;
	[tilespmem:$0x100B0] =	vst v60;
	v60 =	vld [tilespmem:$0x106E0];
	v30 =	vsub.f32 $1.500000000e+00, v30;
	v44 =	vmul.f32 v37, v59  }
0x156: {  	[tilespmem:$0x10090] =	vst v15;
	v62 =	vnsel vm10, $0x0, v21;
	v22 =	vld [tilespmem:$0x10840];
	v56 =	vsub.f32 $1.500000000e+00, v53;
	v58 =	vmul.f32 v32, v35  }
0x157: {  	[tilespmem:$0x10020] =	vst v18;
	v47 =	vmax.f32 v26, v48;
	v27 =	vld [tilespmem:$0x102D0];
	v63 =	vmul.f32 v36, v30;
	v49 =	vsub.f32 $1.500000000e+00, v44  }
0x158: {  	[tilespmem:$0x10110] =	vst v0;
	v51 =	vmax.f32 v47, v29;
	v47 =	vld [tilespmem:$0x10470];
	v9 =	vmul.f32 v56, v24;
	v24 =	vmul.f32 v58, v32  }
0x159: {  	[tilespmem:$0x10120] =	vst v2;
	v50 =	vmin.f32 v39, v31;
	v31 =	vld [tilespmem:$0x102E0];
	v48 =	vmul.f32 v63, v42;
	v52 =	vmul.f32 v37, v49  }
0x15a: {  	[tilespmem:$0x10130] =	vst v3;
	vm13 =	vgt.f32 v13, $0.0e+00;
	v53 =	vld [tilespmem:$0x10460];
	v54 =	vmin.f32 v50, v40;
	v61 =	vmul.f32 v9, v34  }
0x15b: {  	[tilespmem:$0x10140] =	vst v4;
	v56 =	vld [tilespmem:$0x104E0];
	v46 =	vsub.f32 $1.500000000e+00, v24;
	v26 =	vmul.f32 v48, v63;
	v59 =	vmul.f32 v52, v41  }
0x15c: {  	[tilespmem:$0x100A0] =	vst v19;
	v39 =	vmax.f32 v1, v25;
	v0 =	vmin.f32 v54, v43;
	v34 =	vld [tilespmem:$0x106D0];
	v45 =	vmul.f32 v61, v9  }
0x15d: {  	[tilespmem:$0x10150] =	vst v5;
	v50 =	vld [tilespmem:$0x10670];
	v23 =	vmul.f32 v46, v32;
	v58 =	vsub.f32 $1.500000000e+00, v26;
	v32 =	vmul.f32 v59, v52  }
0x15e: {  	[tilespmem:$0x10030] =	vst v10;
	v2 =	vmax.f32 v51, v22;
	v24 =	vld [tilespmem:$0x10260];
	v61 =	vnsel vm11, $0x0, v14;
	v6 =	vsub.f32 $1.500000000e+00, v45  }
0x15f: {  	[tilespmem:$0x101A0] =	vst v62;
	v30 =	vld [tilespmem:$0x10850];
	v36 =	vmin.f32 v27, v16;
	v62 =	vmul.f32 v58, v63;
	v22 =	vsub.f32 $1.500000000e+00, v32  }
0x160: {  	[tilespmem:$0x10160] =	vst v7;
	v43 =	vld [tilespmem:$0x102F0];
	v51 =	vmin.f32 v31, v56;
	v55 =	vmul.f32 v23, v35;
	v6 =	vmul.f32 v6, v9  }
0x161: {  	[tilespmem:$0x10170] =	vst v8;
	v35 =	vld [tilespmem:$0x108E0];
	v40 =	vmin.f32 v36, v34;
	v37 =	vmul.f32 v62, v42;
	v46 =	vmul.f32 v22, v52  }
0x162: {  	v54 =	vld [tilespmem:$0x10870];
	[tilespmem:$0x100C0] =	vst v0;
	v1 =	vmin.f32 v40, v11;
	v9 =	vmul.f32 v55, v23;
	v6 =	vmul.f32 v6, v17  }
0x163: {  	v57 =	vld [tilespmem:$0x10660];
	[tilespmem:$0x10040] =	vst v2;
	v49 =	vmax.f32 v24, v53;
	v45 =	vmul.f32 v37, v62;
	v22 =	vmul.f32 v46, v41  }
0x164: {  	[tilespmem:$0x100D0] =	vst v1;
	v1 =	vmin.f32 v51, v60;
	v0 =	vmax.f32 v39, v30;
	v33 =	vsub.f32 $1.500000000e+00, v9;
	v63 =	vld [tilespmem:$0x10860]  }
0x165: {  	[tilespmem:$0x101B0] =	vst v61;
	v48 =	vld [tilespmem:$0x104F0];
	v44 =	vnsel vm12, $0x0, v6;
	v6 =	vsub.f32 $1.500000000e+00, v45;
	v55 =	vmul.f32 v22, v46  }
0x166: {  	[tilespmem:$0x10050] =	vst v0;
	v1 =	vmin.f32 v1, v35;
	v59 =	vmax.f32 v38, v47;
	v42 =	vmul.f32 v33, v23;
	v52 =	vld [tilespmem:$0x106F0]  }
0x167: {  	v56 =	vld [tilespmem:$0x108F0];
	[tilespmem:$0x100E0] =	vst v1;
	v1 =	vmax.f32 v59, v50;
	v53 =	vmul.f32 v6, v62;
	v58 =	vsub.f32 $1.500000000e+00, v55  }
0x168: {  	v0 =	vmax.f32 v49, v57;
	[tilespmem:$0x101C0] =	vst v44;
	v1 =	vmax.f32 v1, v54;
	v2 =	vmul.f32 v42, v13  }
0x169: {  	[tilespmem:$0x10070] =	vst v1;
	v0 =	vmax.f32 v0, v63;
	v57 =	vmul.f32 v53, v12;
	v60 =	vmul.f32 v58, v46  }
0x16a: {  	vm14 =	vgt.f32 v12, $0.0e+00;
	v3 =	vmin.f32 v43, v48;
	v2 =	vnsel vm13, $0x0, v2;
	[tilespmem:$0x10060] =	vst v0  }
0x16b: {  	[tilespmem:$0x101D0] =	vst v2;
	v61 =	vmin.f32 v3, v52;
	v0 =	vnsel vm14, $0x0, v57;
	v62 =	vmul.f32 v60, v20  }
0x16c: {  	vm15 =	vgt.f32 v20, $0.0e+00;
	[tilespmem:$0x101E0] =	vst v0;
	v0 =	vmin.f32 v61, v56  }
0x16d: {  	[tilespmem:$0x100F0] =	vst v0;
	v63 =	vnsel vm15, $0x0, v62  }
.Ltmp7:
0x16e: {  	[tilespmem:$0x101F0] =	vst v63;
	(pc) =	sbr.rel .LBB2_11-.Ltmp7, $4  }
0x16f: {  	[hbm4b:s8+s2] =	stream.linear.scatter [tilespmem:s15], [sflag:$0x3], $0x200, $0x38;
	[tilespmem:$0x10C00] =	vst v63  }
0x170: {  	_ =	swait.ge [sflag:s16], $0x200  }
0x171: {  	[sflag:s16] =	ssyncset.done $0x0  }
0x172: {  	[sflag:s16] =	ssyncadd.s32 $0xFFFFFE00  }
.LBB2_12:
0x173: {  	_ =	sfence.sel $0x180000  }
0x174: {  	[bflag:$0x0] =	sbarrier.arrive $0xFFFF  }
0x175: {  	p0 =	sne.s32 s1, $0x0;
	_ =	strace $0x90000047  }
0x176: {  	s0 =	sadd.s32 @!p0 $0x100000, s0;
	[bflag:$0x2] =	sbarrier.arrive $0xFFFF  }
0x177: {  	[sflag:s0] =	ssyncadd.tile.s32 @!p0 $0x1;
	_ =	shalt  }
.Lfunc_end2:
_tile_overlayer_lowered:
.L_overlay_start_2:
0x178: {  	(tag) =	ssettag $0x2  }
0x179: {  	s0 =	rddreg [dreg:$0x0];
	s2 =	stileid.u32  }
0x17a: {  	s1 =	rddreg [dreg:$0x1];
	p0 =	sne.s32 s2, $0x0  }
0x17b: {  	s3 =	rddreg [dreg:$0x2];
	[bflag:$0x3] =	sbarrier.arrive $0xFFFF;
	s2 =	simm.s32 @!p0 $0x1C03  }
0x17c: {  	[timem:s3], [sflag:s2] =	dma.local @!p0 [hbm:s0], s1  }
0x17d: {  	s0 =	simm.s32 @!p0 $0x3  }
0x17e: {  	_ =	swait.ge @!p0 [sflag:s0], s1  }
0x17f: {  	s1 =	ssub.s32 @!p0 $0x0, s1;
	[sflag:s0] =	ssyncset.done @!p0 $0x0  }
0x180: {  	[sflag:s0] =	ssyncadd.s32 @!p0 s1  }
0x181: {  	[bflag:$0x3] =	sbarrier.arrive $0xFFFF  }
0x182: {  	_ =	shalt  }

</sc_bundles>
